<compile_context>
chip_gen: v7x
topology: tpu7x:2x2x1
jax: 0.10.2.dev20260603
libtpu: 0.0.44.dev20260713+nightly
codegen_flags: <defaults>
</compile_context>

<pallas_src>
import functools
import math

import jax
import jax.numpy as jnp
from jax import lax
from jax.experimental import pallas as pl
from jax.experimental.pallas import tpu as pltpu
from jax.experimental.pallas import tpu_sc as plsc

F32 = jnp.float32
BF16 = jnp.bfloat16
I32 = jnp.int32
LN_EPS = 1e-5


def _dot(a, b, ca, cb):
    return lax.dot_general(a, b, ((ca, cb), ((), ())),
                           preferred_element_type=F32)


def _dotb(a, b, ca, cb):
    return lax.dot_general(a.astype(BF16), b.astype(BF16),
                           ((ca, cb), ((), ())), preferred_element_type=F32)



def _attn_ln_body(img_ref, wp_ref, bp_ref, feat_ref, gf_ref, bf_ref, gp_ref,
                  bpl_ref, w1_ref, w1p_ref, lnf_ref, lnp_ref, xw1_ref,
                  pos_scr):
    i = pl.program_id(0)

    @pl.when(i == 0)
    def _():
        pos_scr[...] = _dot(img_ref[...], wp_ref[...], (1,), (0,)) + bp_ref[...]

    br = feat_ref.shape[0]
    pos_all = pos_scr[...]
    pos_blk = pos_scr[pl.ds(i * br, br), :]
    s = _dot(pos_blk, pos_all, (1,), (1,)) * (1.0 / math.sqrt(12.0))
    m = jnp.max(s, axis=1, keepdims=True)
    p = jnp.exp(s - m)
    den = jnp.sum(p, axis=1, keepdims=True)
    attn = _dot(p, pos_all, (1,), (0,)) / den
    mu = jnp.sum(attn, axis=1, keepdims=True) / 12.0
    lane = lax.broadcasted_iota(I32, (br, 128), 1)
    xc = jnp.where(lane < 12, attn - mu, 0.0)
    var = jnp.sum(xc * xc, axis=1, keepdims=True) / 12.0
    lnp = xc / jnp.sqrt(var + LN_EPS) * gp_ref[...] + bpl_ref[...]
    f = feat_ref[...]
    muf = jnp.sum(f, axis=1, keepdims=True) / 500.0
    lane2 = lax.broadcasted_iota(I32, (br, 512), 1)
    xcf = jnp.where(lane2 < 500, f - muf, 0.0)
    varf = jnp.sum(xcf * xcf, axis=1, keepdims=True) / 500.0
    lnf = xcf / jnp.sqrt(varf + LN_EPS) * gf_ref[...] + bf_ref[...]
    lnf_ref[...] = lnf
    lnp_ref[...] = lnp
    xw1_ref[...] = (_dot(lnf, w1_ref[...], (1,), (0,))
                    + _dot(lnp, w1p_ref[...], (1,), (0,)))


def _attn_ln(img_p, wp_p, bp_p, feat_p, gf_p, bf_p, gp_p, bpl, w1, w1p, nhid):
    n = img_p.shape[0]
    return pl.pallas_call(
        _attn_ln_body,
        grid=(n // 256,),
        in_specs=[
            pl.BlockSpec((n, 128), lambda i: (0, 0)),
            pl.BlockSpec((128, 128), lambda i: (0, 0)),
            pl.BlockSpec((1, 128), lambda i: (0, 0)),
            pl.BlockSpec((256, 512), lambda i: (i, 0)),
            pl.BlockSpec((1, 512), lambda i: (0, 0)),
            pl.BlockSpec((1, 512), lambda i: (0, 0)),
            pl.BlockSpec((1, 128), lambda i: (0, 0)),
            pl.BlockSpec((1, 128), lambda i: (0, 0)),
            pl.BlockSpec((512, nhid), lambda i: (0, 0)),
            pl.BlockSpec((128, nhid), lambda i: (0, 0)),
        ],
        out_specs=[
            pl.BlockSpec((256, 512), lambda i: (i, 0)),
            pl.BlockSpec((256, 128), lambda i: (i, 0)),
            pl.BlockSpec((256, nhid), lambda i: (i, 0)),
        ],
        out_shape=[
            jax.ShapeDtypeStruct((n, 512), F32),
            jax.ShapeDtypeStruct((n, 128), F32),
            jax.ShapeDtypeStruct((n, nhid), F32),
        ],
        scratch_shapes=[pltpu.VMEM((n, 128), F32)],
    )(img_p, wp_p, bp_p, feat_p, gf_p, bf_p, gp_p, bpl, w1, w1p)



def _dist_body(fi_ref, fj_ref, d_ref, cm_ref):
    i = pl.program_id(1)
    fi = fi_ref[...]
    fj = fj_ref[...]
    sqi = jnp.sum(fi * fi, axis=1, keepdims=True)
    sqj = _dot(jnp.ones((1, 512), F32), fj * fj, (1,), (1,))
    d = sqi + sqj - 2.0 * _dotb(fi, fj, (1,), (1,))
    d_ref[...] = d.astype(BF16)
    cm = jnp.max(d, axis=0, keepdims=True)

    @pl.when(i == 0)
    def _():
        cm_ref[...] = cm

    @pl.when(i > 0)
    def _():
        cm_ref[...] = jnp.maximum(cm_ref[...], cm)


def _dist_max(feat, bi, bj):
    n = feat.shape[0]
    return pl.pallas_call(
        _dist_body,
        grid=(n // bj, n // bi),
        in_specs=[
            pl.BlockSpec((bi, 512), lambda j, i: (i, 0)),
            pl.BlockSpec((bj, 512), lambda j, i: (j, 0)),
        ],
        out_specs=[
            pl.BlockSpec((bi, bj), lambda j, i: (i, j)),
            pl.BlockSpec((1, bj), lambda j, i: (0, j)),
        ],
        out_shape=[
            jax.ShapeDtypeStruct((n, n), BF16),
            jax.ShapeDtypeStruct((1, n), F32),
        ],
    )(feat, feat)



def _mask1_body(d_ref, t_ref, mask_ref, dinv_ref):
    j = pl.program_id(1)
    i = pl.program_id(0)
    nj = pl.num_programs(1)
    bi, bj = d_ref.shape
    t = 0.5 * jnp.max(t_ref[...])
    gi = lax.broadcasted_iota(I32, (bi, bj), 0) + i * bi
    gj = lax.broadcasted_iota(I32, (bi, bj), 1) + j * bj
    cond = (d_ref[...].astype(F32) < t) & (gj < gi)
    m = jnp.where(cond, 1.0, 0.0).astype(BF16)
    mask_ref[...] = m
    degp = _dot(m, jnp.ones((bj, 128), BF16), (1,), (0,))[:, :1]

    @pl.when(j == 0)
    def _():
        dinv_ref[...] = 1.0 + degp

    @pl.when(j > 0)
    def _():
        dinv_ref[...] += degp

    @pl.when(j == nj - 1)
    def _():
        dinv_ref[...] = 1.0 / jnp.sqrt(dinv_ref[...])


def _mask1_deg(d_bf, t, bi, bj):
    n = d_bf.shape[0]
    return pl.pallas_call(
        _mask1_body,
        grid=(n // bi, n // bj),
        in_specs=[
            pl.BlockSpec((bi, bj), lambda i, j: (i, j)),
            pl.BlockSpec((1, t.shape[1]), lambda i, j: (0, 0)),
        ],
        out_specs=[
            pl.BlockSpec((bi, bj), lambda i, j: (i, j)),
            pl.BlockSpec((bi, 1), lambda i, j: (i, 0)),
        ],
        out_shape=[
            jax.ShapeDtypeStruct((n, n), BF16),
            jax.ShapeDtypeStruct((n, 1), F32),
        ],
    )(d_bf, t)


def _mask23_body(fi_ref, fj_ref, qc_ref, qr_ref, t_ref, mask_ref, dinv_ref):
    j = pl.program_id(1)
    nj = pl.num_programs(1)
    bi = fi_ref.shape[0]
    bj = fj_ref.shape[0]
    fi = fi_ref[...]
    fj = fj_ref[...]
    sqi = jnp.sum(fi * fi, axis=1, keepdims=True)
    sqj = _dot(jnp.ones((1, 512), F32), fj * fj, (1,), (1,))
    d = sqi + sqj - 2.0 * _dotb(fi, fj, (1,), (1,))
    t = 0.5 * jnp.max(t_ref[...])
    cond = (d < t) & (qr_ref[...] < qc_ref[...])
    m = jnp.where(cond, 1.0, 0.0).astype(BF16)
    mask_ref[...] = m
    degp = _dot(m, jnp.ones((bj, 128), BF16), (1,), (0,))[:, :1]

    @pl.when(j == 0)
    def _():
        dinv_ref[...] = 1.0 + degp

    @pl.when(j > 0)
    def _():
        dinv_ref[...] += degp

    @pl.when(j == nj - 1)
    def _():
        dinv_ref[...] = 1.0 / jnp.sqrt(dinv_ref[...])


def _mask23_deg(featsub, qc, qr, t, bi, bj):
    n = featsub.shape[0]
    return pl.pallas_call(
        _mask23_body,
        grid=(n // bi, n // bj),
        in_specs=[
            pl.BlockSpec((bi, 512), lambda i, j: (i, 0)),
            pl.BlockSpec((bj, 512), lambda i, j: (j, 0)),
            pl.BlockSpec((bi, 1), lambda i, j: (i, 0)),
            pl.BlockSpec((1, bj), lambda i, j: (0, j)),
            pl.BlockSpec((1, t.shape[1]), lambda i, j: (0, 0)),
        ],
        out_specs=[
            pl.BlockSpec((bi, bj), lambda i, j: (i, j)),
            pl.BlockSpec((bi, 1), lambda i, j: (i, 0)),
        ],
        out_shape=[
            jax.ShapeDtypeStruct((n, n), BF16),
            jax.ShapeDtypeStruct((n, 1), F32),
        ],
    )(featsub, featsub, qc, qr, t)



def _conv_body(fused, mask_ref, x_ref, dinvj_ref, dinvi_ref, b_ref, *rest):
    if fused:
        v_ref, w_ref, out_ref, mx_ref, sm_ref = rest
    else:
        out_ref, = rest
    i = pl.program_id(0)
    j = pl.program_id(1)
    nj = pl.num_programs(1)
    bi = mask_ref.shape[0]
    bj = mask_ref.shape[1]
    if fused:
        xs = x_ref[...] * jnp.tanh(v_ref[...])
        xw = _dot(xs, w_ref[...], (1,), (0,))

        @pl.when(i == 0)
        def _():
            mro = jnp.max(xs, axis=0, keepdims=True)
            sro = jnp.sum(xs, axis=0, keepdims=True)

            @pl.when(j == 0)
            def _():
                mx_ref[...] = mro
                sm_ref[...] = sro

            @pl.when(j > 0)
            def _():
                mx_ref[...] = jnp.maximum(mx_ref[...], mro)
                sm_ref[...] += sro
    else:
        xw = x_ref[...]
    z = xw * dinvj_ref[...]
    contrib = _dotb(mask_ref[...], z, (1,), (0,))

    @pl.when(j == 0)
    def _():
        out_ref[...] = contrib

    @pl.when(j > 0)
    def _():
        out_ref[...] += contrib

    off = i * bi - j * bj

    @pl.when((off >= 0) & (off < bj))
    def _():
        o = pl.multiple_of(off, bi)
        dv = dinvj_ref[pl.ds(o, bi), :]
        if fused:
            xs_s = x_ref[pl.ds(o, bi), :] * jnp.tanh(v_ref[pl.ds(o, bi), :])
            z_s = _dot(xs_s, w_ref[...], (1,), (0,)) * dv
        else:
            z_s = x_ref[pl.ds(o, bi), :] * dv
        out_ref[...] += z_s

    @pl.when(j == nj - 1)
    def _():
        out_ref[...] = jnp.maximum(out_ref[...] * dinvi_ref[...] + b_ref[...],
                                   0.0)


def _conv(maskT, xin, dinv, b_row, vals_col, w_next, bi, bj):
    n = maskT.shape[0]
    nhid = xin.shape[1]
    fused = vals_col is not None
    in_specs = [
        pl.BlockSpec((bi, bj), lambda i, j: (i, j)),
        pl.BlockSpec((bj, nhid), lambda i, j: (j, 0)),
        pl.BlockSpec((bj, 1), lambda i, j: (j, 0)),
        pl.BlockSpec((bi, 1), lambda i, j: (i, 0)),
        pl.BlockSpec((1, nhid), lambda i, j: (0, 0)),
    ]
    args = [maskT, xin, dinv, dinv, b_row]
    out_specs = [pl.BlockSpec((bi, nhid), lambda i, j: (i, 0))]
    out_shape = [jax.ShapeDtypeStruct((n, nhid), F32)]
    if fused:
        in_specs += [
            pl.BlockSpec((bj, 1), lambda i, j: (j, 0)),
            pl.BlockSpec((nhid, nhid), lambda i, j: (0, 0)),
        ]
        args += [vals_col, w_next]
        out_specs += [
            pl.BlockSpec((1, nhid), lambda i, j: (0, 0)),
            pl.BlockSpec((1, nhid), lambda i, j: (0, 0)),
        ]
        out_shape += [
            jax.ShapeDtypeStruct((1, nhid), F32),
            jax.ShapeDtypeStruct((1, nhid), F32),
        ]
    res = pl.pallas_call(
        functools.partial(_conv_body, fused),
        grid=(n // bi, n // bj),
        in_specs=in_specs,
        out_specs=out_specs,
        out_shape=out_shape,
    )(*args)
    return res if fused else res[0]



def _score_body(mask_ref, x_ref, dinvj_ref, dinvi_ref, ws_ref, bs_ref,
                out_ref):
    i = pl.program_id(0)
    j = pl.program_id(1)
    nj = pl.num_programs(1)
    bi = mask_ref.shape[0]
    bj = mask_ref.shape[1]
    u = _dot(x_ref[...], ws_ref[...], (1,), (0,)) * dinvj_ref[...]
    contrib = _dotb(mask_ref[...], u, (1,), (0,))

    @pl.when(j == 0)
    def _():
        out_ref[...] = contrib

    @pl.when(j > 0)
    def _():
        out_ref[...] += contrib

    off = i * bi - j * bj

    @pl.when((off >= 0) & (off < bj))
    def _():
        o = pl.multiple_of(off, bi)
        u_s = (_dot(x_ref[pl.ds(o, bi), :], ws_ref[...], (1,), (0,))
               * dinvj_ref[pl.ds(o, bi), :])
        out_ref[...] += u_s

    @pl.when(j == nj - 1)
    def _():
        out_ref[...] = out_ref[...] * dinvi_ref[...] + bs_ref[...]


def _score(maskT, x, dinv, ws_p, bs_row, bi, bj):
    n = maskT.shape[0]
    nhid = x.shape[1]
    out = pl.pallas_call(
        _score_body,
        grid=(n // bi, n // bj),
        in_specs=[
            pl.BlockSpec((bi, bj), lambda i, j: (i, j)),
            pl.BlockSpec((bj, nhid), lambda i, j: (j, 0)),
            pl.BlockSpec((bj, 1), lambda i, j: (j, 0)),
            pl.BlockSpec((bi, 1), lambda i, j: (i, 0)),
            pl.BlockSpec((nhid, 128), lambda i, j: (0, 0)),
            pl.BlockSpec((1, 128), lambda i, j: (0, 0)),
        ],
        out_specs=pl.BlockSpec((bi, 128), lambda i, j: (i, 0)),
        out_shape=jax.ShapeDtypeStruct((n, 128), F32),
    )(maskT, x, dinv, dinv, ws_p, bs_row)
    return out[:, :1]



def _rank_body(sc_ref, sr_ref, rank_ref):
    i = pl.program_id(0)
    bi = sc_ref.shape[0]
    n = sr_ref.shape[1]
    si = sc_ref[...]
    sj = sr_ref[...]
    gi = lax.broadcasted_iota(I32, (bi, n), 0) + i * bi
    gj = lax.broadcasted_iota(I32, (bi, n), 1)
    before = (sj > si) | ((sj == si) & (gj < gi))
    rank_ref[...] = jnp.sum(before.astype(I32), axis=1, keepdims=True)


def _rank(sc, sr):
    n = sc.shape[0]
    bi = 256
    return pl.pallas_call(
        _rank_body,
        grid=(n // bi,),
        in_specs=[
            pl.BlockSpec((bi, 1), lambda i: (i, 0)),
            pl.BlockSpec((1, n), lambda i: (0, 0)),
        ],
        out_specs=pl.BlockSpec((bi, 1), lambda i: (i, 0)),
        out_shape=jax.ShapeDtypeStruct((n, 1), I32),
    )(sc, sr)



def _select_gather(rank_flat, s_flat, q_flat, k_out, tables):
    k_in = rank_flat.shape[0]
    with_q = q_flat is not None
    nt = len(tables)
    n_workers = 32
    c = k_out // n_workers
    if c % 8 != 0:
        c = 64
        n_workers = k_out // c
    assert c * n_workers == k_out and c % 8 == 0 and c <= 128
    mesh = plsc.VectorSubcoreMesh(core_axis_name="c", subcore_axis_name="s")
    out_type = [jax.ShapeDtypeStruct((k_out,), I32),
                jax.ShapeDtypeStruct((k_out,), F32)]
    if with_q:
        out_type.append(jax.ShapeDtypeStruct((k_out,), I32))
    out_type += [jax.ShapeDtypeStruct((k_out, tb.shape[1]), F32)
                 for tb in tables]
    scratch = [pltpu.VMEM((k_in,), I32), pltpu.VMEM((k_in,), F32),
               pltpu.VMEM((k_out,), I32), pltpu.VMEM((k_out,), F32)]
    if with_q:
        scratch += [pltpu.VMEM((k_in,), I32), pltpu.VMEM((k_out,), I32)]
    scratch += [pltpu.VMEM_SHARED((k_out,), I32), pltpu.VMEM((c,), I32)]
    scratch += [pltpu.VMEM((c, tb.shape[1]), F32) for tb in tables]
    scratch += [pltpu.SemaphoreType.DMA]

    def body(*refs):
        pos = 0
        rank_hbm, s_hbm = refs[0], refs[1]
        pos = 2
        if with_q:
            q_hbm = refs[pos]
            pos += 1
        tabs = refs[pos:pos + nt]
        pos += nt
        perm_out, vals_out = refs[pos], refs[pos + 1]
        pos += 2
        if with_q:
            q_out = refs[pos]
            pos += 1
        outs = refs[pos:pos + nt]
        pos += nt
        rank_v, s_v, perm_v, vals_v = refs[pos:pos + 4]
        pos += 4
        if with_q:
            q_v, qn_v = refs[pos:pos + 2]
            pos += 2
        perm_sh, idx_v = refs[pos], refs[pos + 1]
        pos += 2
        bufs = refs[pos:pos + nt]
        sem = refs[pos + nt]

        cid = lax.axis_index("c")
        sid = lax.axis_index("s")

        @pl.when(sid == 0)
        def _():
            pltpu.sync_copy(rank_hbm, rank_v)
            pltpu.sync_copy(s_hbm, s_v)
            if with_q:
                pltpu.sync_copy(q_hbm, q_v)

            def step(cc, carry):
                base = cc * 16
                idx = rank_v[pl.ds(base, 16)]
                msk = idx < k_out
                ids = lax.iota(I32, 16) + base
                plsc.store_scatter(perm_v, [idx], ids, mask=msk)
                plsc.store_scatter(vals_v, [idx], s_v[pl.ds(base, 16)],
                                   mask=msk)
                if with_q:
                    plsc.store_scatter(qn_v, [idx], q_v[pl.ds(base, 16)],
                                       mask=msk)
                return carry

            lax.fori_loop(0, k_in // 16, step, 0)
            pltpu.sync_copy(perm_v, perm_sh)

            @pl.when(cid == 0)
            def _():
                pltpu.sync_copy(perm_v, perm_out)
                pltpu.sync_copy(vals_v, vals_out)
                if with_q:
                    pltpu.sync_copy(qn_v, q_out)

        plsc.subcore_barrier()
        wid = sid * 2 + cid

        @pl.when(wid < n_workers)
        def _():
            base = wid * c
            pltpu.sync_copy(perm_sh.at[pl.ds(base, c)], idx_v)
            for tb, buf, out in zip(tabs, bufs, outs):
                pltpu.async_copy(tb.at[idx_v], buf, sem).wait()
                pltpu.sync_copy(buf, out.at[pl.ds(base, c)])

    fn = pl.kernel(body, out_type=tuple(out_type), mesh=mesh,
                   scratch_types=tuple(scratch),
                   compiler_params=pltpu.CompilerParams(
                       needs_layout_passes=False))
    if with_q:
        return fn(rank_flat, s_flat, q_flat, *tables)
    return fn(rank_flat, s_flat, *tables)



def _readout_body(x_ref, v_ref, mx_ref, sm_ref):
    i = pl.program_id(0)
    xs = x_ref[...] * jnp.tanh(v_ref[...])
    m = jnp.max(xs, axis=0, keepdims=True)
    s = jnp.sum(xs, axis=0, keepdims=True)

    @pl.when(i == 0)
    def _():
        mx_ref[...] = m
        sm_ref[...] = s

    @pl.when(i > 0)
    def _():
        mx_ref[...] = jnp.maximum(mx_ref[...], m)
        sm_ref[...] += s


def _readout(x_gath, vals_col, br):
    n, nhid = x_gath.shape
    return pl.pallas_call(
        _readout_body,
        grid=(n // br,),
        in_specs=[
            pl.BlockSpec((br, nhid), lambda i: (i, 0)),
            pl.BlockSpec((br, 1), lambda i: (i, 0)),
        ],
        out_specs=[
            pl.BlockSpec((1, nhid), lambda i: (0, 0)),
            pl.BlockSpec((1, nhid), lambda i: (0, 0)),
        ],
        out_shape=[
            jax.ShapeDtypeStruct((1, nhid), F32),
            jax.ShapeDtypeStruct((1, nhid), F32),
        ],
    )(x_gath, vals_col)



def kernel(feature, img_info, W_pos, b_pos, g_f, b_f, g_p, b_p,
           W1, b1, W2, b2, W3, b3, Ws1, bs1, Ws2, bs2, Ws3, bs3):
    n = feature.shape[0]
    nf = feature.shape[1]
    nhid = W1.shape[1]
    k1 = math.ceil(0.75 * n)
    k2 = math.ceil(0.75 * k1)
    k3 = math.ceil(0.75 * k2)

    img_p = jnp.pad(img_info, ((0, 0), (0, 128 - img_info.shape[1])))
    wp_p = jnp.pad(W_pos, ((0, 128 - W_pos.shape[0]), (0, 128 - W_pos.shape[1])))
    bp_p = jnp.pad(b_pos, (0, 128 - b_pos.shape[0])).reshape(1, 128)
    feat_p = jnp.pad(feature, ((0, 0), (0, 512 - nf)))
    gf_p = jnp.pad(g_f, (0, 512 - nf)).reshape(1, 512)
    bf_p = jnp.pad(b_f, (0, 512 - nf)).reshape(1, 512)
    gp_p = jnp.pad(g_p, (0, 128 - g_p.shape[0])).reshape(1, 128)
    bpl = jnp.pad(b_p, (0, 128 - b_p.shape[0])).reshape(1, 128)
    w1p = jnp.pad(W1[nf:, :], ((0, 128 - (512 - nf)), (0, 0)))
    ws1_p = jnp.pad(Ws1, ((0, 0), (0, 127)))
    ws2_p = jnp.pad(Ws2, ((0, 0), (0, 127)))
    ws3_p = jnp.pad(Ws3, ((0, 0), (0, 127)))
    bs1_r = jnp.broadcast_to(bs1.reshape(1, 1), (1, 128))
    bs2_r = jnp.broadcast_to(bs2.reshape(1, 1), (1, 128))
    bs3_r = jnp.broadcast_to(bs3.reshape(1, 1), (1, 128))
    b1_r = b1.reshape(1, nhid)
    b2_r = b2.reshape(1, nhid)
    b3_r = b3.reshape(1, nhid)

    lnf, lnp, xw1 = _attn_ln(img_p, wp_p, bp_p, feat_p, gf_p, bf_p, gp_p,
                             bpl, W1, w1p, nhid)
    feat = jnp.concatenate([lnf[:, :nf], lnp[:, :512 - nf]], axis=1)

    d_bf, colmax = _dist_max(feat, 512, 2048)
    t = colmax

    mask1, dinv1 = _mask1_deg(d_bf, t, 1024, 2048)
    x1 = _conv(mask1, xw1, dinv1, b1_r, None, None, 1024, 4096)
    s1 = _score(mask1, x1, dinv1, ws1_p, bs1_r, 1024, 4096)
    rank1 = _rank(s1, s1.reshape(1, n))
    perm1, vals1, featsub2, xg1 = _select_gather(
        rank1.reshape(n), s1.reshape(n), None, k1, [feat, x1])

    q2c = perm1.reshape(k1, 1)
    q2r = perm1.reshape(1, k1)
    mask2, dinv2 = _mask23_deg(featsub2, q2c, q2r, t, 1024, 1536)
    x2, mx1, sm1 = _conv(mask2, xg1, dinv2, b2_r, vals1.reshape(k1, 1), W2,
                         1024, 3072)
    read1 = jnp.concatenate([mx1, sm1 / k1], axis=1)
    s2 = _score(mask2, x2, dinv2, ws2_p, bs2_r, 1024, 3072)
    rank2 = _rank(s2, s2.reshape(1, k1))
    perm2, vals2, q3, featsub3, xg2 = _select_gather(
        rank2.reshape(k1), s2.reshape(k1), perm1, k2, [featsub2, x2])

    q3c = q3.reshape(k2, 1)
    q3r = q3.reshape(1, k2)
    mask3, dinv3 = _mask23_deg(featsub3, q3c, q3r, t, 768, 1152)
    x3, mx2, sm2 = _conv(mask3, xg2, dinv3, b3_r, vals2.reshape(k2, 1), W3,
                         768, 2304)
    read2 = jnp.concatenate([mx2, sm2 / k2], axis=1)
    s3 = _score(mask3, x3, dinv3, ws3_p, bs3_r, 768, 2304)
    rank3 = _rank(s3, s3.reshape(1, k2))
    perm3, vals3, xg3 = _select_gather(
        rank3.reshape(k2), s3.reshape(k2), None, k3, [x3])
    mx3, sm3 = _readout(xg3, vals3.reshape(k3, 1), 192)
    read3 = jnp.concatenate([mx3, sm3 / k3], axis=1)

    return read1 + read2 + read3

# --- scband reference (transcript-rebuilt; emitter-appended) ---
"""Pipeline reference for scband-gcn-pos-attention-10230612099514 (READ-ONLY COPY).

The authoritative reference and input builder live on the scoring server;
editing this copy changes nothing except your own understanding.
"""

import jax, jax.numpy as jnp
import numpy as np
import math

N_NODES = 4096
NF = 500
NHID = 256
RATIO = 0.75


def layernorm(x, g, b, eps=1e-5):
    mu = jnp.mean(x, axis=-1, keepdims=True)
    var = jnp.mean((x - mu) ** 2, axis=-1, keepdims=True)
    return (x - mu) / jnp.sqrt(var + eps) * g + b


def gcn_dense(x, A, W, b):
    # PyG GCNConv with add_self_loops and symmetric normalization, dense form.
    N = x.shape[0]
    A_hat = A + jnp.eye(N, dtype=x.dtype)
    deg = jnp.sum(A_hat, axis=0)  # in-degree at dst (col), incl. self loop
    dinv = jnp.where(deg > 0, 1.0 / jnp.sqrt(deg), 0.0)
    M = A_hat * dinv[:, None] * dinv[None, :]  # norm[src, dst]
    return M.T @ (x @ W) + b


def sag_pool(x, A, Ws, bs, ratio):
    score = gcn_dense(x, A, Ws, bs)[:, 0]
    k = math.ceil(ratio * x.shape[0])
    vals, perm = jax.lax.top_k(score, k)
    x_out = x[perm] * jnp.tanh(vals)[:, None]
    A_out = A[perm][:, perm]
    return x_out, A_out, perm, vals


def setup_inputs(seed: int = 0) -> dict:
    key = jax.random.key(seed)
    ks = jax.random.split(key, 24)
    inp = {}
    inp['feature'] = jax.random.normal(ks[0], (N_NODES, NF), dtype=jnp.float32)
    inp['img_info'] = jax.random.normal(ks[1], (N_NODES, 6), dtype=jnp.float32)
    # learned params
    inp['W_pos'] = jax.random.normal(ks[2], (6, 12), dtype=jnp.float32) * 0.2
    inp['b_pos'] = jnp.zeros((12,), dtype=jnp.float32)
    inp['g_f'] = jnp.ones((NF,), dtype=jnp.float32)
    inp['b_f'] = jnp.zeros((NF,), dtype=jnp.float32)
    inp['g_p'] = jnp.ones((12,), dtype=jnp.float32)
    inp['b_p'] = jnp.zeros((12,), dtype=jnp.float32)
    inp['W1'] = jax.random.normal(ks[3], (512, NHID), dtype=jnp.float32) * 0.04
    inp['b1'] = jnp.zeros((NHID,), dtype=jnp.float32)
    inp['W2'] = jax.random.normal(ks[4], (NHID, NHID), dtype=jnp.float32) * 0.06
    inp['b2'] = jnp.zeros((NHID,), dtype=jnp.float32)
    inp['W3'] = jax.random.normal(ks[5], (NHID, NHID), dtype=jnp.float32) * 0.06
    inp['b3'] = jnp.zeros((NHID,), dtype=jnp.float32)
    inp['Ws1'] = jax.random.normal(ks[6], (NHID, 1), dtype=jnp.float32) * 0.06
    inp['bs1'] = jnp.zeros((1,), dtype=jnp.float32)
    inp['Ws2'] = jax.random.normal(ks[7], (NHID, 1), dtype=jnp.float32) * 0.06
    inp['bs2'] = jnp.zeros((1,), dtype=jnp.float32)
    inp['Ws3'] = jax.random.normal(ks[8], (NHID, 1), dtype=jnp.float32) * 0.06
    inp['bs3'] = jnp.zeros((1,), dtype=jnp.float32)
    return inp


def reference(feature, img_info, W_pos, b_pos, g_f, b_f, g_p, b_p,
              W1, b1, W2, b2, W3, b3, Ws1, bs1, Ws2, bs2, Ws3, bs3):
    # position embedding + self-attention over positions
    pos_info = img_info @ W_pos + b_pos
    w = (pos_info @ pos_info.T) / jnp.sqrt(jnp.float32(12.0))
    w = jax.nn.softmax(w, axis=1)
    pos_info = w @ pos_info
    # layernorms + concat
    feat = layernorm(feature, g_f, b_f)
    pos_info = layernorm(pos_info, g_p, b_p)
    feat = jnp.concatenate([feat, pos_info], axis=1)  # [N, 512]
    # build edge set from pairwise squared distances (upper triangular, dist < t)
    sq = jnp.sum(feat * feat, axis=1)
    D = sq[:, None] + sq[None, :] - 2.0 * (feat @ feat.T)
    t = 0.5 * jnp.max(D)
    N = feat.shape[0]
    iu = jnp.triu(jnp.ones((N, N), dtype=bool), k=1)
    A = jnp.where((D < t) & iu, 1.0, 0.0).astype(feat.dtype)
    # block 1
    x = jax.nn.relu(gcn_dense(feat, A, W1, b1))
    x, A, perm1, s1 = sag_pool(x, A, Ws1, bs1, RATIO)
    x1 = jnp.concatenate([jnp.max(x, axis=0), jnp.mean(x, axis=0)])[None, :]
    # block 2
    x = jax.nn.relu(gcn_dense(x, A, W2, b2))
    x, A, perm2, s2 = sag_pool(x, A, Ws2, bs2, RATIO)
    x2 = jnp.concatenate([jnp.max(x, axis=0), jnp.mean(x, axis=0)])[None, :]
    # block 3
    x = jax.nn.relu(gcn_dense(x, A, W3, b3))
    x, A, perm3, s3 = sag_pool(x, A, Ws3, bs3, RATIO)
    x3 = jnp.concatenate([jnp.max(x, axis=0), jnp.mean(x, axis=0)])[None, :]
    return x1 + x2 + x3

if __name__ == "__main__":
    import jax
    _d = setup_inputs()
    print(jax.jit(kernel)(*tuple(_d.values())))

</pallas_src>

<mosaic_0001>
#map = affine_map<(d0, d1) -> (0)>
#map1 = affine_map<(d0, d1) -> (0, 0)>
module attributes {stable_mosaic.version = 14 : i64} {
  func.func @body(%arg0: i32, %arg1: i32, %arg2: memref<4096xi32, #tpu.memory_space<hbm>>, %arg3: memref<4096xf32, #tpu.memory_space<hbm>>, %arg4: memref<4096x512xf32, #tpu.memory_space<hbm>>, %arg5: memref<4096x256xf32, #tpu.memory_space<hbm>>, %arg6: memref<3072xi32, #tpu.memory_space<hbm>>, %arg7: memref<3072xf32, #tpu.memory_space<hbm>>, %arg8: memref<3072x512xf32, #tpu.memory_space<hbm>>, %arg9: memref<3072x256xf32, #tpu.memory_space<hbm>>, %arg10: memref<4096xi32, #tpu.memory_space<vmem>>, %arg11: memref<4096xf32, #tpu.memory_space<vmem>>, %arg12: memref<3072xi32, #tpu.memory_space<vmem>>, %arg13: memref<3072xf32, #tpu.memory_space<vmem>>, %arg14: memref<3072xi32, #tpu.memory_space<vmem_shared>>, %arg15: memref<96xi32, #tpu.memory_space<vmem>>, %arg16: memref<96x512xf32, #tpu.memory_space<vmem>>, %arg17: memref<96x256xf32, #tpu.memory_space<vmem>>, %arg18: memref<!tpu.dma_semaphore, #tpu.memory_space<semaphore_mem>>) attributes {dimension_semantics = [#tpu.dimension_semantics<core_parallel>, #tpu.dimension_semantics<subcore_parallel>], iteration_bounds = array<i64: 2, 16>, scalar_prefetch = 0 : i64, scratch_operands = 9 : i64, tpu.core_type = #tpu.core_type<sc_vector_subcore>, window_params = [{transform_indices = #map}, {transform_indices = #map}, {transform_indices = #map1}, {transform_indices = #map1}, {transform_indices = #map}, {transform_indices = #map}, {transform_indices = #map1}, {transform_indices = #map1}]} {
    %eq3A = arith.constant 0 : i32
    %eq3A_0 = arith.cmpi eq, %arg1, %eq3A : i32
    %convert_element_type3A = arith.extui %eq3A_0 : i1 to i32
    %cond3A = arith.constant 0 : i32
    %cond3A_1 = arith.cmpi ne, %convert_element_type3A, %cond3A : i32
    scf.if %cond3A_1 {
      "tpu.region"() ({
        %run_scoped3A = tpu.sem_alloc : memref<!tpu.dma_semaphore, #tpu.memory_space<semaphore_mem>>
        tpu.enqueue_dma source(%arg2 : memref<4096xi32, #tpu.memory_space<hbm>>) target(%arg10 : memref<4096xi32, #tpu.memory_space<vmem>>) target_semaphore(%run_scoped3A : memref<!tpu.dma_semaphore, #tpu.memory_space<semaphore_mem>>)
        tpu.wait_dma2 semaphore(%run_scoped3A : memref<!tpu.dma_semaphore, #tpu.memory_space<semaphore_mem>>) src(%arg2 : memref<4096xi32, #tpu.memory_space<hbm>>) dst(%arg10 : memref<4096xi32, #tpu.memory_space<vmem>>)
        tpu.yield
      }) : () -> ()
      "tpu.region"() ({
        %run_scoped3A = tpu.sem_alloc : memref<!tpu.dma_semaphore, #tpu.memory_space<semaphore_mem>>
        tpu.enqueue_dma source(%arg3 : memref<4096xf32, #tpu.memory_space<hbm>>) target(%arg11 : memref<4096xf32, #tpu.memory_space<vmem>>) target_semaphore(%run_scoped3A : memref<!tpu.dma_semaphore, #tpu.memory_space<semaphore_mem>>)
        tpu.wait_dma2 semaphore(%run_scoped3A : memref<!tpu.dma_semaphore, #tpu.memory_space<semaphore_mem>>) src(%arg3 : memref<4096xf32, #tpu.memory_space<hbm>>) dst(%arg11 : memref<4096xf32, #tpu.memory_space<vmem>>)
        tpu.yield
      }) : () -> ()
      %scan3A = arith.constant 0 : i32
      %scan3A_7 = arith.constant 0 : i32
      %scan3A_8 = arith.constant 256 : i32
      %scan3A_9 = arith.addi %scan3A_7, %scan3A_8 : i32
      %scan3A_10 = arith.constant 1 : i32
      scf.for %scan3A_17 = %scan3A_7 to %scan3A_9 step %scan3A_10  : i32 {
        %mul3A_18 = arith.constant 16 : i32
        %mul3A_19 = arith.muli %scan3A_17, %mul3A_18 : i32
        %get3A = arith.index_cast %mul3A_19 : i32 to index
        %get3A_20 = tpu.vector_load %arg10[%get3A] {strides = array<i32>} : memref<4096xi32, #tpu.memory_space<vmem>>, vector<16xi32>,
        %lt3A_21 = arith.constant 3072 : i32
        %lt3A_22 = vector.broadcast %lt3A_21 : i32 to vector<16xi32>
        %lt3A_23 = arith.cmpi slt, %get3A_20, %lt3A_22 : vector<16xi32>
        %iota3A = tpu.iota {dimensions = array<i32: 0>} : vector<16xi32>
        %add3A_24 = vector.broadcast %mul3A_19 : i32 to vector<16xi32>
        %add3A_25 = arith.addi %iota3A, %add3A_24 : vector<16xi32>
        tpu.vector_store_idx %arg12[%get3A_20], %add3A_25 masked %lt3A_23 : memref<3072xi32, #tpu.memory_space<vmem>>[vector<16xi32>], vector<16xi32>, vector<16xi1>
        %get3A_26 = arith.index_cast %mul3A_19 : i32 to index
        %get3A_27 = tpu.vector_load %arg11[%get3A_26] {strides = array<i32>} : memref<4096xf32, #tpu.memory_space<vmem>>, vector<16xf32>,
        tpu.vector_store_idx %arg13[%get3A_20], %get3A_27 masked %lt3A_23 : memref<3072xf32, #tpu.memory_space<vmem>>[vector<16xi32>], vector<16xf32>, vector<16xi1>
      }
      %scan3A_11 = arith.constant 256 : i32
      "tpu.region"() ({
        %run_scoped3A = tpu.sem_alloc : memref<!tpu.dma_semaphore, #tpu.memory_space<semaphore_mem>>
        tpu.enqueue_dma source(%arg12 : memref<3072xi32, #tpu.memory_space<vmem>>) target(%arg14 : memref<3072xi32, #tpu.memory_space<vmem_shared>>) target_semaphore(%run_scoped3A : memref<!tpu.dma_semaphore, #tpu.memory_space<semaphore_mem>>)
        tpu.wait_dma2 semaphore(%run_scoped3A : memref<!tpu.dma_semaphore, #tpu.memory_space<semaphore_mem>>) src(%arg12 : memref<3072xi32, #tpu.memory_space<vmem>>) dst(%arg14 : memref<3072xi32, #tpu.memory_space<vmem_shared>>)
        tpu.yield
      }) : () -> ()
      %eq3A_12 = arith.constant 0 : i32
      %eq3A_13 = arith.cmpi eq, %arg0, %eq3A_12 : i32
      %convert_element_type3A_14 = arith.extui %eq3A_13 : i1 to i32
      %cond3A_15 = arith.constant 0 : i32
      %cond3A_16 = arith.cmpi ne, %convert_element_type3A_14, %cond3A_15 : i32
      scf.if %cond3A_16 {
        "tpu.region"() ({
          %run_scoped3A = tpu.sem_alloc : memref<!tpu.dma_semaphore, #tpu.memory_space<semaphore_mem>>
          tpu.enqueue_dma source(%arg12 : memref<3072xi32, #tpu.memory_space<vmem>>) target(%arg6 : memref<3072xi32, #tpu.memory_space<hbm>>) target_semaphore(%run_scoped3A : memref<!tpu.dma_semaphore, #tpu.memory_space<semaphore_mem>>)
          tpu.wait_dma2 semaphore(%run_scoped3A : memref<!tpu.dma_semaphore, #tpu.memory_space<semaphore_mem>>) src(%arg12 : memref<3072xi32, #tpu.memory_space<vmem>>) dst(%arg6 : memref<3072xi32, #tpu.memory_space<hbm>>)
          tpu.yield
        }) : () -> ()
        "tpu.region"() ({
          %run_scoped3A = tpu.sem_alloc : memref<!tpu.dma_semaphore, #tpu.memory_space<semaphore_mem>>
          tpu.enqueue_dma source(%arg13 : memref<3072xf32, #tpu.memory_space<vmem>>) target(%arg7 : memref<3072xf32, #tpu.memory_space<hbm>>) target_semaphore(%run_scoped3A : memref<!tpu.dma_semaphore, #tpu.memory_space<semaphore_mem>>)
          tpu.wait_dma2 semaphore(%run_scoped3A : memref<!tpu.dma_semaphore, #tpu.memory_space<semaphore_mem>>) src(%arg13 : memref<3072xf32, #tpu.memory_space<vmem>>) dst(%arg7 : memref<3072xf32, #tpu.memory_space<hbm>>)
          tpu.yield
        }) : () -> ()
      } else {
      }
    } else {
    }
    %barrier3A = arith.constant 0 : index
    tpu.barrier barrier_id(%barrier3A)
    %mul3A = arith.constant 2 : i32
    %mul3A_2 = arith.muli %arg1, %mul3A : i32
    %add3A = arith.addi %mul3A_2, %arg0 : i32
    %lt3A = arith.constant 32 : i32
    %lt3A_3 = arith.cmpi slt, %add3A, %lt3A : i32
    %convert_element_type3A_4 = arith.extui %lt3A_3 : i1 to i32
    %cond3A_5 = arith.constant 0 : i32
    %cond3A_6 = arith.cmpi ne, %convert_element_type3A_4, %cond3A_5 : i32
    scf.if %cond3A_6 {
      %mul3A_7 = arith.constant 96 : i32
      %mul3A_8 = arith.muli %add3A, %mul3A_7 : i32
      "tpu.region"() ({
        %run_scoped3A = tpu.sem_alloc : memref<!tpu.dma_semaphore, #tpu.memory_space<semaphore_mem>>
        %dma_start3A_19 = tpu.memref_slice %arg14[%mul3A_8] : memref<3072xi32, #tpu.memory_space<vmem_shared>> -> memref<96xi32, #tpu.memory_space<vmem_shared>>
        %dma_start3A_20 = tpu.memref_slice %arg14[%mul3A_8] : memref<3072xi32, #tpu.memory_space<vmem_shared>> -> memref<96xi32, #tpu.memory_space<vmem_shared>>
        tpu.enqueue_dma source(%dma_start3A_20 : memref<96xi32, #tpu.memory_space<vmem_shared>>) target(%arg15 : memref<96xi32, #tpu.memory_space<vmem>>) target_semaphore(%run_scoped3A : memref<!tpu.dma_semaphore, #tpu.memory_space<semaphore_mem>>)
        %dma_wait3A_21 = tpu.memref_slice %arg14[%mul3A_8] : memref<3072xi32, #tpu.memory_space<vmem_shared>> -> memref<96xi32, #tpu.memory_space<vmem_shared>>
        %dma_wait3A_22 = tpu.memref_slice %arg14[%mul3A_8] : memref<3072xi32, #tpu.memory_space<vmem_shared>> -> memref<96xi32, #tpu.memory_space<vmem_shared>>
        tpu.wait_dma2 semaphore(%run_scoped3A : memref<!tpu.dma_semaphore, #tpu.memory_space<semaphore_mem>>) src(%dma_wait3A_22 : memref<96xi32, #tpu.memory_space<vmem_shared>>) dst(%arg15 : memref<96xi32, #tpu.memory_space<vmem>>)
        tpu.yield
      }) : () -> ()
      %dma_start3A = arith.constant 0 : i32
      %dma_start3A_9 = arith.constant 0 : i32
      %dma_start3A_10 = tpu.memref_slice %arg4[%dma_start3A, %dma_start3A_9] : memref<4096x512xf32, #tpu.memory_space<hbm>> -> memref<4096x512xf32, #tpu.memory_space<hbm>>
      tpu.enqueue_indirect_dma source(%dma_start3A_10 : memref<4096x512xf32, #tpu.memory_space<hbm>>) target(%arg16 : memref<96x512xf32, #tpu.memory_space<vmem>>) offsets(%arg15 : memref<96xi32, #tpu.memory_space<vmem>>) semaphore(%arg18 : memref<!tpu.dma_semaphore, #tpu.memory_space<semaphore_mem>>)
      %dma_wait3A = arith.constant 0 : i32
      %dma_wait3A_11 = arith.constant 0 : i32
      %dma_wait3A_12 = tpu.memref_slice %arg4[%dma_wait3A, %dma_wait3A_11] : memref<4096x512xf32, #tpu.memory_space<hbm>> -> memref<4096x512xf32, #tpu.memory_space<hbm>>
      tpu.wait_indirect_dma semaphore(%arg18 : memref<!tpu.dma_semaphore, #tpu.memory_space<semaphore_mem>>) src(%dma_wait3A_12 : memref<4096x512xf32, #tpu.memory_space<hbm>>) dst(%arg16 : memref<96x512xf32, #tpu.memory_space<vmem>>)
      "tpu.region"() ({
        %run_scoped3A = tpu.sem_alloc : memref<!tpu.dma_semaphore, #tpu.memory_space<semaphore_mem>>
        %dma_start3A_19 = arith.constant 0 : i32
        %dma_start3A_20 = tpu.memref_slice %arg8[%mul3A_8, %dma_start3A_19] : memref<3072x512xf32, #tpu.memory_space<hbm>> -> memref<96x512xf32, #tpu.memory_space<hbm>>
        %dma_start3A_21 = arith.constant 0 : i32
        %dma_start3A_22 = tpu.memref_slice %arg8[%mul3A_8, %dma_start3A_21] : memref<3072x512xf32, #tpu.memory_space<hbm>> -> memref<96x512xf32, #tpu.memory_space<hbm>>
        tpu.enqueue_dma source(%arg16 : memref<96x512xf32, #tpu.memory_space<vmem>>) target(%dma_start3A_22 : memref<96x512xf32, #tpu.memory_space<hbm>>) target_semaphore(%run_scoped3A : memref<!tpu.dma_semaphore, #tpu.memory_space<semaphore_mem>>)
        %dma_wait3A_23 = arith.constant 0 : i32
        %dma_wait3A_24 = tpu.memref_slice %arg8[%mul3A_8, %dma_wait3A_23] : memref<3072x512xf32, #tpu.memory_space<hbm>> -> memref<96x512xf32, #tpu.memory_space<hbm>>
        %dma_wait3A_25 = arith.constant 0 : i32
        %dma_wait3A_26 = tpu.memref_slice %arg8[%mul3A_8, %dma_wait3A_25] : memref<3072x512xf32, #tpu.memory_space<hbm>> -> memref<96x512xf32, #tpu.memory_space<hbm>>
        tpu.wait_dma2 semaphore(%run_scoped3A : memref<!tpu.dma_semaphore, #tpu.memory_space<semaphore_mem>>) src(%arg16 : memref<96x512xf32, #tpu.memory_space<vmem>>) dst(%dma_wait3A_26 : memref<96x512xf32, #tpu.memory_space<hbm>>)
        tpu.yield
      }) : () -> ()
      %dma_start3A_13 = arith.constant 0 : i32
      %dma_start3A_14 = arith.constant 0 : i32
      %dma_start3A_15 = tpu.memref_slice %arg5[%dma_start3A_13, %dma_start3A_14] : memref<4096x256xf32, #tpu.memory_space<hbm>> -> memref<4096x256xf32, #tpu.memory_space<hbm>>
      tpu.enqueue_indirect_dma source(%dma_start3A_15 : memref<4096x256xf32, #tpu.memory_space<hbm>>) target(%arg17 : memref<96x256xf32, #tpu.memory_space<vmem>>) offsets(%arg15 : memref<96xi32, #tpu.memory_space<vmem>>) semaphore(%arg18 : memref<!tpu.dma_semaphore, #tpu.memory_space<semaphore_mem>>)
      %dma_wait3A_16 = arith.constant 0 : i32
      %dma_wait3A_17 = arith.constant 0 : i32
      %dma_wait3A_18 = tpu.memref_slice %arg5[%dma_wait3A_16, %dma_wait3A_17] : memref<4096x256xf32, #tpu.memory_space<hbm>> -> memref<4096x256xf32, #tpu.memory_space<hbm>>
      tpu.wait_indirect_dma semaphore(%arg18 : memref<!tpu.dma_semaphore, #tpu.memory_space<semaphore_mem>>) src(%dma_wait3A_18 : memref<4096x256xf32, #tpu.memory_space<hbm>>) dst(%arg17 : memref<96x256xf32, #tpu.memory_space<vmem>>)
      "tpu.region"() ({
        %run_scoped3A = tpu.sem_alloc : memref<!tpu.dma_semaphore, #tpu.memory_space<semaphore_mem>>
        %dma_start3A_19 = arith.constant 0 : i32
        %dma_start3A_20 = tpu.memref_slice %arg9[%mul3A_8, %dma_start3A_19] : memref<3072x256xf32, #tpu.memory_space<hbm>> -> memref<96x256xf32, #tpu.memory_space<hbm>>
        %dma_start3A_21 = arith.constant 0 : i32
        %dma_start3A_22 = tpu.memref_slice %arg9[%mul3A_8, %dma_start3A_21] : memref<3072x256xf32, #tpu.memory_space<hbm>> -> memref<96x256xf32, #tpu.memory_space<hbm>>
        tpu.enqueue_dma source(%arg17 : memref<96x256xf32, #tpu.memory_space<vmem>>) target(%dma_start3A_22 : memref<96x256xf32, #tpu.memory_space<hbm>>) target_semaphore(%run_scoped3A : memref<!tpu.dma_semaphore, #tpu.memory_space<semaphore_mem>>)
        %dma_wait3A_23 = arith.constant 0 : i32
        %dma_wait3A_24 = tpu.memref_slice %arg9[%mul3A_8, %dma_wait3A_23] : memref<3072x256xf32, #tpu.memory_space<hbm>> -> memref<96x256xf32, #tpu.memory_space<hbm>>
        %dma_wait3A_25 = arith.constant 0 : i32
        %dma_wait3A_26 = tpu.memref_slice %arg9[%mul3A_8, %dma_wait3A_25] : memref<3072x256xf32, #tpu.memory_space<hbm>> -> memref<96x256xf32, #tpu.memory_space<hbm>>
        tpu.wait_dma2 semaphore(%run_scoped3A : memref<!tpu.dma_semaphore, #tpu.memory_space<semaphore_mem>>) src(%arg17 : memref<96x256xf32, #tpu.memory_space<vmem>>) dst(%dma_wait3A_26 : memref<96x256xf32, #tpu.memory_space<hbm>>)
        tpu.yield
      }) : () -> ()
    } else {
    }
    return
  }
}

#map = affine_map<(d0, d1) -> (0)>
#map1 = affine_map<(d0, d1) -> (0, 0)>
module attributes {stable_mosaic.version = 14 : i64} {
  func.func @body(%arg0: i32, %arg1: i32, %arg2: memref<3072xi32, #tpu.memory_space<hbm>>, %arg3: memref<3072xf32, #tpu.memory_space<hbm>>, %arg4: memref<3072xi32, #tpu.memory_space<hbm>>, %arg5: memref<3072x512xf32, #tpu.memory_space<hbm>>, %arg6: memref<3072x256xf32, #tpu.memory_space<hbm>>, %arg7: memref<2304xi32, #tpu.memory_space<hbm>>, %arg8: memref<2304xf32, #tpu.memory_space<hbm>>, %arg9: memref<2304xi32, #tpu.memory_space<hbm>>, %arg10: memref<2304x512xf32, #tpu.memory_space<hbm>>, %arg11: memref<2304x256xf32, #tpu.memory_space<hbm>>, %arg12: memref<3072xi32, #tpu.memory_space<vmem>>, %arg13: memref<3072xf32, #tpu.memory_space<vmem>>, %arg14: memref<2304xi32, #tpu.memory_space<vmem>>, %arg15: memref<2304xf32, #tpu.memory_space<vmem>>, %arg16: memref<3072xi32, #tpu.memory_space<vmem>>, %arg17: memref<2304xi32, #tpu.memory_space<vmem>>, %arg18: memref<2304xi32, #tpu.memory_space<vmem_shared>>, %arg19: memref<72xi32, #tpu.memory_space<vmem>>, %arg20: memref<72x512xf32, #tpu.memory_space<vmem>>, %arg21: memref<72x256xf32, #tpu.memory_space<vmem>>, %arg22: memref<!tpu.dma_semaphore, #tpu.memory_space<semaphore_mem>>) attributes {dimension_semantics = [#tpu.dimension_semantics<core_parallel>, #tpu.dimension_semantics<subcore_parallel>], iteration_bounds = array<i64: 2, 16>, scalar_prefetch = 0 : i64, scratch_operands = 11 : i64, tpu.core_type = #tpu.core_type<sc_vector_subcore>, window_params = [{transform_indices = #map}, {transform_indices = #map}, {transform_indices = #map}, {transform_indices = #map1}, {transform_indices = #map1}, {transform_indices = #map}, {transform_indices = #map}, {transform_indices = #map}, {transform_indices = #map1}, {transform_indices = #map1}]} {
    %eq3A = arith.constant 0 : i32
    %eq3A_0 = arith.cmpi eq, %arg1, %eq3A : i32
    %convert_element_type3A = arith.extui %eq3A_0 : i1 to i32
    %cond3A = arith.constant 0 : i32
    %cond3A_1 = arith.cmpi ne, %convert_element_type3A, %cond3A : i32
    scf.if %cond3A_1 {
      "tpu.region"() ({
        %run_scoped3A = tpu.sem_alloc : memref<!tpu.dma_semaphore, #tpu.memory_space<semaphore_mem>>
        tpu.enqueue_dma source(%arg2 : memref<3072xi32, #tpu.memory_space<hbm>>) target(%arg12 : memref<3072xi32, #tpu.memory_space<vmem>>) target_semaphore(%run_scoped3A : memref<!tpu.dma_semaphore, #tpu.memory_space<semaphore_mem>>)
        tpu.wait_dma2 semaphore(%run_scoped3A : memref<!tpu.dma_semaphore, #tpu.memory_space<semaphore_mem>>) src(%arg2 : memref<3072xi32, #tpu.memory_space<hbm>>) dst(%arg12 : memref<3072xi32, #tpu.memory_space<vmem>>)
        tpu.yield
      }) : () -> ()
      "tpu.region"() ({
        %run_scoped3A = tpu.sem_alloc : memref<!tpu.dma_semaphore, #tpu.memory_space<semaphore_mem>>
        tpu.enqueue_dma source(%arg3 : memref<3072xf32, #tpu.memory_space<hbm>>) target(%arg13 : memref<3072xf32, #tpu.memory_space<vmem>>) target_semaphore(%run_scoped3A : memref<!tpu.dma_semaphore, #tpu.memory_space<semaphore_mem>>)
        tpu.wait_dma2 semaphore(%run_scoped3A : memref<!tpu.dma_semaphore, #tpu.memory_space<semaphore_mem>>) src(%arg3 : memref<3072xf32, #tpu.memory_space<hbm>>) dst(%arg13 : memref<3072xf32, #tpu.memory_space<vmem>>)
        tpu.yield
      }) : () -> ()
      "tpu.region"() ({
        %run_scoped3A = tpu.sem_alloc : memref<!tpu.dma_semaphore, #tpu.memory_space<semaphore_mem>>
        tpu.enqueue_dma source(%arg4 : memref<3072xi32, #tpu.memory_space<hbm>>) target(%arg16 : memref<3072xi32, #tpu.memory_space<vmem>>) target_semaphore(%run_scoped3A : memref<!tpu.dma_semaphore, #tpu.memory_space<semaphore_mem>>)
        tpu.wait_dma2 semaphore(%run_scoped3A : memref<!tpu.dma_semaphore, #tpu.memory_space<semaphore_mem>>) src(%arg4 : memref<3072xi32, #tpu.memory_space<hbm>>) dst(%arg16 : memref<3072xi32, #tpu.memory_space<vmem>>)
        tpu.yield
      }) : () -> ()
      %scan3A = arith.constant 0 : i32
      %scan3A_7 = arith.constant 0 : i32
      %scan3A_8 = arith.constant 192 : i32
      %scan3A_9 = arith.addi %scan3A_7, %scan3A_8 : i32
      %scan3A_10 = arith.constant 1 : i32
      scf.for %scan3A_17 = %scan3A_7 to %scan3A_9 step %scan3A_10  : i32 {
        %mul3A_18 = arith.constant 16 : i32
        %mul3A_19 = arith.muli %scan3A_17, %mul3A_18 : i32
        %get3A = arith.index_cast %mul3A_19 : i32 to index
        %get3A_20 = tpu.vector_load %arg12[%get3A] {strides = array<i32>} : memref<3072xi32, #tpu.memory_space<vmem>>, vector<16xi32>,
        %lt3A_21 = arith.constant 2304 : i32
        %lt3A_22 = vector.broadcast %lt3A_21 : i32 to vector<16xi32>
        %lt3A_23 = arith.cmpi slt, %get3A_20, %lt3A_22 : vector<16xi32>
        %iota3A = tpu.iota {dimensions = array<i32: 0>} : vector<16xi32>
        %add3A_24 = vector.broadcast %mul3A_19 : i32 to vector<16xi32>
        %add3A_25 = arith.addi %iota3A, %add3A_24 : vector<16xi32>
        tpu.vector_store_idx %arg14[%get3A_20], %add3A_25 masked %lt3A_23 : memref<2304xi32, #tpu.memory_space<vmem>>[vector<16xi32>], vector<16xi32>, vector<16xi1>
        %get3A_26 = arith.index_cast %mul3A_19 : i32 to index
        %get3A_27 = tpu.vector_load %arg13[%get3A_26] {strides = array<i32>} : memref<3072xf32, #tpu.memory_space<vmem>>, vector<16xf32>,
        tpu.vector_store_idx %arg15[%get3A_20], %get3A_27 masked %lt3A_23 : memref<2304xf32, #tpu.memory_space<vmem>>[vector<16xi32>], vector<16xf32>, vector<16xi1>
        %get3A_28 = arith.index_cast %mul3A_19 : i32 to index
        %get3A_29 = tpu.vector_load %arg16[%get3A_28] {strides = array<i32>} : memref<3072xi32, #tpu.memory_space<vmem>>, vector<16xi32>,
        tpu.vector_store_idx %arg17[%get3A_20], %get3A_29 masked %lt3A_23 : memref<2304xi32, #tpu.memory_space<vmem>>[vector<16xi32>], vector<16xi32>, vector<16xi1>
      }
      %scan3A_11 = arith.constant 192 : i32
      "tpu.region"() ({
        %run_scoped3A = tpu.sem_alloc : memref<!tpu.dma_semaphore, #tpu.memory_space<semaphore_mem>>
        tpu.enqueue_dma source(%arg14 : memref<2304xi32, #tpu.memory_space<vmem>>) target(%arg18 : memref<2304xi32, #tpu.memory_space<vmem_shared>>) target_semaphore(%run_scoped3A : memref<!tpu.dma_semaphore, #tpu.memory_space<semaphore_mem>>)
        tpu.wait_dma2 semaphore(%run_scoped3A : memref<!tpu.dma_semaphore, #tpu.memory_space<semaphore_mem>>) src(%arg14 : memref<2304xi32, #tpu.memory_space<vmem>>) dst(%arg18 : memref<2304xi32, #tpu.memory_space<vmem_shared>>)
        tpu.yield
      }) : () -> ()
      %eq3A_12 = arith.constant 0 : i32
      %eq3A_13 = arith.cmpi eq, %arg0, %eq3A_12 : i32
      %convert_element_type3A_14 = arith.extui %eq3A_13 : i1 to i32
      %cond3A_15 = arith.constant 0 : i32
      %cond3A_16 = arith.cmpi ne, %convert_element_type3A_14, %cond3A_15 : i32
      scf.if %cond3A_16 {
        "tpu.region"() ({
          %run_scoped3A = tpu.sem_alloc : memref<!tpu.dma_semaphore, #tpu.memory_space<semaphore_mem>>
          tpu.enqueue_dma source(%arg14 : memref<2304xi32, #tpu.memory_space<vmem>>) target(%arg7 : memref<2304xi32, #tpu.memory_space<hbm>>) target_semaphore(%run_scoped3A : memref<!tpu.dma_semaphore, #tpu.memory_space<semaphore_mem>>)
          tpu.wait_dma2 semaphore(%run_scoped3A : memref<!tpu.dma_semaphore, #tpu.memory_space<semaphore_mem>>) src(%arg14 : memref<2304xi32, #tpu.memory_space<vmem>>) dst(%arg7 : memref<2304xi32, #tpu.memory_space<hbm>>)
          tpu.yield
        }) : () -> ()
        "tpu.region"() ({
          %run_scoped3A = tpu.sem_alloc : memref<!tpu.dma_semaphore, #tpu.memory_space<semaphore_mem>>
          tpu.enqueue_dma source(%arg15 : memref<2304xf32, #tpu.memory_space<vmem>>) target(%arg8 : memref<2304xf32, #tpu.memory_space<hbm>>) target_semaphore(%run_scoped3A : memref<!tpu.dma_semaphore, #tpu.memory_space<semaphore_mem>>)
          tpu.wait_dma2 semaphore(%run_scoped3A : memref<!tpu.dma_semaphore, #tpu.memory_space<semaphore_mem>>) src(%arg15 : memref<2304xf32, #tpu.memory_space<vmem>>) dst(%arg8 : memref<2304xf32, #tpu.memory_space<hbm>>)
          tpu.yield
        }) : () -> ()
        "tpu.region"() ({
          %run_scoped3A = tpu.sem_alloc : memref<!tpu.dma_semaphore, #tpu.memory_space<semaphore_mem>>
          tpu.enqueue_dma source(%arg17 : memref<2304xi32, #tpu.memory_space<vmem>>) target(%arg9 : memref<2304xi32, #tpu.memory_space<hbm>>) target_semaphore(%run_scoped3A : memref<!tpu.dma_semaphore, #tpu.memory_space<semaphore_mem>>)
          tpu.wait_dma2 semaphore(%run_scoped3A : memref<!tpu.dma_semaphore, #tpu.memory_space<semaphore_mem>>) src(%arg17 : memref<2304xi32, #tpu.memory_space<vmem>>) dst(%arg9 : memref<2304xi32, #tpu.memory_space<hbm>>)
          tpu.yield
        }) : () -> ()
      } else {
      }
    } else {
    }
    %barrier3A = arith.constant 0 : index
    tpu.barrier barrier_id(%barrier3A)
    %mul3A = arith.constant 2 : i32
    %mul3A_2 = arith.muli %arg1, %mul3A : i32
    %add3A = arith.addi %mul3A_2, %arg0 : i32
    %lt3A = arith.constant 32 : i32
    %lt3A_3 = arith.cmpi slt, %add3A, %lt3A : i32
    %convert_element_type3A_4 = arith.extui %lt3A_3 : i1 to i32
    %cond3A_5 = arith.constant 0 : i32
    %cond3A_6 = arith.cmpi ne, %convert_element_type3A_4, %cond3A_5 : i32
    scf.if %cond3A_6 {
      %mul3A_7 = arith.constant 72 : i32
      %mul3A_8 = arith.muli %add3A, %mul3A_7 : i32
      "tpu.region"() ({
        %run_scoped3A = tpu.sem_alloc : memref<!tpu.dma_semaphore, #tpu.memory_space<semaphore_mem>>
        %dma_start3A_19 = tpu.memref_slice %arg18[%mul3A_8] : memref<2304xi32, #tpu.memory_space<vmem_shared>> -> memref<72xi32, #tpu.memory_space<vmem_shared>>
        %dma_start3A_20 = tpu.memref_slice %arg18[%mul3A_8] : memref<2304xi32, #tpu.memory_space<vmem_shared>> -> memref<72xi32, #tpu.memory_space<vmem_shared>>
        tpu.enqueue_dma source(%dma_start3A_20 : memref<72xi32, #tpu.memory_space<vmem_shared>>) target(%arg19 : memref<72xi32, #tpu.memory_space<vmem>>) target_semaphore(%run_scoped3A : memref<!tpu.dma_semaphore, #tpu.memory_space<semaphore_mem>>)
        %dma_wait3A_21 = tpu.memref_slice %arg18[%mul3A_8] : memref<2304xi32, #tpu.memory_space<vmem_shared>> -> memref<72xi32, #tpu.memory_space<vmem_shared>>
        %dma_wait3A_22 = tpu.memref_slice %arg18[%mul3A_8] : memref<2304xi32, #tpu.memory_space<vmem_shared>> -> memref<72xi32, #tpu.memory_space<vmem_shared>>
        tpu.wait_dma2 semaphore(%run_scoped3A : memref<!tpu.dma_semaphore, #tpu.memory_space<semaphore_mem>>) src(%dma_wait3A_22 : memref<72xi32, #tpu.memory_space<vmem_shared>>) dst(%arg19 : memref<72xi32, #tpu.memory_space<vmem>>)
        tpu.yield
      }) : () -> ()
      %dma_start3A = arith.constant 0 : i32
      %dma_start3A_9 = arith.constant 0 : i32
      %dma_start3A_10 = tpu.memref_slice %arg5[%dma_start3A, %dma_start3A_9] : memref<3072x512xf32, #tpu.memory_space<hbm>> -> memref<3072x512xf32, #tpu.memory_space<hbm>>
      tpu.enqueue_indirect_dma source(%dma_start3A_10 : memref<3072x512xf32, #tpu.memory_space<hbm>>) target(%arg20 : memref<72x512xf32, #tpu.memory_space<vmem>>) offsets(%arg19 : memref<72xi32, #tpu.memory_space<vmem>>) semaphore(%arg22 : memref<!tpu.dma_semaphore, #tpu.memory_space<semaphore_mem>>)
      %dma_wait3A = arith.constant 0 : i32
      %dma_wait3A_11 = arith.constant 0 : i32
      %dma_wait3A_12 = tpu.memref_slice %arg5[%dma_wait3A, %dma_wait3A_11] : memref<3072x512xf32, #tpu.memory_space<hbm>> -> memref<3072x512xf32, #tpu.memory_space<hbm>>
      tpu.wait_indirect_dma semaphore(%arg22 : memref<!tpu.dma_semaphore, #tpu.memory_space<semaphore_mem>>) src(%dma_wait3A_12 : memref<3072x512xf32, #tpu.memory_space<hbm>>) dst(%arg20 : memref<72x512xf32, #tpu.memory_space<vmem>>)
      "tpu.region"() ({
        %run_scoped3A = tpu.sem_alloc : memref<!tpu.dma_semaphore, #tpu.memory_space<semaphore_mem>>
        %dma_start3A_19 = arith.constant 0 : i32
        %dma_start3A_20 = tpu.memref_slice %arg10[%mul3A_8, %dma_start3A_19] : memref<2304x512xf32, #tpu.memory_space<hbm>> -> memref<72x512xf32, #tpu.memory_space<hbm>>
        %dma_start3A_21 = arith.constant 0 : i32
        %dma_start3A_22 = tpu.memref_slice %arg10[%mul3A_8, %dma_start3A_21] : memref<2304x512xf32, #tpu.memory_space<hbm>> -> memref<72x512xf32, #tpu.memory_space<hbm>>
        tpu.enqueue_dma source(%arg20 : memref<72x512xf32, #tpu.memory_space<vmem>>) target(%dma_start3A_22 : memref<72x512xf32, #tpu.memory_space<hbm>>) target_semaphore(%run_scoped3A : memref<!tpu.dma_semaphore, #tpu.memory_space<semaphore_mem>>)
        %dma_wait3A_23 = arith.constant 0 : i32
        %dma_wait3A_24 = tpu.memref_slice %arg10[%mul3A_8, %dma_wait3A_23] : memref<2304x512xf32, #tpu.memory_space<hbm>> -> memref<72x512xf32, #tpu.memory_space<hbm>>
        %dma_wait3A_25 = arith.constant 0 : i32
        %dma_wait3A_26 = tpu.memref_slice %arg10[%mul3A_8, %dma_wait3A_25] : memref<2304x512xf32, #tpu.memory_space<hbm>> -> memref<72x512xf32, #tpu.memory_space<hbm>>
        tpu.wait_dma2 semaphore(%run_scoped3A : memref<!tpu.dma_semaphore, #tpu.memory_space<semaphore_mem>>) src(%arg20 : memref<72x512xf32, #tpu.memory_space<vmem>>) dst(%dma_wait3A_26 : memref<72x512xf32, #tpu.memory_space<hbm>>)
        tpu.yield
      }) : () -> ()
      %dma_start3A_13 = arith.constant 0 : i32
      %dma_start3A_14 = arith.constant 0 : i32
      %dma_start3A_15 = tpu.memref_slice %arg6[%dma_start3A_13, %dma_start3A_14] : memref<3072x256xf32, #tpu.memory_space<hbm>> -> memref<3072x256xf32, #tpu.memory_space<hbm>>
      tpu.enqueue_indirect_dma source(%dma_start3A_15 : memref<3072x256xf32, #tpu.memory_space<hbm>>) target(%arg21 : memref<72x256xf32, #tpu.memory_space<vmem>>) offsets(%arg19 : memref<72xi32, #tpu.memory_space<vmem>>) semaphore(%arg22 : memref<!tpu.dma_semaphore, #tpu.memory_space<semaphore_mem>>)
      %dma_wait3A_16 = arith.constant 0 : i32
      %dma_wait3A_17 = arith.constant 0 : i32
      %dma_wait3A_18 = tpu.memref_slice %arg6[%dma_wait3A_16, %dma_wait3A_17] : memref<3072x256xf32, #tpu.memory_space<hbm>> -> memref<3072x256xf32, #tpu.memory_space<hbm>>
      tpu.wait_indirect_dma semaphore(%arg22 : memref<!tpu.dma_semaphore, #tpu.memory_space<semaphore_mem>>) src(%dma_wait3A_18 : memref<3072x256xf32, #tpu.memory_space<hbm>>) dst(%arg21 : memref<72x256xf32, #tpu.memory_space<vmem>>)
      "tpu.region"() ({
        %run_scoped3A = tpu.sem_alloc : memref<!tpu.dma_semaphore, #tpu.memory_space<semaphore_mem>>
        %dma_start3A_19 = arith.constant 0 : i32
        %dma_start3A_20 = tpu.memref_slice %arg11[%mul3A_8, %dma_start3A_19] : memref<2304x256xf32, #tpu.memory_space<hbm>> -> memref<72x256xf32, #tpu.memory_space<hbm>>
        %dma_start3A_21 = arith.constant 0 : i32
        %dma_start3A_22 = tpu.memref_slice %arg11[%mul3A_8, %dma_start3A_21] : memref<2304x256xf32, #tpu.memory_space<hbm>> -> memref<72x256xf32, #tpu.memory_space<hbm>>
        tpu.enqueue_dma source(%arg21 : memref<72x256xf32, #tpu.memory_space<vmem>>) target(%dma_start3A_22 : memref<72x256xf32, #tpu.memory_space<hbm>>) target_semaphore(%run_scoped3A : memref<!tpu.dma_semaphore, #tpu.memory_space<semaphore_mem>>)
        %dma_wait3A_23 = arith.constant 0 : i32
        %dma_wait3A_24 = tpu.memref_slice %arg11[%mul3A_8, %dma_wait3A_23] : memref<2304x256xf32, #tpu.memory_space<hbm>> -> memref<72x256xf32, #tpu.memory_space<hbm>>
        %dma_wait3A_25 = arith.constant 0 : i32
        %dma_wait3A_26 = tpu.memref_slice %arg11[%mul3A_8, %dma_wait3A_25] : memref<2304x256xf32, #tpu.memory_space<hbm>> -> memref<72x256xf32, #tpu.memory_space<hbm>>
        tpu.wait_dma2 semaphore(%run_scoped3A : memref<!tpu.dma_semaphore, #tpu.memory_space<semaphore_mem>>) src(%arg21 : memref<72x256xf32, #tpu.memory_space<vmem>>) dst(%dma_wait3A_26 : memref<72x256xf32, #tpu.memory_space<hbm>>)
        tpu.yield
      }) : () -> ()
    } else {
    }
    return
  }
}

#map = affine_map<(d0, d1) -> (0)>
#map1 = affine_map<(d0, d1) -> (0, 0)>
module attributes {stable_mosaic.version = 14 : i64} {
  func.func @body(%arg0: i32, %arg1: i32, %arg2: memref<2304xi32, #tpu.memory_space<hbm>>, %arg3: memref<2304xf32, #tpu.memory_space<hbm>>, %arg4: memref<2304x256xf32, #tpu.memory_space<hbm>>, %arg5: memref<1728xi32, #tpu.memory_space<hbm>>, %arg6: memref<1728xf32, #tpu.memory_space<hbm>>, %arg7: memref<1728x256xf32, #tpu.memory_space<hbm>>, %arg8: memref<2304xi32, #tpu.memory_space<vmem>>, %arg9: memref<2304xf32, #tpu.memory_space<vmem>>, %arg10: memref<1728xi32, #tpu.memory_space<vmem>>, %arg11: memref<1728xf32, #tpu.memory_space<vmem>>, %arg12: memref<1728xi32, #tpu.memory_space<vmem_shared>>, %arg13: memref<64xi32, #tpu.memory_space<vmem>>, %arg14: memref<64x256xf32, #tpu.memory_space<vmem>>, %arg15: memref<!tpu.dma_semaphore, #tpu.memory_space<semaphore_mem>>) attributes {dimension_semantics = [#tpu.dimension_semantics<core_parallel>, #tpu.dimension_semantics<subcore_parallel>], iteration_bounds = array<i64: 2, 16>, scalar_prefetch = 0 : i64, scratch_operands = 8 : i64, tpu.core_type = #tpu.core_type<sc_vector_subcore>, window_params = [{transform_indices = #map}, {transform_indices = #map}, {transform_indices = #map1}, {transform_indices = #map}, {transform_indices = #map}, {transform_indices = #map1}]} {
    %eq3A = arith.constant 0 : i32
    %eq3A_0 = arith.cmpi eq, %arg1, %eq3A : i32
    %convert_element_type3A = arith.extui %eq3A_0 : i1 to i32
    %cond3A = arith.constant 0 : i32
    %cond3A_1 = arith.cmpi ne, %convert_element_type3A, %cond3A : i32
    scf.if %cond3A_1 {
      "tpu.region"() ({
        %run_scoped3A = tpu.sem_alloc : memref<!tpu.dma_semaphore, #tpu.memory_space<semaphore_mem>>
        tpu.enqueue_dma source(%arg2 : memref<2304xi32, #tpu.memory_space<hbm>>) target(%arg8 : memref<2304xi32, #tpu.memory_space<vmem>>) target_semaphore(%run_scoped3A : memref<!tpu.dma_semaphore, #tpu.memory_space<semaphore_mem>>)
        tpu.wait_dma2 semaphore(%run_scoped3A : memref<!tpu.dma_semaphore, #tpu.memory_space<semaphore_mem>>) src(%arg2 : memref<2304xi32, #tpu.memory_space<hbm>>) dst(%arg8 : memref<2304xi32, #tpu.memory_space<vmem>>)
        tpu.yield
      }) : () -> ()
      "tpu.region"() ({
        %run_scoped3A = tpu.sem_alloc : memref<!tpu.dma_semaphore, #tpu.memory_space<semaphore_mem>>
        tpu.enqueue_dma source(%arg3 : memref<2304xf32, #tpu.memory_space<hbm>>) target(%arg9 : memref<2304xf32, #tpu.memory_space<vmem>>) target_semaphore(%run_scoped3A : memref<!tpu.dma_semaphore, #tpu.memory_space<semaphore_mem>>)
        tpu.wait_dma2 semaphore(%run_scoped3A : memref<!tpu.dma_semaphore, #tpu.memory_space<semaphore_mem>>) src(%arg3 : memref<2304xf32, #tpu.memory_space<hbm>>) dst(%arg9 : memref<2304xf32, #tpu.memory_space<vmem>>)
        tpu.yield
      }) : () -> ()
      %scan3A = arith.constant 0 : i32
      %scan3A_7 = arith.constant 0 : i32
      %scan3A_8 = arith.constant 144 : i32
      %scan3A_9 = arith.addi %scan3A_7, %scan3A_8 : i32
      %scan3A_10 = arith.constant 1 : i32
      scf.for %scan3A_17 = %scan3A_7 to %scan3A_9 step %scan3A_10  : i32 {
        %mul3A_18 = arith.constant 16 : i32
        %mul3A_19 = arith.muli %scan3A_17, %mul3A_18 : i32
        %get3A = arith.index_cast %mul3A_19 : i32 to index
        %get3A_20 = tpu.vector_load %arg8[%get3A] {strides = array<i32>} : memref<2304xi32, #tpu.memory_space<vmem>>, vector<16xi32>,
        %lt3A_21 = arith.constant 1728 : i32
        %lt3A_22 = vector.broadcast %lt3A_21 : i32 to vector<16xi32>
        %lt3A_23 = arith.cmpi slt, %get3A_20, %lt3A_22 : vector<16xi32>
        %iota3A = tpu.iota {dimensions = array<i32: 0>} : vector<16xi32>
        %add3A_24 = vector.broadcast %mul3A_19 : i32 to vector<16xi32>
        %add3A_25 = arith.addi %iota3A, %add3A_24 : vector<16xi32>
        tpu.vector_store_idx %arg10[%get3A_20], %add3A_25 masked %lt3A_23 : memref<1728xi32, #tpu.memory_space<vmem>>[vector<16xi32>], vector<16xi32>, vector<16xi1>
        %get3A_26 = arith.index_cast %mul3A_19 : i32 to index
        %get3A_27 = tpu.vector_load %arg9[%get3A_26] {strides = array<i32>} : memref<2304xf32, #tpu.memory_space<vmem>>, vector<16xf32>,
        tpu.vector_store_idx %arg11[%get3A_20], %get3A_27 masked %lt3A_23 : memref<1728xf32, #tpu.memory_space<vmem>>[vector<16xi32>], vector<16xf32>, vector<16xi1>
      }
      %scan3A_11 = arith.constant 144 : i32
      "tpu.region"() ({
        %run_scoped3A = tpu.sem_alloc : memref<!tpu.dma_semaphore, #tpu.memory_space<semaphore_mem>>
        tpu.enqueue_dma source(%arg10 : memref<1728xi32, #tpu.memory_space<vmem>>) target(%arg12 : memref<1728xi32, #tpu.memory_space<vmem_shared>>) target_semaphore(%run_scoped3A : memref<!tpu.dma_semaphore, #tpu.memory_space<semaphore_mem>>)
        tpu.wait_dma2 semaphore(%run_scoped3A : memref<!tpu.dma_semaphore, #tpu.memory_space<semaphore_mem>>) src(%arg10 : memref<1728xi32, #tpu.memory_space<vmem>>) dst(%arg12 : memref<1728xi32, #tpu.memory_space<vmem_shared>>)
        tpu.yield
      }) : () -> ()
      %eq3A_12 = arith.constant 0 : i32
      %eq3A_13 = arith.cmpi eq, %arg0, %eq3A_12 : i32
      %convert_element_type3A_14 = arith.extui %eq3A_13 : i1 to i32
      %cond3A_15 = arith.constant 0 : i32
      %cond3A_16 = arith.cmpi ne, %convert_element_type3A_14, %cond3A_15 : i32
      scf.if %cond3A_16 {
        "tpu.region"() ({
          %run_scoped3A = tpu.sem_alloc : memref<!tpu.dma_semaphore, #tpu.memory_space<semaphore_mem>>
          tpu.enqueue_dma source(%arg10 : memref<1728xi32, #tpu.memory_space<vmem>>) target(%arg5 : memref<1728xi32, #tpu.memory_space<hbm>>) target_semaphore(%run_scoped3A : memref<!tpu.dma_semaphore, #tpu.memory_space<semaphore_mem>>)
          tpu.wait_dma2 semaphore(%run_scoped3A : memref<!tpu.dma_semaphore, #tpu.memory_space<semaphore_mem>>) src(%arg10 : memref<1728xi32, #tpu.memory_space<vmem>>) dst(%arg5 : memref<1728xi32, #tpu.memory_space<hbm>>)
          tpu.yield
        }) : () -> ()
        "tpu.region"() ({
          %run_scoped3A = tpu.sem_alloc : memref<!tpu.dma_semaphore, #tpu.memory_space<semaphore_mem>>
          tpu.enqueue_dma source(%arg11 : memref<1728xf32, #tpu.memory_space<vmem>>) target(%arg6 : memref<1728xf32, #tpu.memory_space<hbm>>) target_semaphore(%run_scoped3A : memref<!tpu.dma_semaphore, #tpu.memory_space<semaphore_mem>>)
          tpu.wait_dma2 semaphore(%run_scoped3A : memref<!tpu.dma_semaphore, #tpu.memory_space<semaphore_mem>>) src(%arg11 : memref<1728xf32, #tpu.memory_space<vmem>>) dst(%arg6 : memref<1728xf32, #tpu.memory_space<hbm>>)
          tpu.yield
        }) : () -> ()
      } else {
      }
    } else {
    }
    %barrier3A = arith.constant 0 : index
    tpu.barrier barrier_id(%barrier3A)
    %mul3A = arith.constant 2 : i32
    %mul3A_2 = arith.muli %arg1, %mul3A : i32
    %add3A = arith.addi %mul3A_2, %arg0 : i32
    %lt3A = arith.constant 27 : i32
    %lt3A_3 = arith.cmpi slt, %add3A, %lt3A : i32
    %convert_element_type3A_4 = arith.extui %lt3A_3 : i1 to i32
    %cond3A_5 = arith.constant 0 : i32
    %cond3A_6 = arith.cmpi ne, %convert_element_type3A_4, %cond3A_5 : i32
    scf.if %cond3A_6 {
      %mul3A_7 = arith.constant 64 : i32
      %mul3A_8 = arith.muli %add3A, %mul3A_7 : i32
      "tpu.region"() ({
        %run_scoped3A = tpu.sem_alloc : memref<!tpu.dma_semaphore, #tpu.memory_space<semaphore_mem>>
        %dma_start3A_13 = tpu.memref_slice %arg12[%mul3A_8] : memref<1728xi32, #tpu.memory_space<vmem_shared>> -> memref<64xi32, #tpu.memory_space<vmem_shared>>
        %dma_start3A_14 = tpu.memref_slice %arg12[%mul3A_8] : memref<1728xi32, #tpu.memory_space<vmem_shared>> -> memref<64xi32, #tpu.memory_space<vmem_shared>>
        tpu.enqueue_dma source(%dma_start3A_14 : memref<64xi32, #tpu.memory_space<vmem_shared>>) target(%arg13 : memref<64xi32, #tpu.memory_space<vmem>>) target_semaphore(%run_scoped3A : memref<!tpu.dma_semaphore, #tpu.memory_space<semaphore_mem>>)
        %dma_wait3A_15 = tpu.memref_slice %arg12[%mul3A_8] : memref<1728xi32, #tpu.memory_space<vmem_shared>> -> memref<64xi32, #tpu.memory_space<vmem_shared>>
        %dma_wait3A_16 = tpu.memref_slice %arg12[%mul3A_8] : memref<1728xi32, #tpu.memory_space<vmem_shared>> -> memref<64xi32, #tpu.memory_space<vmem_shared>>
        tpu.wait_dma2 semaphore(%run_scoped3A : memref<!tpu.dma_semaphore, #tpu.memory_space<semaphore_mem>>) src(%dma_wait3A_16 : memref<64xi32, #tpu.memory_space<vmem_shared>>) dst(%arg13 : memref<64xi32, #tpu.memory_space<vmem>>)
        tpu.yield
      }) : () -> ()
      %dma_start3A = arith.constant 0 : i32
      %dma_start3A_9 = arith.constant 0 : i32
      %dma_start3A_10 = tpu.memref_slice %arg4[%dma_start3A, %dma_start3A_9] : memref<2304x256xf32, #tpu.memory_space<hbm>> -> memref<2304x256xf32, #tpu.memory_space<hbm>>
      tpu.enqueue_indirect_dma source(%dma_start3A_10 : memref<2304x256xf32, #tpu.memory_space<hbm>>) target(%arg14 : memref<64x256xf32, #tpu.memory_space<vmem>>) offsets(%arg13 : memref<64xi32, #tpu.memory_space<vmem>>) semaphore(%arg15 : memref<!tpu.dma_semaphore, #tpu.memory_space<semaphore_mem>>)
      %dma_wait3A = arith.constant 0 : i32
      %dma_wait3A_11 = arith.constant 0 : i32
      %dma_wait3A_12 = tpu.memref_slice %arg4[%dma_wait3A, %dma_wait3A_11] : memref<2304x256xf32, #tpu.memory_space<hbm>> -> memref<2304x256xf32, #tpu.memory_space<hbm>>
      tpu.wait_indirect_dma semaphore(%arg15 : memref<!tpu.dma_semaphore, #tpu.memory_space<semaphore_mem>>) src(%dma_wait3A_12 : memref<2304x256xf32, #tpu.memory_space<hbm>>) dst(%arg14 : memref<64x256xf32, #tpu.memory_space<vmem>>)
      "tpu.region"() ({
        %run_scoped3A = tpu.sem_alloc : memref<!tpu.dma_semaphore, #tpu.memory_space<semaphore_mem>>
        %dma_start3A_13 = arith.constant 0 : i32
        %dma_start3A_14 = tpu.memref_slice %arg7[%mul3A_8, %dma_start3A_13] : memref<1728x256xf32, #tpu.memory_space<hbm>> -> memref<64x256xf32, #tpu.memory_space<hbm>>
        %dma_start3A_15 = arith.constant 0 : i32
        %dma_start3A_16 = tpu.memref_slice %arg7[%mul3A_8, %dma_start3A_15] : memref<1728x256xf32, #tpu.memory_space<hbm>> -> memref<64x256xf32, #tpu.memory_space<hbm>>
        tpu.enqueue_dma source(%arg14 : memref<64x256xf32, #tpu.memory_space<vmem>>) target(%dma_start3A_16 : memref<64x256xf32, #tpu.memory_space<hbm>>) target_semaphore(%run_scoped3A : memref<!tpu.dma_semaphore, #tpu.memory_space<semaphore_mem>>)
        %dma_wait3A_17 = arith.constant 0 : i32
        %dma_wait3A_18 = tpu.memref_slice %arg7[%mul3A_8, %dma_wait3A_17] : memref<1728x256xf32, #tpu.memory_space<hbm>> -> memref<64x256xf32, #tpu.memory_space<hbm>>
        %dma_wait3A_19 = arith.constant 0 : i32
        %dma_wait3A_20 = tpu.memref_slice %arg7[%mul3A_8, %dma_wait3A_19] : memref<1728x256xf32, #tpu.memory_space<hbm>> -> memref<64x256xf32, #tpu.memory_space<hbm>>
        tpu.wait_dma2 semaphore(%run_scoped3A : memref<!tpu.dma_semaphore, #tpu.memory_space<semaphore_mem>>) src(%arg14 : memref<64x256xf32, #tpu.memory_space<vmem>>) dst(%dma_wait3A_20 : memref<64x256xf32, #tpu.memory_space<hbm>>)
        tpu.yield
      }) : () -> ()
    } else {
    }
    return
  }
}

module attributes {stable_mosaic.version = 14 : i64} {
  func.func @_dist_body(%arg0: i32, %arg1: i32, %arg2: memref<512x512xf32, #tpu.memory_space<vmem>>, %arg3: memref<2048x512xf32, #tpu.memory_space<vmem>>, %arg4: memref<512x2048xbf16, #tpu.memory_space<vmem>>, %arg5: memref<1x2048xf32, #tpu.memory_space<vmem>>) attributes {dimension_semantics = [#tpu.dimension_semantics<arbitrary>, #tpu.dimension_semantics<arbitrary>], iteration_bounds = array<i64: 2, 8>, scalar_prefetch = 0 : i64, scratch_operands = 0 : i64, tpu.core_type = #tpu.core_type<tc>, window_params = [{transform_indices = @transform_0, window_bounds = array<i64: 512, 512>}, {transform_indices = @transform_1, window_bounds = array<i64: 2048, 512>}, {transform_indices = @transform_2, window_bounds = array<i64: 512, 2048>}, {transform_indices = @transform_3, window_bounds = array<i64: 1, 2048>}]} {
    %get3A = arith.constant 0 : index
    %get3A_0 = arith.constant 0 : index
    %get3A_1 = vector.load %arg2[%get3A, %get3A_0] : memref<512x512xf32, #tpu.memory_space<vmem>>, vector<512x512xf32>
    %get3A_2 = arith.constant 0 : index
    %get3A_3 = arith.constant 0 : index
    %get3A_4 = vector.load %arg3[%get3A_2, %get3A_3] : memref<2048x512xf32, #tpu.memory_space<vmem>>, vector<2048x512xf32>
    %mul3A = arith.mulf %get3A_1, %get3A_1 : vector<512x512xf32>
    %reduce_sum3A = arith.constant dense<0.000000e+00> : vector<512xf32>
    %reduce_sum3A_5 = vector.multi_reduction <add>, %mul3A, %reduce_sum3A [1] : vector<512x512xf32> to vector<512xf32>
    %broadcast_in_dim3A = vector.shape_cast %reduce_sum3A_5 : vector<512xf32> to vector<512x1xf32>
    %broadcast_in_dim3A_6 = arith.constant 1.000000e+00 : f32
    %broadcast_in_dim3A_7 = vector.broadcast %broadcast_in_dim3A_6 : f32 to vector<1x512xf32>
    %mul3A_8 = arith.mulf %get3A_4, %get3A_4 : vector<2048x512xf32>
    %dot_general3A = arith.constant dense<0.000000e+00> : vector<1x2048xf32>
    %dot_general3A_9 = tpu.matmul %broadcast_in_dim3A_7, %mul3A_8, %dot_general3A {dimension_numbers = #tpu.dot_dimension_numbers<[1], [1], [0], [0], [0, 0, 1, 0], [], []>, transpose_lhs_hint = false} : vector<1x512xf32>, vector<2048x512xf32>, vector<1x2048xf32> -> vector<1x2048xf32>
    %add3A = vector.broadcast %broadcast_in_dim3A : vector<512x1xf32> to vector<512x2048xf32>
    %add3A_10 = vector.broadcast %dot_general3A_9 : vector<1x2048xf32> to vector<512x2048xf32>
    %add3A_11 = arith.addf %add3A, %add3A_10 : vector<512x2048xf32>
    %convert_element_type3A = arith.truncf %get3A_1 : vector<512x512xf32> to vector<512x512xbf16>
    %convert_element_type3A_12 = arith.truncf %get3A_4 : vector<2048x512xf32> to vector<2048x512xbf16>
    %dot_general3A_13 = arith.constant dense<0.000000e+00> : vector<512x2048xf32>
    %dot_general3A_14 = tpu.matmul %convert_element_type3A, %convert_element_type3A_12, %dot_general3A_13 {dimension_numbers = #tpu.dot_dimension_numbers<[1], [1], [0], [0], [0, 0, 1, 0], [], []>, transpose_lhs_hint = false} : vector<512x512xbf16>, vector<2048x512xbf16>, vector<512x2048xf32> -> vector<512x2048xf32>
    %mul3A_15 = arith.constant 2.000000e+00 : f32
    %mul3A_16 = vector.broadcast %mul3A_15 : f32 to vector<512x2048xf32>
    %mul3A_17 = arith.mulf %mul3A_16, %dot_general3A_14 : vector<512x2048xf32>
    %sub3A = arith.subf %add3A_11, %mul3A_17 : vector<512x2048xf32>
    %convert_element_type3A_18 = arith.truncf %sub3A : vector<512x2048xf32> to vector<512x2048xbf16>
    %swap3A = arith.constant 0 : index
    %swap3A_19 = arith.constant 0 : index
    %swap3A_20 = vector.load %arg4[%swap3A, %swap3A_19] : memref<512x2048xbf16, #tpu.memory_space<vmem>>, vector<512x2048xbf16>
    tpu.vector_store %arg4[%swap3A, %swap3A_19], %convert_element_type3A_18 {strides = array<i32>} : memref<512x2048xbf16, #tpu.memory_space<vmem>>, vector<512x2048xbf16>,
    %reduce_max3A = arith.constant dense<0xFF800000> : vector<2048xf32>
    %reduce_max3A_21 = vector.multi_reduction <maximumf>, %sub3A, %reduce_max3A [0] : vector<512x2048xf32> to vector<2048xf32>
    %broadcast_in_dim3A_22 = vector.shape_cast %reduce_max3A_21 : vector<2048xf32> to vector<1x2048xf32>
    %eq3A = arith.constant 0 : i32
    %eq3A_23 = arith.cmpi eq, %arg1, %eq3A : i32
    %convert_element_type3A_24 = arith.extui %eq3A_23 : i1 to i32
    %cond3A = arith.constant 0 : i32
    %cond3A_25 = arith.cmpi ne, %convert_element_type3A_24, %cond3A : i32
    scf.if %cond3A_25 {
      %swap3A_30 = arith.constant 0 : index
      %swap3A_31 = arith.constant 0 : index
      %swap3A_32 = vector.load %arg5[%swap3A_30, %swap3A_31] : memref<1x2048xf32, #tpu.memory_space<vmem>>, vector<1x2048xf32>
      tpu.vector_store %arg5[%swap3A_30, %swap3A_31], %broadcast_in_dim3A_22 {strides = array<i32>} : memref<1x2048xf32, #tpu.memory_space<vmem>>, vector<1x2048xf32>,
    } else {
    }
    %gt3A = arith.constant 0 : i32
    %gt3A_26 = arith.cmpi sgt, %arg1, %gt3A : i32
    %convert_element_type3A_27 = arith.extui %gt3A_26 : i1 to i32
    %cond3A_28 = arith.constant 0 : i32
    %cond3A_29 = arith.cmpi ne, %convert_element_type3A_27, %cond3A_28 : i32
    scf.if %cond3A_29 {
      %get3A_30 = arith.constant 0 : index
      %get3A_31 = arith.constant 0 : index
      %get3A_32 = vector.load %arg5[%get3A_30, %get3A_31] : memref<1x2048xf32, #tpu.memory_space<vmem>>, vector<1x2048xf32>
      %max3A = arith.maximumf %get3A_32, %broadcast_in_dim3A_22 : vector<1x2048xf32>
      %swap3A_33 = arith.constant 0 : index
      %swap3A_34 = arith.constant 0 : index
      %swap3A_35 = vector.load %arg5[%swap3A_33, %swap3A_34] : memref<1x2048xf32, #tpu.memory_space<vmem>>, vector<1x2048xf32>
      tpu.vector_store %arg5[%swap3A_33, %swap3A_34], %max3A {strides = array<i32>} : memref<1x2048xf32, #tpu.memory_space<vmem>>, vector<1x2048xf32>,
    } else {
    }
    return
  }
  func.func @transform_0(%arg0: i32, %arg1: i32) -> (i32, i32) {
    %c0_i32 = arith.constant 0 : i32
    %c0_i32_0 = arith.constant 0 : i32
    return %arg1, %c0_i32 : i32, i32
  }
  func.func @transform_1(%arg0: i32, %arg1: i32) -> (i32, i32) {
    %c0_i32 = arith.constant 0 : i32
    %c0_i32_0 = arith.constant 0 : i32
    return %arg0, %c0_i32 : i32, i32
  }
  func.func @transform_2(%arg0: i32, %arg1: i32) -> (i32, i32) {
    %c0_i32 = arith.constant 0 : i32
    return %arg1, %arg0 : i32, i32
  }
  func.func @transform_3(%arg0: i32, %arg1: i32) -> (i32, i32) {
    %c0_i32 = arith.constant 0 : i32
    %c0_i32_0 = arith.constant 0 : i32
    return %c0_i32, %arg0 : i32, i32
  }
}

module attributes {stable_mosaic.version = 14 : i64} {
  func.func @_attn_ln_body(%arg0: i32, %arg1: memref<4096x128xf32, #tpu.memory_space<vmem>>, %arg2: memref<128x128xf32, #tpu.memory_space<vmem>>, %arg3: memref<1x128xf32, #tpu.memory_space<vmem>>, %arg4: memref<256x512xf32, #tpu.memory_space<vmem>>, %arg5: memref<1x512xf32, #tpu.memory_space<vmem>>, %arg6: memref<1x512xf32, #tpu.memory_space<vmem>>, %arg7: memref<1x128xf32, #tpu.memory_space<vmem>>, %arg8: memref<1x128xf32, #tpu.memory_space<vmem>>, %arg9: memref<512x256xf32, #tpu.memory_space<vmem>>, %arg10: memref<128x256xf32, #tpu.memory_space<vmem>>, %arg11: memref<256x512xf32, #tpu.memory_space<vmem>>, %arg12: memref<256x128xf32, #tpu.memory_space<vmem>>, %arg13: memref<256x256xf32, #tpu.memory_space<vmem>>, %arg14: memref<4096x128xf32, #tpu.memory_space<vmem>>) attributes {dimension_semantics = [#tpu.dimension_semantics<arbitrary>], iteration_bounds = array<i64: 16>, scalar_prefetch = 0 : i64, scratch_operands = 1 : i64, tpu.core_type = #tpu.core_type<tc>, window_params = [{pipeline_mode = #tpu.pipeline_mode<synchronous>, transform_indices = @transform_0, window_bounds = array<i64: 4096, 128>}, {pipeline_mode = #tpu.pipeline_mode<synchronous>, transform_indices = @transform_1, window_bounds = array<i64: 128, 128>}, {pipeline_mode = #tpu.pipeline_mode<synchronous>, transform_indices = @transform_2, window_bounds = array<i64: 1, 128>}, {transform_indices = @transform_3, window_bounds = array<i64: 256, 512>}, {pipeline_mode = #tpu.pipeline_mode<synchronous>, transform_indices = @transform_4, window_bounds = array<i64: 1, 512>}, {pipeline_mode = #tpu.pipeline_mode<synchronous>, transform_indices = @transform_5, window_bounds = array<i64: 1, 512>}, {pipeline_mode = #tpu.pipeline_mode<synchronous>, transform_indices = @transform_6, window_bounds = array<i64: 1, 128>}, {pipeline_mode = #tpu.pipeline_mode<synchronous>, transform_indices = @transform_7, window_bounds = array<i64: 1, 128>}, {pipeline_mode = #tpu.pipeline_mode<synchronous>, transform_indices = @transform_8, window_bounds = array<i64: 512, 256>}, {pipeline_mode = #tpu.pipeline_mode<synchronous>, transform_indices = @transform_9, window_bounds = array<i64: 128, 256>}, {transform_indices = @transform_10, window_bounds = array<i64: 256, 512>}, {transform_indices = @transform_11, window_bounds = array<i64: 256, 128>}, {transform_indices = @transform_12, window_bounds = array<i64: 256, 256>}]} {
    %eq3A = arith.constant 0 : i32
    %eq3A_0 = arith.cmpi eq, %arg0, %eq3A : i32
    %convert_element_type3A = arith.extui %eq3A_0 : i1 to i32
    %cond3A = arith.constant 0 : i32
    %cond3A_1 = arith.cmpi ne, %convert_element_type3A, %cond3A : i32
    scf.if %cond3A_1 {
      %get3A_111 = arith.constant 0 : index
      %get3A_112 = arith.constant 0 : index
      %get3A_113 = vector.load %arg1[%get3A_111, %get3A_112] : memref<4096x128xf32, #tpu.memory_space<vmem>>, vector<4096x128xf32>
      %get3A_114 = arith.constant 0 : index
      %get3A_115 = arith.constant 0 : index
      %get3A_116 = vector.load %arg2[%get3A_114, %get3A_115] : memref<128x128xf32, #tpu.memory_space<vmem>>, vector<128x128xf32>
      %dot_general3A_117 = arith.constant dense<0.000000e+00> : vector<4096x128xf32>
      %dot_general3A_118 = tpu.matmul %get3A_113, %get3A_116, %dot_general3A_117 {dimension_numbers = #tpu.dot_dimension_numbers<[1], [0], [0], [1], [0, 0, 1, 1], [], []>, transpose_lhs_hint = false} : vector<4096x128xf32>, vector<128x128xf32>, vector<4096x128xf32> -> vector<4096x128xf32>
      %get3A_119 = arith.constant 0 : index
      %get3A_120 = arith.constant 0 : index
      %get3A_121 = vector.load %arg3[%get3A_119, %get3A_120] : memref<1x128xf32, #tpu.memory_space<vmem>>, vector<1x128xf32>
      %add3A_122 = vector.broadcast %get3A_121 : vector<1x128xf32> to vector<4096x128xf32>
      %add3A_123 = arith.addf %dot_general3A_118, %add3A_122 : vector<4096x128xf32>
      %swap3A_124 = arith.constant 0 : index
      %swap3A_125 = arith.constant 0 : index
      %swap3A_126 = vector.load %arg14[%swap3A_124, %swap3A_125] : memref<4096x128xf32, #tpu.memory_space<vmem>>, vector<4096x128xf32>
      tpu.vector_store %arg14[%swap3A_124, %swap3A_125], %add3A_123 {strides = array<i32>} : memref<4096x128xf32, #tpu.memory_space<vmem>>, vector<4096x128xf32>,
    } else {
    }
    %get3A = arith.constant 0 : index
    %get3A_2 = arith.constant 0 : index
    %get3A_3 = vector.load %arg14[%get3A, %get3A_2] : memref<4096x128xf32, #tpu.memory_space<vmem>>, vector<4096x128xf32>
    %mul3A = arith.constant 256 : i32
    %mul3A_4 = arith.muli %arg0, %mul3A : i32
    %get3A_5 = arith.index_cast %mul3A_4 : i32 to index
    %get3A_6 = arith.constant 0 : index
    %get3A_7 = vector.load %arg14[%get3A_5, %get3A_6] : memref<4096x128xf32, #tpu.memory_space<vmem>>, vector<256x128xf32>
    %dot_general3A = arith.constant dense<0.000000e+00> : vector<256x4096xf32>
    %dot_general3A_8 = tpu.matmul %get3A_7, %get3A_3, %dot_general3A {dimension_numbers = #tpu.dot_dimension_numbers<[1], [1], [0], [0], [0, 0, 1, 0], [], []>, transpose_lhs_hint = false} : vector<256x128xf32>, vector<4096x128xf32>, vector<256x4096xf32> -> vector<256x4096xf32>
    %mul3A_9 = arith.constant 0.288675129 : f32
    %mul3A_10 = vector.broadcast %mul3A_9 : f32 to vector<256x4096xf32>
    %mul3A_11 = arith.mulf %dot_general3A_8, %mul3A_10 : vector<256x4096xf32>
    %reduce_max3A = arith.constant dense<0xFF800000> : vector<256xf32>
    %reduce_max3A_12 = vector.multi_reduction <maximumf>, %mul3A_11, %reduce_max3A [1] : vector<256x4096xf32> to vector<256xf32>
    %broadcast_in_dim3A = vector.shape_cast %reduce_max3A_12 : vector<256xf32> to vector<256x1xf32>
    %sub3A = vector.broadcast %broadcast_in_dim3A : vector<256x1xf32> to vector<256x4096xf32>
    %sub3A_13 = arith.subf %mul3A_11, %sub3A : vector<256x4096xf32>
    %exp3A = math.exp %sub3A_13 : vector<256x4096xf32>
    %reduce_sum3A = arith.constant dense<0.000000e+00> : vector<256xf32>
    %reduce_sum3A_14 = vector.multi_reduction <add>, %exp3A, %reduce_sum3A [1] : vector<256x4096xf32> to vector<256xf32>
    %broadcast_in_dim3A_15 = vector.shape_cast %reduce_sum3A_14 : vector<256xf32> to vector<256x1xf32>
    %dot_general3A_16 = arith.constant dense<0.000000e+00> : vector<256x128xf32>
    %dot_general3A_17 = tpu.matmul %exp3A, %get3A_3, %dot_general3A_16 {dimension_numbers = #tpu.dot_dimension_numbers<[1], [0], [0], [1], [0, 0, 1, 1], [], []>, transpose_lhs_hint = false} : vector<256x4096xf32>, vector<4096x128xf32>, vector<256x128xf32> -> vector<256x128xf32>
    %div3A = vector.broadcast %broadcast_in_dim3A_15 : vector<256x1xf32> to vector<256x128xf32>
    %div3A_18 = arith.divf %dot_general3A_17, %div3A : vector<256x128xf32>
    %reduce_sum3A_19 = arith.constant dense<0.000000e+00> : vector<256xf32>
    %reduce_sum3A_20 = vector.multi_reduction <add>, %div3A_18, %reduce_sum3A_19 [1] : vector<256x128xf32> to vector<256xf32>
    %broadcast_in_dim3A_21 = vector.shape_cast %reduce_sum3A_20 : vector<256xf32> to vector<256x1xf32>
    %div3A_22 = arith.constant 1.200000e+01 : f32
    %div3A_23 = vector.broadcast %div3A_22 : f32 to vector<256x1xf32>
    %div3A_24 = arith.divf %broadcast_in_dim3A_21, %div3A_23 : vector<256x1xf32>
    %iota3A = tpu.iota {dimensions = array<i32: 1>} : vector<256x128xi32>
    %lt3A = arith.constant 12 : i32
    %lt3A_25 = vector.broadcast %lt3A : i32 to vector<256x128xi32>
    %lt3A_26 = arith.cmpi slt, %iota3A, %lt3A_25 : vector<256x128xi32>
    %sub3A_27 = vector.broadcast %div3A_24 : vector<256x1xf32> to vector<256x128xf32>
    %sub3A_28 = arith.subf %div3A_18, %sub3A_27 : vector<256x128xf32>
    %jit3A = arith.constant 0.000000e+00 : f32
    %broadcast_in_dim3A_29 = vector.broadcast %jit3A : f32 to vector<256x128xf32>
    %select_n3A = arith.select %lt3A_26, %sub3A_28, %broadcast_in_dim3A_29 : vector<256x128xi1>, vector<256x128xf32>
    %mul3A_30 = arith.mulf %select_n3A, %select_n3A : vector<256x128xf32>
    %reduce_sum3A_31 = arith.constant dense<0.000000e+00> : vector<256xf32>
    %reduce_sum3A_32 = vector.multi_reduction <add>, %mul3A_30, %reduce_sum3A_31 [1] : vector<256x128xf32> to vector<256xf32>
    %broadcast_in_dim3A_33 = vector.shape_cast %reduce_sum3A_32 : vector<256xf32> to vector<256x1xf32>
    %div3A_34 = arith.constant 1.200000e+01 : f32
    %div3A_35 = vector.broadcast %div3A_34 : f32 to vector<256x1xf32>
    %div3A_36 = arith.divf %broadcast_in_dim3A_33, %div3A_35 : vector<256x1xf32>
    %add3A = arith.constant 9.99999974E-6 : f32
    %add3A_37 = vector.broadcast %add3A : f32 to vector<256x1xf32>
    %add3A_38 = arith.addf %div3A_36, %add3A_37 : vector<256x1xf32>
    %sqrt3A = math.sqrt %add3A_38 : vector<256x1xf32>
    %div3A_39 = vector.broadcast %sqrt3A : vector<256x1xf32> to vector<256x128xf32>
    %div3A_40 = arith.divf %select_n3A, %div3A_39 : vector<256x128xf32>
    %get3A_41 = arith.constant 0 : index
    %get3A_42 = arith.constant 0 : index
    %get3A_43 = vector.load %arg7[%get3A_41, %get3A_42] : memref<1x128xf32, #tpu.memory_space<vmem>>, vector<1x128xf32>
    %mul3A_44 = vector.broadcast %get3A_43 : vector<1x128xf32> to vector<256x128xf32>
    %mul3A_45 = arith.mulf %div3A_40, %mul3A_44 : vector<256x128xf32>
    %get3A_46 = arith.constant 0 : index
    %get3A_47 = arith.constant 0 : index
    %get3A_48 = vector.load %arg8[%get3A_46, %get3A_47] : memref<1x128xf32, #tpu.memory_space<vmem>>, vector<1x128xf32>
    %add3A_49 = vector.broadcast %get3A_48 : vector<1x128xf32> to vector<256x128xf32>
    %add3A_50 = arith.addf %mul3A_45, %add3A_49 : vector<256x128xf32>
    %get3A_51 = arith.constant 0 : index
    %get3A_52 = arith.constant 0 : index
    %get3A_53 = vector.load %arg4[%get3A_51, %get3A_52] : memref<256x512xf32, #tpu.memory_space<vmem>>, vector<256x512xf32>
    %reduce_sum3A_54 = arith.constant dense<0.000000e+00> : vector<256xf32>
    %reduce_sum3A_55 = vector.multi_reduction <add>, %get3A_53, %reduce_sum3A_54 [1] : vector<256x512xf32> to vector<256xf32>
    %broadcast_in_dim3A_56 = vector.shape_cast %reduce_sum3A_55 : vector<256xf32> to vector<256x1xf32>
    %div3A_57 = arith.constant 5.000000e+02 : f32
    %div3A_58 = vector.broadcast %div3A_57 : f32 to vector<256x1xf32>
    %div3A_59 = arith.divf %broadcast_in_dim3A_56, %div3A_58 : vector<256x1xf32>
    %iota3A_60 = tpu.iota {dimensions = array<i32: 1>} : vector<256x512xi32>
    %lt3A_61 = arith.constant 500 : i32
    %lt3A_62 = vector.broadcast %lt3A_61 : i32 to vector<256x512xi32>
    %lt3A_63 = arith.cmpi slt, %iota3A_60, %lt3A_62 : vector<256x512xi32>
    %sub3A_64 = vector.broadcast %div3A_59 : vector<256x1xf32> to vector<256x512xf32>
    %sub3A_65 = arith.subf %get3A_53, %sub3A_64 : vector<256x512xf32>
    %jit3A_66 = arith.constant 0.000000e+00 : f32
    %broadcast_in_dim3A_67 = vector.broadcast %jit3A_66 : f32 to vector<256x512xf32>
    %select_n3A_68 = arith.select %lt3A_63, %sub3A_65, %broadcast_in_dim3A_67 : vector<256x512xi1>, vector<256x512xf32>
    %mul3A_69 = arith.mulf %select_n3A_68, %select_n3A_68 : vector<256x512xf32>
    %reduce_sum3A_70 = arith.constant dense<0.000000e+00> : vector<256xf32>
    %reduce_sum3A_71 = vector.multi_reduction <add>, %mul3A_69, %reduce_sum3A_70 [1] : vector<256x512xf32> to vector<256xf32>
    %broadcast_in_dim3A_72 = vector.shape_cast %reduce_sum3A_71 : vector<256xf32> to vector<256x1xf32>
    %div3A_73 = arith.constant 5.000000e+02 : f32
    %div3A_74 = vector.broadcast %div3A_73 : f32 to vector<256x1xf32>
    %div3A_75 = arith.divf %broadcast_in_dim3A_72, %div3A_74 : vector<256x1xf32>
    %add3A_76 = arith.constant 9.99999974E-6 : f32
    %add3A_77 = vector.broadcast %add3A_76 : f32 to vector<256x1xf32>
    %add3A_78 = arith.addf %div3A_75, %add3A_77 : vector<256x1xf32>
    %sqrt3A_79 = math.sqrt %add3A_78 : vector<256x1xf32>
    %div3A_80 = vector.broadcast %sqrt3A_79 : vector<256x1xf32> to vector<256x512xf32>
    %div3A_81 = arith.divf %select_n3A_68, %div3A_80 : vector<256x512xf32>
    %get3A_82 = arith.constant 0 : index
    %get3A_83 = arith.constant 0 : index
    %get3A_84 = vector.load %arg5[%get3A_82, %get3A_83] : memref<1x512xf32, #tpu.memory_space<vmem>>, vector<1x512xf32>
    %mul3A_85 = vector.broadcast %get3A_84 : vector<1x512xf32> to vector<256x512xf32>
    %mul3A_86 = arith.mulf %div3A_81, %mul3A_85 : vector<256x512xf32>
    %get3A_87 = arith.constant 0 : index
    %get3A_88 = arith.constant 0 : index
    %get3A_89 = vector.load %arg6[%get3A_87, %get3A_88] : memref<1x512xf32, #tpu.memory_space<vmem>>, vector<1x512xf32>
    %add3A_90 = vector.broadcast %get3A_89 : vector<1x512xf32> to vector<256x512xf32>
    %add3A_91 = arith.addf %mul3A_86, %add3A_90 : vector<256x512xf32>
    %swap3A = arith.constant 0 : index
    %swap3A_92 = arith.constant 0 : index
    %swap3A_93 = vector.load %arg11[%swap3A, %swap3A_92] : memref<256x512xf32, #tpu.memory_space<vmem>>, vector<256x512xf32>
    tpu.vector_store %arg11[%swap3A, %swap3A_92], %add3A_91 {strides = array<i32>} : memref<256x512xf32, #tpu.memory_space<vmem>>, vector<256x512xf32>,
    %swap3A_94 = arith.constant 0 : index
    %swap3A_95 = arith.constant 0 : index
    %swap3A_96 = vector.load %arg12[%swap3A_94, %swap3A_95] : memref<256x128xf32, #tpu.memory_space<vmem>>, vector<256x128xf32>
    tpu.vector_store %arg12[%swap3A_94, %swap3A_95], %add3A_50 {strides = array<i32>} : memref<256x128xf32, #tpu.memory_space<vmem>>, vector<256x128xf32>,
    %get3A_97 = arith.constant 0 : index
    %get3A_98 = arith.constant 0 : index
    %get3A_99 = vector.load %arg9[%get3A_97, %get3A_98] : memref<512x256xf32, #tpu.memory_space<vmem>>, vector<512x256xf32>
    %dot_general3A_100 = arith.constant dense<0.000000e+00> : vector<256x256xf32>
    %dot_general3A_101 = tpu.matmul %add3A_91, %get3A_99, %dot_general3A_100 {dimension_numbers = #tpu.dot_dimension_numbers<[1], [0], [0], [1], [0, 0, 1, 1], [], []>, transpose_lhs_hint = false} : vector<256x512xf32>, vector<512x256xf32>, vector<256x256xf32> -> vector<256x256xf32>
    %get3A_102 = arith.constant 0 : index
    %get3A_103 = arith.constant 0 : index
    %get3A_104 = vector.load %arg10[%get3A_102, %get3A_103] : memref<128x256xf32, #tpu.memory_space<vmem>>, vector<128x256xf32>
    %dot_general3A_105 = arith.constant dense<0.000000e+00> : vector<256x256xf32>
    %dot_general3A_106 = tpu.matmul %add3A_50, %get3A_104, %dot_general3A_105 {dimension_numbers = #tpu.dot_dimension_numbers<[1], [0], [0], [1], [0, 0, 1, 1], [], []>, transpose_lhs_hint = false} : vector<256x128xf32>, vector<128x256xf32>, vector<256x256xf32> -> vector<256x256xf32>
    %add3A_107 = arith.addf %dot_general3A_101, %dot_general3A_106 : vector<256x256xf32>
    %swap3A_108 = arith.constant 0 : index
    %swap3A_109 = arith.constant 0 : index
    %swap3A_110 = vector.load %arg13[%swap3A_108, %swap3A_109] : memref<256x256xf32, #tpu.memory_space<vmem>>, vector<256x256xf32>
    tpu.vector_store %arg13[%swap3A_108, %swap3A_109], %add3A_107 {strides = array<i32>} : memref<256x256xf32, #tpu.memory_space<vmem>>, vector<256x256xf32>,
    return
  }
  func.func @transform_0(%arg0: i32) -> (i32, i32) {
    %c0_i32 = arith.constant 0 : i32
    %c0_i32_0 = arith.constant 0 : i32
    %c0_i32_1 = arith.constant 0 : i32
    return %c0_i32, %c0_i32_0 : i32, i32
  }
  func.func @transform_1(%arg0: i32) -> (i32, i32) {
    %c0_i32 = arith.constant 0 : i32
    %c0_i32_0 = arith.constant 0 : i32
    %c0_i32_1 = arith.constant 0 : i32
    return %c0_i32, %c0_i32_0 : i32, i32
  }
  func.func @transform_2(%arg0: i32) -> (i32, i32) {
    %c0_i32 = arith.constant 0 : i32
    %c0_i32_0 = arith.constant 0 : i32
    %c0_i32_1 = arith.constant 0 : i32
    return %c0_i32, %c0_i32_0 : i32, i32
  }
  func.func @transform_3(%arg0: i32) -> (i32, i32) {
    %c0_i32 = arith.constant 0 : i32
    %c0_i32_0 = arith.constant 0 : i32
    return %arg0, %c0_i32 : i32, i32
  }
  func.func @transform_4(%arg0: i32) -> (i32, i32) {
    %c0_i32 = arith.constant 0 : i32
    %c0_i32_0 = arith.constant 0 : i32
    %c0_i32_1 = arith.constant 0 : i32
    return %c0_i32, %c0_i32_0 : i32, i32
  }
  func.func @transform_5(%arg0: i32) -> (i32, i32) {
    %c0_i32 = arith.constant 0 : i32
    %c0_i32_0 = arith.constant 0 : i32
    %c0_i32_1 = arith.constant 0 : i32
    return %c0_i32, %c0_i32_0 : i32, i32
  }
  func.func @transform_6(%arg0: i32) -> (i32, i32) {
    %c0_i32 = arith.constant 0 : i32
    %c0_i32_0 = arith.constant 0 : i32
    %c0_i32_1 = arith.constant 0 : i32
    return %c0_i32, %c0_i32_0 : i32, i32
  }
  func.func @transform_7(%arg0: i32) -> (i32, i32) {
    %c0_i32 = arith.constant 0 : i32
    %c0_i32_0 = arith.constant 0 : i32
    %c0_i32_1 = arith.constant 0 : i32
    return %c0_i32, %c0_i32_0 : i32, i32
  }
  func.func @transform_8(%arg0: i32) -> (i32, i32) {
    %c0_i32 = arith.constant 0 : i32
    %c0_i32_0 = arith.constant 0 : i32
    %c0_i32_1 = arith.constant 0 : i32
    return %c0_i32, %c0_i32_0 : i32, i32
  }
  func.func @transform_9(%arg0: i32) -> (i32, i32) {
    %c0_i32 = arith.constant 0 : i32
    %c0_i32_0 = arith.constant 0 : i32
    %c0_i32_1 = arith.constant 0 : i32
    return %c0_i32, %c0_i32_0 : i32, i32
  }
  func.func @transform_10(%arg0: i32) -> (i32, i32) {
    %c0_i32 = arith.constant 0 : i32
    %c0_i32_0 = arith.constant 0 : i32
    return %arg0, %c0_i32 : i32, i32
  }
  func.func @transform_11(%arg0: i32) -> (i32, i32) {
    %c0_i32 = arith.constant 0 : i32
    %c0_i32_0 = arith.constant 0 : i32
    return %arg0, %c0_i32 : i32, i32
  }
  func.func @transform_12(%arg0: i32) -> (i32, i32) {
    %c0_i32 = arith.constant 0 : i32
    %c0_i32_0 = arith.constant 0 : i32
    return %arg0, %c0_i32 : i32, i32
  }
}

module attributes {stable_mosaic.version = 14 : i64} {
  func.func @_mask1_body(%arg0: i32, %arg1: i32, %arg2: memref<1024x2048xbf16, #tpu.memory_space<vmem>>, %arg3: memref<1x4096xf32, #tpu.memory_space<vmem>>, %arg4: memref<1024x2048xbf16, #tpu.memory_space<vmem>>, %arg5: memref<1024x1xf32, #tpu.memory_space<vmem>>) attributes {dimension_semantics = [#tpu.dimension_semantics<arbitrary>, #tpu.dimension_semantics<arbitrary>], iteration_bounds = array<i64: 4, 2>, scalar_prefetch = 0 : i64, scratch_operands = 0 : i64, tpu.core_type = #tpu.core_type<tc>, window_params = [{transform_indices = @transform_0, window_bounds = array<i64: 1024, 2048>}, {pipeline_mode = #tpu.pipeline_mode<synchronous>, transform_indices = @transform_1, window_bounds = array<i64: 1, 4096>}, {transform_indices = @transform_2, window_bounds = array<i64: 1024, 2048>}, {transform_indices = @transform_3, window_bounds = array<i64: 1024, 1>}]} {
    %get3A = arith.constant 0 : index
    %get3A_0 = arith.constant 0 : index
    %get3A_1 = vector.load %arg3[%get3A, %get3A_0] : memref<1x4096xf32, #tpu.memory_space<vmem>>, vector<1x4096xf32>
    %reduce_max3A = vector.shape_cast %get3A_1 : vector<1x4096xf32> to vector<1x1x4096xf32>
    %reduce_max3A_2 = arith.constant dense<0xFF800000> : vector<1xf32>
    %reduce_max3A_3 = vector.multi_reduction <maximumf>, %reduce_max3A, %reduce_max3A_2 [1, 2] : vector<1x1x4096xf32> to vector<1xf32>
    %reduce_max3A_4 = vector.shape_cast %reduce_max3A_3 : vector<1xf32> to vector<1x1x1xf32>
    %reduce_max3A_5 = vector.extract %reduce_max3A_4[0, 0, 0] : f32 from vector<1x1x1xf32>
    %mul3A = arith.constant 5.000000e-01 : f32
    %mul3A_6 = arith.mulf %mul3A, %reduce_max3A_5 : f32
    %iota3A = tpu.iota {dimensions = array<i32: 0>} : vector<1024x2048xi32>
    %mul3A_7 = arith.constant 1024 : i32
    %mul3A_8 = arith.muli %arg0, %mul3A_7 : i32
    %add3A = vector.broadcast %mul3A_8 : i32 to vector<1024x2048xi32>
    %add3A_9 = arith.addi %iota3A, %add3A : vector<1024x2048xi32>
    %iota3A_10 = tpu.iota {dimensions = array<i32: 1>} : vector<1024x2048xi32>
    %mul3A_11 = arith.constant 2048 : i32
    %mul3A_12 = arith.muli %arg1, %mul3A_11 : i32
    %add3A_13 = vector.broadcast %mul3A_12 : i32 to vector<1024x2048xi32>
    %add3A_14 = arith.addi %iota3A_10, %add3A_13 : vector<1024x2048xi32>
    %get3A_15 = arith.constant 0 : index
    %get3A_16 = arith.constant 0 : index
    %get3A_17 = vector.load %arg2[%get3A_15, %get3A_16] : memref<1024x2048xbf16, #tpu.memory_space<vmem>>, vector<1024x2048xbf16>
    %convert_element_type3A = arith.extf %get3A_17 : vector<1024x2048xbf16> to vector<1024x2048xf32>
    %lt3A = vector.broadcast %mul3A_6 : f32 to vector<1024x2048xf32>
    %lt3A_18 = arith.cmpf olt, %convert_element_type3A, %lt3A : vector<1024x2048xf32>
    %lt3A_19 = arith.cmpi slt, %add3A_14, %add3A_9 : vector<1024x2048xi32>
    %and3A = arith.andi %lt3A_18, %lt3A_19 : vector<1024x2048xi1>
    %jit3A = arith.constant 1.000000e+00 : f32
    %jit3A_20 = arith.constant 0.000000e+00 : f32
    %broadcast_in_dim3A = vector.broadcast %jit3A : f32 to vector<1024x2048xf32>
    %broadcast_in_dim3A_21 = vector.broadcast %jit3A_20 : f32 to vector<1024x2048xf32>
    %select_n3A = arith.select %and3A, %broadcast_in_dim3A, %broadcast_in_dim3A_21 : vector<1024x2048xi1>, vector<1024x2048xf32>
    %convert_element_type3A_22 = arith.truncf %select_n3A : vector<1024x2048xf32> to vector<1024x2048xbf16>
    %swap3A = arith.constant 0 : index
    %swap3A_23 = arith.constant 0 : index
    %swap3A_24 = vector.load %arg4[%swap3A, %swap3A_23] : memref<1024x2048xbf16, #tpu.memory_space<vmem>>, vector<1024x2048xbf16>
    tpu.vector_store %arg4[%swap3A, %swap3A_23], %convert_element_type3A_22 {strides = array<i32>} : memref<1024x2048xbf16, #tpu.memory_space<vmem>>, vector<1024x2048xbf16>,
    %broadcast_in_dim3A_25 = arith.constant 1.000000e+00 : bf16
    %broadcast_in_dim3A_26 = vector.broadcast %broadcast_in_dim3A_25 : bf16 to vector<2048x128xbf16>
    %dot_general3A = arith.constant dense<0.000000e+00> : vector<1024x128xf32>
    %dot_general3A_27 = tpu.matmul %convert_element_type3A_22, %broadcast_in_dim3A_26, %dot_general3A {dimension_numbers = #tpu.dot_dimension_numbers<[1], [0], [0], [1], [0, 0, 1, 1], [], []>, transpose_lhs_hint = false} : vector<1024x2048xbf16>, vector<2048x128xbf16>, vector<1024x128xf32> -> vector<1024x128xf32>
    %slice3A = vector.extract_strided_slice %dot_general3A_27 {offsets = [0, 0], sizes = [1024, 1], strides = [1, 1]} : vector<1024x128xf32> to vector<1024x1xf32>
    %eq3A = arith.constant 0 : i32
    %eq3A_28 = arith.cmpi eq, %arg1, %eq3A : i32
    %convert_element_type3A_29 = arith.extui %eq3A_28 : i1 to i32
    %cond3A = arith.constant 0 : i32
    %cond3A_30 = arith.cmpi ne, %convert_element_type3A_29, %cond3A : i32
    scf.if %cond3A_30 {
      %add3A_40 = arith.constant 1.000000e+00 : f32
      %add3A_41 = vector.broadcast %add3A_40 : f32 to vector<1024x1xf32>
      %add3A_42 = arith.addf %add3A_41, %slice3A : vector<1024x1xf32>
      %swap3A_43 = arith.constant 0 : index
      %swap3A_44 = arith.constant 0 : index
      %swap3A_45 = vector.load %arg5[%swap3A_43, %swap3A_44] : memref<1024x1xf32, #tpu.memory_space<vmem>>, vector<1024x1xf32>
      tpu.vector_store %arg5[%swap3A_43, %swap3A_44], %add3A_42 {strides = array<i32>} : memref<1024x1xf32, #tpu.memory_space<vmem>>, vector<1024x1xf32>,
    } else {
    }
    %gt3A = arith.constant 0 : i32
    %gt3A_31 = arith.cmpi sgt, %arg1, %gt3A : i32
    %convert_element_type3A_32 = arith.extui %gt3A_31 : i1 to i32
    %cond3A_33 = arith.constant 0 : i32
    %cond3A_34 = arith.cmpi ne, %convert_element_type3A_32, %cond3A_33 : i32
    scf.if %cond3A_34 {
      %get3A_40 = arith.constant 0 : index
      %get3A_41 = arith.constant 0 : index
      %get3A_42 = vector.load %arg5[%get3A_40, %get3A_41] : memref<1024x1xf32, #tpu.memory_space<vmem>>, vector<1024x1xf32>
      %add3A_43 = arith.addf %get3A_42, %slice3A : vector<1024x1xf32>
      %swap3A_44 = arith.constant 0 : index
      %swap3A_45 = arith.constant 0 : index
      %swap3A_46 = vector.load %arg5[%swap3A_44, %swap3A_45] : memref<1024x1xf32, #tpu.memory_space<vmem>>, vector<1024x1xf32>
      tpu.vector_store %arg5[%swap3A_44, %swap3A_45], %add3A_43 {strides = array<i32>} : memref<1024x1xf32, #tpu.memory_space<vmem>>, vector<1024x1xf32>,
    } else {
    }
    %eq3A_35 = arith.constant 1 : i32
    %eq3A_36 = arith.cmpi eq, %arg1, %eq3A_35 : i32
    %convert_element_type3A_37 = arith.extui %eq3A_36 : i1 to i32
    %cond3A_38 = arith.constant 0 : i32
    %cond3A_39 = arith.cmpi ne, %convert_element_type3A_37, %cond3A_38 : i32
    scf.if %cond3A_39 {
      %get3A_40 = arith.constant 0 : index
      %get3A_41 = arith.constant 0 : index
      %get3A_42 = vector.load %arg5[%get3A_40, %get3A_41] : memref<1024x1xf32, #tpu.memory_space<vmem>>, vector<1024x1xf32>
      %sqrt3A = math.sqrt %get3A_42 : vector<1024x1xf32>
      %div3A = arith.constant 1.000000e+00 : f32
      %div3A_43 = vector.broadcast %div3A : f32 to vector<1024x1xf32>
      %div3A_44 = arith.divf %div3A_43, %sqrt3A : vector<1024x1xf32>
      %swap3A_45 = arith.constant 0 : index
      %swap3A_46 = arith.constant 0 : index
      %swap3A_47 = vector.load %arg5[%swap3A_45, %swap3A_46] : memref<1024x1xf32, #tpu.memory_space<vmem>>, vector<1024x1xf32>
      tpu.vector_store %arg5[%swap3A_45, %swap3A_46], %div3A_44 {strides = array<i32>} : memref<1024x1xf32, #tpu.memory_space<vmem>>, vector<1024x1xf32>,
    } else {
    }
    return
  }
  func.func @transform_0(%arg0: i32, %arg1: i32) -> (i32, i32) {
    %c0_i32 = arith.constant 0 : i32
    return %arg0, %arg1 : i32, i32
  }
  func.func @transform_1(%arg0: i32, %arg1: i32) -> (i32, i32) {
    %c0_i32 = arith.constant 0 : i32
    %c0_i32_0 = arith.constant 0 : i32
    %c0_i32_1 = arith.constant 0 : i32
    return %c0_i32, %c0_i32_0 : i32, i32
  }
  func.func @transform_2(%arg0: i32, %arg1: i32) -> (i32, i32) {
    %c0_i32 = arith.constant 0 : i32
    return %arg0, %arg1 : i32, i32
  }
  func.func @transform_3(%arg0: i32, %arg1: i32) -> (i32, i32) {
    %c0_i32 = arith.constant 0 : i32
    %c0_i32_0 = arith.constant 0 : i32
    return %arg0, %c0_i32 : i32, i32
  }
}

module attributes {stable_mosaic.version = 14 : i64} {
  func.func @_conv_body(%arg0: i32, %arg1: i32, %arg2: memref<1024x4096xbf16, #tpu.memory_space<vmem>>, %arg3: memref<4096x256xf32, #tpu.memory_space<vmem>>, %arg4: memref<4096x1xf32, #tpu.memory_space<vmem>>, %arg5: memref<1024x1xf32, #tpu.memory_space<vmem>>, %arg6: memref<1x256xf32, #tpu.memory_space<vmem>>, %arg7: memref<1024x256xf32, #tpu.memory_space<vmem>>) attributes {dimension_semantics = [#tpu.dimension_semantics<arbitrary>, #tpu.dimension_semantics<arbitrary>], iteration_bounds = array<i64: 4, 1>, scalar_prefetch = 0 : i64, scratch_operands = 0 : i64, tpu.core_type = #tpu.core_type<tc>, window_params = [{transform_indices = @transform_0, window_bounds = array<i64: 1024, 4096>}, {transform_indices = @transform_1, window_bounds = array<i64: 4096, 256>}, {transform_indices = @transform_2, window_bounds = array<i64: 4096, 1>}, {transform_indices = @transform_3, window_bounds = array<i64: 1024, 1>}, {pipeline_mode = #tpu.pipeline_mode<synchronous>, transform_indices = @transform_4, window_bounds = array<i64: 1, 256>}, {transform_indices = @transform_5, window_bounds = array<i64: 1024, 256>}]} {
    %get3A = arith.constant 0 : index
    %get3A_0 = arith.constant 0 : index
    %get3A_1 = vector.load %arg3[%get3A, %get3A_0] : memref<4096x256xf32, #tpu.memory_space<vmem>>, vector<4096x256xf32>
    %get3A_2 = arith.constant 0 : index
    %get3A_3 = arith.constant 0 : index
    %get3A_4 = vector.load %arg4[%get3A_2, %get3A_3] : memref<4096x1xf32, #tpu.memory_space<vmem>>, vector<4096x1xf32>
    %mul3A = vector.broadcast %get3A_4 : vector<4096x1xf32> to vector<4096x256xf32>
    %mul3A_5 = arith.mulf %get3A_1, %mul3A : vector<4096x256xf32>
    %get3A_6 = arith.constant 0 : index
    %get3A_7 = arith.constant 0 : index
    %get3A_8 = vector.load %arg2[%get3A_6, %get3A_7] : memref<1024x4096xbf16, #tpu.memory_space<vmem>>, vector<1024x4096xbf16>
    %convert_element_type3A = arith.truncf %mul3A_5 : vector<4096x256xf32> to vector<4096x256xbf16>
    %dot_general3A = arith.constant dense<0.000000e+00> : vector<1024x256xf32>
    %dot_general3A_9 = tpu.matmul %get3A_8, %convert_element_type3A, %dot_general3A {dimension_numbers = #tpu.dot_dimension_numbers<[1], [0], [0], [1], [0, 0, 1, 1], [], []>, transpose_lhs_hint = false} : vector<1024x4096xbf16>, vector<4096x256xbf16>, vector<1024x256xf32> -> vector<1024x256xf32>
    %eq3A = arith.constant 0 : i32
    %eq3A_10 = arith.cmpi eq, %arg1, %eq3A : i32
    %convert_element_type3A_11 = arith.extui %eq3A_10 : i1 to i32
    %cond3A = arith.constant 0 : i32
    %cond3A_12 = arith.cmpi ne, %convert_element_type3A_11, %cond3A : i32
    scf.if %cond3A_12 {
      %swap3A = arith.constant 0 : index
      %swap3A_31 = arith.constant 0 : index
      %swap3A_32 = vector.load %arg7[%swap3A, %swap3A_31] : memref<1024x256xf32, #tpu.memory_space<vmem>>, vector<1024x256xf32>
      tpu.vector_store %arg7[%swap3A, %swap3A_31], %dot_general3A_9 {strides = array<i32>} : memref<1024x256xf32, #tpu.memory_space<vmem>>, vector<1024x256xf32>,
    } else {
    }
    %gt3A = arith.constant 0 : i32
    %gt3A_13 = arith.cmpi sgt, %arg1, %gt3A : i32
    %convert_element_type3A_14 = arith.extui %gt3A_13 : i1 to i32
    %cond3A_15 = arith.constant 0 : i32
    %cond3A_16 = arith.cmpi ne, %convert_element_type3A_14, %cond3A_15 : i32
    scf.if %cond3A_16 {
      %get3A_31 = arith.constant 0 : index
      %get3A_32 = arith.constant 0 : index
      %get3A_33 = vector.load %arg7[%get3A_31, %get3A_32] : memref<1024x256xf32, #tpu.memory_space<vmem>>, vector<1024x256xf32>
      %add3A = arith.addf %get3A_33, %dot_general3A_9 : vector<1024x256xf32>
      %swap3A = arith.constant 0 : index
      %swap3A_34 = arith.constant 0 : index
      %swap3A_35 = vector.load %arg7[%swap3A, %swap3A_34] : memref<1024x256xf32, #tpu.memory_space<vmem>>, vector<1024x256xf32>
      tpu.vector_store %arg7[%swap3A, %swap3A_34], %add3A {strides = array<i32>} : memref<1024x256xf32, #tpu.memory_space<vmem>>, vector<1024x256xf32>,
    } else {
    }
    %mul3A_17 = arith.constant 1024 : i32
    %mul3A_18 = arith.muli %arg0, %mul3A_17 : i32
    %mul3A_19 = arith.constant 4096 : i32
    %mul3A_20 = arith.muli %arg1, %mul3A_19 : i32
    %sub3A = arith.subi %mul3A_18, %mul3A_20 : i32
    %ge3A = arith.constant 0 : i32
    %ge3A_21 = arith.cmpi sge, %sub3A, %ge3A : i32
    %lt3A = arith.constant 4096 : i32
    %lt3A_22 = arith.cmpi slt, %sub3A, %lt3A : i32
    %and3A = arith.andi %ge3A_21, %lt3A_22 : i1
    %convert_element_type3A_23 = arith.extui %and3A : i1 to i32
    %cond3A_24 = arith.constant 0 : i32
    %cond3A_25 = arith.cmpi ne, %convert_element_type3A_23, %cond3A_24 : i32
    scf.if %cond3A_25 {
      %multiple_of3A = tpu.assume_multiple %sub3A, 1024 : i32
      %get3A_31 = arith.index_cast %multiple_of3A : i32 to index
      %get3A_32 = arith.constant 0 : index
      %get3A_33 = vector.load %arg4[%get3A_31, %get3A_32] : memref<4096x1xf32, #tpu.memory_space<vmem>>, vector<1024x1xf32>
      %get3A_34 = arith.index_cast %multiple_of3A : i32 to index
      %get3A_35 = arith.constant 0 : index
      %get3A_36 = vector.load %arg3[%get3A_34, %get3A_35] : memref<4096x256xf32, #tpu.memory_space<vmem>>, vector<1024x256xf32>
      %mul3A_37 = vector.broadcast %get3A_33 : vector<1024x1xf32> to vector<1024x256xf32>
      %mul3A_38 = arith.mulf %get3A_36, %mul3A_37 : vector<1024x256xf32>
      %get3A_39 = arith.constant 0 : index
      %get3A_40 = arith.constant 0 : index
      %get3A_41 = vector.load %arg7[%get3A_39, %get3A_40] : memref<1024x256xf32, #tpu.memory_space<vmem>>, vector<1024x256xf32>
      %add3A = arith.addf %get3A_41, %mul3A_38 : vector<1024x256xf32>
      %swap3A = arith.constant 0 : index
      %swap3A_42 = arith.constant 0 : index
      %swap3A_43 = vector.load %arg7[%swap3A, %swap3A_42] : memref<1024x256xf32, #tpu.memory_space<vmem>>, vector<1024x256xf32>
      tpu.vector_store %arg7[%swap3A, %swap3A_42], %add3A {strides = array<i32>} : memref<1024x256xf32, #tpu.memory_space<vmem>>, vector<1024x256xf32>,
    } else {
    }
    %eq3A_26 = arith.constant 0 : i32
    %eq3A_27 = arith.cmpi eq, %arg1, %eq3A_26 : i32
    %convert_element_type3A_28 = arith.extui %eq3A_27 : i1 to i32
    %cond3A_29 = arith.constant 0 : i32
    %cond3A_30 = arith.cmpi ne, %convert_element_type3A_28, %cond3A_29 : i32
    scf.if %cond3A_30 {
      %get3A_31 = arith.constant 0 : index
      %get3A_32 = arith.constant 0 : index
      %get3A_33 = vector.load %arg7[%get3A_31, %get3A_32] : memref<1024x256xf32, #tpu.memory_space<vmem>>, vector<1024x256xf32>
      %get3A_34 = arith.constant 0 : index
      %get3A_35 = arith.constant 0 : index
      %get3A_36 = vector.load %arg5[%get3A_34, %get3A_35] : memref<1024x1xf32, #tpu.memory_space<vmem>>, vector<1024x1xf32>
      %mul3A_37 = vector.broadcast %get3A_36 : vector<1024x1xf32> to vector<1024x256xf32>
      %mul3A_38 = arith.mulf %get3A_33, %mul3A_37 : vector<1024x256xf32>
      %get3A_39 = arith.constant 0 : index
      %get3A_40 = arith.constant 0 : index
      %get3A_41 = vector.load %arg6[%get3A_39, %get3A_40] : memref<1x256xf32, #tpu.memory_space<vmem>>, vector<1x256xf32>
      %add3A = vector.broadcast %get3A_41 : vector<1x256xf32> to vector<1024x256xf32>
      %add3A_42 = arith.addf %mul3A_38, %add3A : vector<1024x256xf32>
      %max3A = arith.constant 0.000000e+00 : f32
      %max3A_43 = vector.broadcast %max3A : f32 to vector<1024x256xf32>
      %max3A_44 = arith.maximumf %add3A_42, %max3A_43 : vector<1024x256xf32>
      %swap3A = arith.constant 0 : index
      %swap3A_45 = arith.constant 0 : index
      %swap3A_46 = vector.load %arg7[%swap3A, %swap3A_45] : memref<1024x256xf32, #tpu.memory_space<vmem>>, vector<1024x256xf32>
      tpu.vector_store %arg7[%swap3A, %swap3A_45], %max3A_44 {strides = array<i32>} : memref<1024x256xf32, #tpu.memory_space<vmem>>, vector<1024x256xf32>,
    } else {
    }
    return
  }
  func.func @transform_0(%arg0: i32, %arg1: i32) -> (i32, i32) {
    %c0_i32 = arith.constant 0 : i32
    return %arg0, %arg1 : i32, i32
  }
  func.func @transform_1(%arg0: i32, %arg1: i32) -> (i32, i32) {
    %c0_i32 = arith.constant 0 : i32
    %c0_i32_0 = arith.constant 0 : i32
    return %arg1, %c0_i32 : i32, i32
  }
  func.func @transform_2(%arg0: i32, %arg1: i32) -> (i32, i32) {
    %c0_i32 = arith.constant 0 : i32
    %c0_i32_0 = arith.constant 0 : i32
    return %arg1, %c0_i32 : i32, i32
  }
  func.func @transform_3(%arg0: i32, %arg1: i32) -> (i32, i32) {
    %c0_i32 = arith.constant 0 : i32
    %c0_i32_0 = arith.constant 0 : i32
    return %arg0, %c0_i32 : i32, i32
  }
  func.func @transform_4(%arg0: i32, %arg1: i32) -> (i32, i32) {
    %c0_i32 = arith.constant 0 : i32
    %c0_i32_0 = arith.constant 0 : i32
    %c0_i32_1 = arith.constant 0 : i32
    return %c0_i32, %c0_i32_0 : i32, i32
  }
  func.func @transform_5(%arg0: i32, %arg1: i32) -> (i32, i32) {
    %c0_i32 = arith.constant 0 : i32
    %c0_i32_0 = arith.constant 0 : i32
    return %arg0, %c0_i32 : i32, i32
  }
}

module attributes {stable_mosaic.version = 14 : i64} {
  func.func @_score_body(%arg0: i32, %arg1: i32, %arg2: memref<1024x4096xbf16, #tpu.memory_space<vmem>>, %arg3: memref<4096x256xf32, #tpu.memory_space<vmem>>, %arg4: memref<4096x1xf32, #tpu.memory_space<vmem>>, %arg5: memref<1024x1xf32, #tpu.memory_space<vmem>>, %arg6: memref<256x128xf32, #tpu.memory_space<vmem>>, %arg7: memref<1x128xf32, #tpu.memory_space<vmem>>, %arg8: memref<1024x128xf32, #tpu.memory_space<vmem>>) attributes {dimension_semantics = [#tpu.dimension_semantics<arbitrary>, #tpu.dimension_semantics<arbitrary>], iteration_bounds = array<i64: 4, 1>, scalar_prefetch = 0 : i64, scratch_operands = 0 : i64, tpu.core_type = #tpu.core_type<tc>, window_params = [{transform_indices = @transform_0, window_bounds = array<i64: 1024, 4096>}, {transform_indices = @transform_1, window_bounds = array<i64: 4096, 256>}, {transform_indices = @transform_2, window_bounds = array<i64: 4096, 1>}, {transform_indices = @transform_3, window_bounds = array<i64: 1024, 1>}, {pipeline_mode = #tpu.pipeline_mode<synchronous>, transform_indices = @transform_4, window_bounds = array<i64: 256, 128>}, {pipeline_mode = #tpu.pipeline_mode<synchronous>, transform_indices = @transform_5, window_bounds = array<i64: 1, 128>}, {transform_indices = @transform_6, window_bounds = array<i64: 1024, 128>}]} {
    %get3A = arith.constant 0 : index
    %get3A_0 = arith.constant 0 : index
    %get3A_1 = vector.load %arg3[%get3A, %get3A_0] : memref<4096x256xf32, #tpu.memory_space<vmem>>, vector<4096x256xf32>
    %get3A_2 = arith.constant 0 : index
    %get3A_3 = arith.constant 0 : index
    %get3A_4 = vector.load %arg6[%get3A_2, %get3A_3] : memref<256x128xf32, #tpu.memory_space<vmem>>, vector<256x128xf32>
    %dot_general3A = arith.constant dense<0.000000e+00> : vector<4096x128xf32>
    %dot_general3A_5 = tpu.matmul %get3A_1, %get3A_4, %dot_general3A {dimension_numbers = #tpu.dot_dimension_numbers<[1], [0], [0], [1], [0, 0, 1, 1], [], []>, transpose_lhs_hint = false} : vector<4096x256xf32>, vector<256x128xf32>, vector<4096x128xf32> -> vector<4096x128xf32>
    %get3A_6 = arith.constant 0 : index
    %get3A_7 = arith.constant 0 : index
    %get3A_8 = vector.load %arg4[%get3A_6, %get3A_7] : memref<4096x1xf32, #tpu.memory_space<vmem>>, vector<4096x1xf32>
    %mul3A = vector.broadcast %get3A_8 : vector<4096x1xf32> to vector<4096x128xf32>
    %mul3A_9 = arith.mulf %dot_general3A_5, %mul3A : vector<4096x128xf32>
    %get3A_10 = arith.constant 0 : index
    %get3A_11 = arith.constant 0 : index
    %get3A_12 = vector.load %arg2[%get3A_10, %get3A_11] : memref<1024x4096xbf16, #tpu.memory_space<vmem>>, vector<1024x4096xbf16>
    %convert_element_type3A = arith.truncf %mul3A_9 : vector<4096x128xf32> to vector<4096x128xbf16>
    %dot_general3A_13 = arith.constant dense<0.000000e+00> : vector<1024x128xf32>
    %dot_general3A_14 = tpu.matmul %get3A_12, %convert_element_type3A, %dot_general3A_13 {dimension_numbers = #tpu.dot_dimension_numbers<[1], [0], [0], [1], [0, 0, 1, 1], [], []>, transpose_lhs_hint = false} : vector<1024x4096xbf16>, vector<4096x128xbf16>, vector<1024x128xf32> -> vector<1024x128xf32>
    %eq3A = arith.constant 0 : i32
    %eq3A_15 = arith.cmpi eq, %arg1, %eq3A : i32
    %convert_element_type3A_16 = arith.extui %eq3A_15 : i1 to i32
    %cond3A = arith.constant 0 : i32
    %cond3A_17 = arith.cmpi ne, %convert_element_type3A_16, %cond3A : i32
    scf.if %cond3A_17 {
      %swap3A = arith.constant 0 : index
      %swap3A_36 = arith.constant 0 : index
      %swap3A_37 = vector.load %arg8[%swap3A, %swap3A_36] : memref<1024x128xf32, #tpu.memory_space<vmem>>, vector<1024x128xf32>
      tpu.vector_store %arg8[%swap3A, %swap3A_36], %dot_general3A_14 {strides = array<i32>} : memref<1024x128xf32, #tpu.memory_space<vmem>>, vector<1024x128xf32>,
    } else {
    }
    %gt3A = arith.constant 0 : i32
    %gt3A_18 = arith.cmpi sgt, %arg1, %gt3A : i32
    %convert_element_type3A_19 = arith.extui %gt3A_18 : i1 to i32
    %cond3A_20 = arith.constant 0 : i32
    %cond3A_21 = arith.cmpi ne, %convert_element_type3A_19, %cond3A_20 : i32
    scf.if %cond3A_21 {
      %get3A_36 = arith.constant 0 : index
      %get3A_37 = arith.constant 0 : index
      %get3A_38 = vector.load %arg8[%get3A_36, %get3A_37] : memref<1024x128xf32, #tpu.memory_space<vmem>>, vector<1024x128xf32>
      %add3A = arith.addf %get3A_38, %dot_general3A_14 : vector<1024x128xf32>
      %swap3A = arith.constant 0 : index
      %swap3A_39 = arith.constant 0 : index
      %swap3A_40 = vector.load %arg8[%swap3A, %swap3A_39] : memref<1024x128xf32, #tpu.memory_space<vmem>>, vector<1024x128xf32>
      tpu.vector_store %arg8[%swap3A, %swap3A_39], %add3A {strides = array<i32>} : memref<1024x128xf32, #tpu.memory_space<vmem>>, vector<1024x128xf32>,
    } else {
    }
    %mul3A_22 = arith.constant 1024 : i32
    %mul3A_23 = arith.muli %arg0, %mul3A_22 : i32
    %mul3A_24 = arith.constant 4096 : i32
    %mul3A_25 = arith.muli %arg1, %mul3A_24 : i32
    %sub3A = arith.subi %mul3A_23, %mul3A_25 : i32
    %ge3A = arith.constant 0 : i32
    %ge3A_26 = arith.cmpi sge, %sub3A, %ge3A : i32
    %lt3A = arith.constant 4096 : i32
    %lt3A_27 = arith.cmpi slt, %sub3A, %lt3A : i32
    %and3A = arith.andi %ge3A_26, %lt3A_27 : i1
    %convert_element_type3A_28 = arith.extui %and3A : i1 to i32
    %cond3A_29 = arith.constant 0 : i32
    %cond3A_30 = arith.cmpi ne, %convert_element_type3A_28, %cond3A_29 : i32
    scf.if %cond3A_30 {
      %multiple_of3A = tpu.assume_multiple %sub3A, 1024 : i32
      %get3A_36 = arith.index_cast %multiple_of3A : i32 to index
      %get3A_37 = arith.constant 0 : index
      %get3A_38 = vector.load %arg3[%get3A_36, %get3A_37] : memref<4096x256xf32, #tpu.memory_space<vmem>>, vector<1024x256xf32>
      %get3A_39 = arith.constant 0 : index
      %get3A_40 = arith.constant 0 : index
      %get3A_41 = vector.load %arg6[%get3A_39, %get3A_40] : memref<256x128xf32, #tpu.memory_space<vmem>>, vector<256x128xf32>
      %dot_general3A_42 = arith.constant dense<0.000000e+00> : vector<1024x128xf32>
      %dot_general3A_43 = tpu.matmul %get3A_38, %get3A_41, %dot_general3A_42 {dimension_numbers = #tpu.dot_dimension_numbers<[1], [0], [0], [1], [0, 0, 1, 1], [], []>, transpose_lhs_hint = false} : vector<1024x256xf32>, vector<256x128xf32>, vector<1024x128xf32> -> vector<1024x128xf32>
      %get3A_44 = arith.index_cast %multiple_of3A : i32 to index
      %get3A_45 = arith.constant 0 : index
      %get3A_46 = vector.load %arg4[%get3A_44, %get3A_45] : memref<4096x1xf32, #tpu.memory_space<vmem>>, vector<1024x1xf32>
      %mul3A_47 = vector.broadcast %get3A_46 : vector<1024x1xf32> to vector<1024x128xf32>
      %mul3A_48 = arith.mulf %dot_general3A_43, %mul3A_47 : vector<1024x128xf32>
      %get3A_49 = arith.constant 0 : index
      %get3A_50 = arith.constant 0 : index
      %get3A_51 = vector.load %arg8[%get3A_49, %get3A_50] : memref<1024x128xf32, #tpu.memory_space<vmem>>, vector<1024x128xf32>
      %add3A = arith.addf %get3A_51, %mul3A_48 : vector<1024x128xf32>
      %swap3A = arith.constant 0 : index
      %swap3A_52 = arith.constant 0 : index
      %swap3A_53 = vector.load %arg8[%swap3A, %swap3A_52] : memref<1024x128xf32, #tpu.memory_space<vmem>>, vector<1024x128xf32>
      tpu.vector_store %arg8[%swap3A, %swap3A_52], %add3A {strides = array<i32>} : memref<1024x128xf32, #tpu.memory_space<vmem>>, vector<1024x128xf32>,
    } else {
    }
    %eq3A_31 = arith.constant 0 : i32
    %eq3A_32 = arith.cmpi eq, %arg1, %eq3A_31 : i32
    %convert_element_type3A_33 = arith.extui %eq3A_32 : i1 to i32
    %cond3A_34 = arith.constant 0 : i32
    %cond3A_35 = arith.cmpi ne, %convert_element_type3A_33, %cond3A_34 : i32
    scf.if %cond3A_35 {
      %get3A_36 = arith.constant 0 : index
      %get3A_37 = arith.constant 0 : index
      %get3A_38 = vector.load %arg8[%get3A_36, %get3A_37] : memref<1024x128xf32, #tpu.memory_space<vmem>>, vector<1024x128xf32>
      %get3A_39 = arith.constant 0 : index
      %get3A_40 = arith.constant 0 : index
      %get3A_41 = vector.load %arg5[%get3A_39, %get3A_40] : memref<1024x1xf32, #tpu.memory_space<vmem>>, vector<1024x1xf32>
      %mul3A_42 = vector.broadcast %get3A_41 : vector<1024x1xf32> to vector<1024x128xf32>
      %mul3A_43 = arith.mulf %get3A_38, %mul3A_42 : vector<1024x128xf32>
      %get3A_44 = arith.constant 0 : index
      %get3A_45 = arith.constant 0 : index
      %get3A_46 = vector.load %arg7[%get3A_44, %get3A_45] : memref<1x128xf32, #tpu.memory_space<vmem>>, vector<1x128xf32>
      %add3A = vector.broadcast %get3A_46 : vector<1x128xf32> to vector<1024x128xf32>
      %add3A_47 = arith.addf %mul3A_43, %add3A : vector<1024x128xf32>
      %swap3A = arith.constant 0 : index
      %swap3A_48 = arith.constant 0 : index
      %swap3A_49 = vector.load %arg8[%swap3A, %swap3A_48] : memref<1024x128xf32, #tpu.memory_space<vmem>>, vector<1024x128xf32>
      tpu.vector_store %arg8[%swap3A, %swap3A_48], %add3A_47 {strides = array<i32>} : memref<1024x128xf32, #tpu.memory_space<vmem>>, vector<1024x128xf32>,
    } else {
    }
    return
  }
  func.func @transform_0(%arg0: i32, %arg1: i32) -> (i32, i32) {
    %c0_i32 = arith.constant 0 : i32
    return %arg0, %arg1 : i32, i32
  }
  func.func @transform_1(%arg0: i32, %arg1: i32) -> (i32, i32) {
    %c0_i32 = arith.constant 0 : i32
    %c0_i32_0 = arith.constant 0 : i32
    return %arg1, %c0_i32 : i32, i32
  }
  func.func @transform_2(%arg0: i32, %arg1: i32) -> (i32, i32) {
    %c0_i32 = arith.constant 0 : i32
    %c0_i32_0 = arith.constant 0 : i32
    return %arg1, %c0_i32 : i32, i32
  }
  func.func @transform_3(%arg0: i32, %arg1: i32) -> (i32, i32) {
    %c0_i32 = arith.constant 0 : i32
    %c0_i32_0 = arith.constant 0 : i32
    return %arg0, %c0_i32 : i32, i32
  }
  func.func @transform_4(%arg0: i32, %arg1: i32) -> (i32, i32) {
    %c0_i32 = arith.constant 0 : i32
    %c0_i32_0 = arith.constant 0 : i32
    %c0_i32_1 = arith.constant 0 : i32
    return %c0_i32, %c0_i32_0 : i32, i32
  }
  func.func @transform_5(%arg0: i32, %arg1: i32) -> (i32, i32) {
    %c0_i32 = arith.constant 0 : i32
    %c0_i32_0 = arith.constant 0 : i32
    %c0_i32_1 = arith.constant 0 : i32
    return %c0_i32, %c0_i32_0 : i32, i32
  }
  func.func @transform_6(%arg0: i32, %arg1: i32) -> (i32, i32) {
    %c0_i32 = arith.constant 0 : i32
    %c0_i32_0 = arith.constant 0 : i32
    return %arg0, %c0_i32 : i32, i32
  }
}

module attributes {stable_mosaic.version = 14 : i64} {
  func.func @_rank_body(%arg0: i32, %arg1: memref<256x1xf32, #tpu.memory_space<vmem>>, %arg2: memref<1x4096xf32, #tpu.memory_space<vmem>>, %arg3: memref<256x1xi32, #tpu.memory_space<vmem>>) attributes {dimension_semantics = [#tpu.dimension_semantics<arbitrary>], iteration_bounds = array<i64: 16>, scalar_prefetch = 0 : i64, scratch_operands = 0 : i64, tpu.core_type = #tpu.core_type<tc>, window_params = [{transform_indices = @transform_0, window_bounds = array<i64: 256, 1>}, {pipeline_mode = #tpu.pipeline_mode<synchronous>, transform_indices = @transform_1, window_bounds = array<i64: 1, 4096>}, {transform_indices = @transform_2, window_bounds = array<i64: 256, 1>}]} {
    %get3A = arith.constant 0 : index
    %get3A_0 = arith.constant 0 : index
    %get3A_1 = vector.load %arg1[%get3A, %get3A_0] : memref<256x1xf32, #tpu.memory_space<vmem>>, vector<256x1xf32>
    %get3A_2 = arith.constant 0 : index
    %get3A_3 = arith.constant 0 : index
    %get3A_4 = vector.load %arg2[%get3A_2, %get3A_3] : memref<1x4096xf32, #tpu.memory_space<vmem>>, vector<1x4096xf32>
    %iota3A = tpu.iota {dimensions = array<i32: 0>} : vector<256x4096xi32>
    %mul3A = arith.constant 256 : i32
    %mul3A_5 = arith.muli %arg0, %mul3A : i32
    %add3A = vector.broadcast %mul3A_5 : i32 to vector<256x4096xi32>
    %add3A_6 = arith.addi %iota3A, %add3A : vector<256x4096xi32>
    %iota3A_7 = tpu.iota {dimensions = array<i32: 1>} : vector<256x4096xi32>
    %gt3A = vector.broadcast %get3A_4 : vector<1x4096xf32> to vector<256x4096xf32>
    %gt3A_8 = vector.broadcast %get3A_1 : vector<256x1xf32> to vector<256x4096xf32>
    %gt3A_9 = arith.cmpf ogt, %gt3A, %gt3A_8 : vector<256x4096xf32>
    %eq3A = vector.broadcast %get3A_4 : vector<1x4096xf32> to vector<256x4096xf32>
    %eq3A_10 = vector.broadcast %get3A_1 : vector<256x1xf32> to vector<256x4096xf32>
    %eq3A_11 = arith.cmpf oeq, %eq3A, %eq3A_10 : vector<256x4096xf32>
    %lt3A = arith.cmpi slt, %iota3A_7, %add3A_6 : vector<256x4096xi32>
    %and3A = arith.andi %eq3A_11, %lt3A : vector<256x4096xi1>
    %or3A = arith.ori %gt3A_9, %and3A : vector<256x4096xi1>
    %convert_element_type3A = arith.extui %or3A : vector<256x4096xi1> to vector<256x4096xi32>
    %reduce_sum3A = arith.constant dense<0> : vector<256xi32>
    %reduce_sum3A_12 = vector.multi_reduction <add>, %convert_element_type3A, %reduce_sum3A [1] : vector<256x4096xi32> to vector<256xi32>
    %broadcast_in_dim3A = vector.shape_cast %reduce_sum3A_12 : vector<256xi32> to vector<256x1xi32>
    %swap3A = arith.constant 0 : index
    %swap3A_13 = arith.constant 0 : index
    %swap3A_14 = vector.load %arg3[%swap3A, %swap3A_13] : memref<256x1xi32, #tpu.memory_space<vmem>>, vector<256x1xi32>
    tpu.vector_store %arg3[%swap3A, %swap3A_13], %broadcast_in_dim3A {strides = array<i32>} : memref<256x1xi32, #tpu.memory_space<vmem>>, vector<256x1xi32>,
    return
  }
  func.func @transform_0(%arg0: i32) -> (i32, i32) {
    %c0_i32 = arith.constant 0 : i32
    %c0_i32_0 = arith.constant 0 : i32
    return %arg0, %c0_i32 : i32, i32
  }
  func.func @transform_1(%arg0: i32) -> (i32, i32) {
    %c0_i32 = arith.constant 0 : i32
    %c0_i32_0 = arith.constant 0 : i32
    %c0_i32_1 = arith.constant 0 : i32
    return %c0_i32, %c0_i32_0 : i32, i32
  }
  func.func @transform_2(%arg0: i32) -> (i32, i32) {
    %c0_i32 = arith.constant 0 : i32
    %c0_i32_0 = arith.constant 0 : i32
    return %arg0, %c0_i32 : i32, i32
  }
}

module attributes {stable_mosaic.version = 14 : i64} {
  func.func @_mask23_body(%arg0: i32, %arg1: i32, %arg2: memref<1024x512xf32, #tpu.memory_space<vmem>>, %arg3: memref<1536x512xf32, #tpu.memory_space<vmem>>, %arg4: memref<1024x1xi32, #tpu.memory_space<vmem>>, %arg5: memref<1x1536xi32, #tpu.memory_space<vmem>>, %arg6: memref<1x4096xf32, #tpu.memory_space<vmem>>, %arg7: memref<1024x1536xbf16, #tpu.memory_space<vmem>>, %arg8: memref<1024x1xf32, #tpu.memory_space<vmem>>) attributes {dimension_semantics = [#tpu.dimension_semantics<arbitrary>, #tpu.dimension_semantics<arbitrary>], iteration_bounds = array<i64: 3, 2>, scalar_prefetch = 0 : i64, scratch_operands = 0 : i64, tpu.core_type = #tpu.core_type<tc>, window_params = [{transform_indices = @transform_0, window_bounds = array<i64: 1024, 512>}, {transform_indices = @transform_1, window_bounds = array<i64: 1536, 512>}, {transform_indices = @transform_2, window_bounds = array<i64: 1024, 1>}, {transform_indices = @transform_3, window_bounds = array<i64: 1, 1536>}, {pipeline_mode = #tpu.pipeline_mode<synchronous>, transform_indices = @transform_4, window_bounds = array<i64: 1, 4096>}, {transform_indices = @transform_5, window_bounds = array<i64: 1024, 1536>}, {transform_indices = @transform_6, window_bounds = array<i64: 1024, 1>}]} {
    %get3A = arith.constant 0 : index
    %get3A_0 = arith.constant 0 : index
    %get3A_1 = vector.load %arg2[%get3A, %get3A_0] : memref<1024x512xf32, #tpu.memory_space<vmem>>, vector<1024x512xf32>
    %get3A_2 = arith.constant 0 : index
    %get3A_3 = arith.constant 0 : index
    %get3A_4 = vector.load %arg3[%get3A_2, %get3A_3] : memref<1536x512xf32, #tpu.memory_space<vmem>>, vector<1536x512xf32>
    %mul3A = arith.mulf %get3A_1, %get3A_1 : vector<1024x512xf32>
    %reduce_sum3A = arith.constant dense<0.000000e+00> : vector<1024xf32>
    %reduce_sum3A_5 = vector.multi_reduction <add>, %mul3A, %reduce_sum3A [1] : vector<1024x512xf32> to vector<1024xf32>
    %broadcast_in_dim3A = vector.shape_cast %reduce_sum3A_5 : vector<1024xf32> to vector<1024x1xf32>
    %broadcast_in_dim3A_6 = arith.constant 1.000000e+00 : f32
    %broadcast_in_dim3A_7 = vector.broadcast %broadcast_in_dim3A_6 : f32 to vector<1x512xf32>
    %mul3A_8 = arith.mulf %get3A_4, %get3A_4 : vector<1536x512xf32>
    %dot_general3A = arith.constant dense<0.000000e+00> : vector<1x1536xf32>
    %dot_general3A_9 = tpu.matmul %broadcast_in_dim3A_7, %mul3A_8, %dot_general3A {dimension_numbers = #tpu.dot_dimension_numbers<[1], [1], [0], [0], [0, 0, 1, 0], [], []>, transpose_lhs_hint = false} : vector<1x512xf32>, vector<1536x512xf32>, vector<1x1536xf32> -> vector<1x1536xf32>
    %add3A = vector.broadcast %broadcast_in_dim3A : vector<1024x1xf32> to vector<1024x1536xf32>
    %add3A_10 = vector.broadcast %dot_general3A_9 : vector<1x1536xf32> to vector<1024x1536xf32>
    %add3A_11 = arith.addf %add3A, %add3A_10 : vector<1024x1536xf32>
    %convert_element_type3A = arith.truncf %get3A_1 : vector<1024x512xf32> to vector<1024x512xbf16>
    %convert_element_type3A_12 = arith.truncf %get3A_4 : vector<1536x512xf32> to vector<1536x512xbf16>
    %dot_general3A_13 = arith.constant dense<0.000000e+00> : vector<1024x1536xf32>
    %dot_general3A_14 = tpu.matmul %convert_element_type3A, %convert_element_type3A_12, %dot_general3A_13 {dimension_numbers = #tpu.dot_dimension_numbers<[1], [1], [0], [0], [0, 0, 1, 0], [], []>, transpose_lhs_hint = false} : vector<1024x512xbf16>, vector<1536x512xbf16>, vector<1024x1536xf32> -> vector<1024x1536xf32>
    %mul3A_15 = arith.constant 2.000000e+00 : f32
    %mul3A_16 = vector.broadcast %mul3A_15 : f32 to vector<1024x1536xf32>
    %mul3A_17 = arith.mulf %mul3A_16, %dot_general3A_14 : vector<1024x1536xf32>
    %sub3A = arith.subf %add3A_11, %mul3A_17 : vector<1024x1536xf32>
    %get3A_18 = arith.constant 0 : index
    %get3A_19 = arith.constant 0 : index
    %get3A_20 = vector.load %arg6[%get3A_18, %get3A_19] : memref<1x4096xf32, #tpu.memory_space<vmem>>, vector<1x4096xf32>
    %reduce_max3A = vector.shape_cast %get3A_20 : vector<1x4096xf32> to vector<1x1x4096xf32>
    %reduce_max3A_21 = arith.constant dense<0xFF800000> : vector<1xf32>
    %reduce_max3A_22 = vector.multi_reduction <maximumf>, %reduce_max3A, %reduce_max3A_21 [1, 2] : vector<1x1x4096xf32> to vector<1xf32>
    %reduce_max3A_23 = vector.shape_cast %reduce_max3A_22 : vector<1xf32> to vector<1x1x1xf32>
    %reduce_max3A_24 = vector.extract %reduce_max3A_23[0, 0, 0] : f32 from vector<1x1x1xf32>
    %mul3A_25 = arith.constant 5.000000e-01 : f32
    %mul3A_26 = arith.mulf %mul3A_25, %reduce_max3A_24 : f32
    %lt3A = vector.broadcast %mul3A_26 : f32 to vector<1024x1536xf32>
    %lt3A_27 = arith.cmpf olt, %sub3A, %lt3A : vector<1024x1536xf32>
    %get3A_28 = arith.constant 0 : index
    %get3A_29 = arith.constant 0 : index
    %get3A_30 = vector.load %arg5[%get3A_28, %get3A_29] : memref<1x1536xi32, #tpu.memory_space<vmem>>, vector<1x1536xi32>
    %get3A_31 = arith.constant 0 : index
    %get3A_32 = arith.constant 0 : index
    %get3A_33 = vector.load %arg4[%get3A_31, %get3A_32] : memref<1024x1xi32, #tpu.memory_space<vmem>>, vector<1024x1xi32>
    %lt3A_34 = vector.broadcast %get3A_30 : vector<1x1536xi32> to vector<1024x1536xi32>
    %lt3A_35 = vector.broadcast %get3A_33 : vector<1024x1xi32> to vector<1024x1536xi32>
    %lt3A_36 = arith.cmpi slt, %lt3A_34, %lt3A_35 : vector<1024x1536xi32>
    %and3A = arith.andi %lt3A_27, %lt3A_36 : vector<1024x1536xi1>
    %jit3A = arith.constant 1.000000e+00 : f32
    %jit3A_37 = arith.constant 0.000000e+00 : f32
    %broadcast_in_dim3A_38 = vector.broadcast %jit3A : f32 to vector<1024x1536xf32>
    %broadcast_in_dim3A_39 = vector.broadcast %jit3A_37 : f32 to vector<1024x1536xf32>
    %select_n3A = arith.select %and3A, %broadcast_in_dim3A_38, %broadcast_in_dim3A_39 : vector<1024x1536xi1>, vector<1024x1536xf32>
    %convert_element_type3A_40 = arith.truncf %select_n3A : vector<1024x1536xf32> to vector<1024x1536xbf16>
    %swap3A = arith.constant 0 : index
    %swap3A_41 = arith.constant 0 : index
    %swap3A_42 = vector.load %arg7[%swap3A, %swap3A_41] : memref<1024x1536xbf16, #tpu.memory_space<vmem>>, vector<1024x1536xbf16>
    tpu.vector_store %arg7[%swap3A, %swap3A_41], %convert_element_type3A_40 {strides = array<i32>} : memref<1024x1536xbf16, #tpu.memory_space<vmem>>, vector<1024x1536xbf16>,
    %broadcast_in_dim3A_43 = arith.constant 1.000000e+00 : bf16
    %broadcast_in_dim3A_44 = vector.broadcast %broadcast_in_dim3A_43 : bf16 to vector<1536x128xbf16>
    %dot_general3A_45 = arith.constant dense<0.000000e+00> : vector<1024x128xf32>
    %dot_general3A_46 = tpu.matmul %convert_element_type3A_40, %broadcast_in_dim3A_44, %dot_general3A_45 {dimension_numbers = #tpu.dot_dimension_numbers<[1], [0], [0], [1], [0, 0, 1, 1], [], []>, transpose_lhs_hint = false} : vector<1024x1536xbf16>, vector<1536x128xbf16>, vector<1024x128xf32> -> vector<1024x128xf32>
    %slice3A = vector.extract_strided_slice %dot_general3A_46 {offsets = [0, 0], sizes = [1024, 1], strides = [1, 1]} : vector<1024x128xf32> to vector<1024x1xf32>
    %eq3A = arith.constant 0 : i32
    %eq3A_47 = arith.cmpi eq, %arg1, %eq3A : i32
    %convert_element_type3A_48 = arith.extui %eq3A_47 : i1 to i32
    %cond3A = arith.constant 0 : i32
    %cond3A_49 = arith.cmpi ne, %convert_element_type3A_48, %cond3A : i32
    scf.if %cond3A_49 {
      %add3A_59 = arith.constant 1.000000e+00 : f32
      %add3A_60 = vector.broadcast %add3A_59 : f32 to vector<1024x1xf32>
      %add3A_61 = arith.addf %add3A_60, %slice3A : vector<1024x1xf32>
      %swap3A_62 = arith.constant 0 : index
      %swap3A_63 = arith.constant 0 : index
      %swap3A_64 = vector.load %arg8[%swap3A_62, %swap3A_63] : memref<1024x1xf32, #tpu.memory_space<vmem>>, vector<1024x1xf32>
      tpu.vector_store %arg8[%swap3A_62, %swap3A_63], %add3A_61 {strides = array<i32>} : memref<1024x1xf32, #tpu.memory_space<vmem>>, vector<1024x1xf32>,
    } else {
    }
    %gt3A = arith.constant 0 : i32
    %gt3A_50 = arith.cmpi sgt, %arg1, %gt3A : i32
    %convert_element_type3A_51 = arith.extui %gt3A_50 : i1 to i32
    %cond3A_52 = arith.constant 0 : i32
    %cond3A_53 = arith.cmpi ne, %convert_element_type3A_51, %cond3A_52 : i32
    scf.if %cond3A_53 {
      %get3A_59 = arith.constant 0 : index
      %get3A_60 = arith.constant 0 : index
      %get3A_61 = vector.load %arg8[%get3A_59, %get3A_60] : memref<1024x1xf32, #tpu.memory_space<vmem>>, vector<1024x1xf32>
      %add3A_62 = arith.addf %get3A_61, %slice3A : vector<1024x1xf32>
      %swap3A_63 = arith.constant 0 : index
      %swap3A_64 = arith.constant 0 : index
      %swap3A_65 = vector.load %arg8[%swap3A_63, %swap3A_64] : memref<1024x1xf32, #tpu.memory_space<vmem>>, vector<1024x1xf32>
      tpu.vector_store %arg8[%swap3A_63, %swap3A_64], %add3A_62 {strides = array<i32>} : memref<1024x1xf32, #tpu.memory_space<vmem>>, vector<1024x1xf32>,
    } else {
    }
    %eq3A_54 = arith.constant 1 : i32
    %eq3A_55 = arith.cmpi eq, %arg1, %eq3A_54 : i32
    %convert_element_type3A_56 = arith.extui %eq3A_55 : i1 to i32
    %cond3A_57 = arith.constant 0 : i32
    %cond3A_58 = arith.cmpi ne, %convert_element_type3A_56, %cond3A_57 : i32
    scf.if %cond3A_58 {
      %get3A_59 = arith.constant 0 : index
      %get3A_60 = arith.constant 0 : index
      %get3A_61 = vector.load %arg8[%get3A_59, %get3A_60] : memref<1024x1xf32, #tpu.memory_space<vmem>>, vector<1024x1xf32>
      %sqrt3A = math.sqrt %get3A_61 : vector<1024x1xf32>
      %div3A = arith.constant 1.000000e+00 : f32
      %div3A_62 = vector.broadcast %div3A : f32 to vector<1024x1xf32>
      %div3A_63 = arith.divf %div3A_62, %sqrt3A : vector<1024x1xf32>
      %swap3A_64 = arith.constant 0 : index
      %swap3A_65 = arith.constant 0 : index
      %swap3A_66 = vector.load %arg8[%swap3A_64, %swap3A_65] : memref<1024x1xf32, #tpu.memory_space<vmem>>, vector<1024x1xf32>
      tpu.vector_store %arg8[%swap3A_64, %swap3A_65], %div3A_63 {strides = array<i32>} : memref<1024x1xf32, #tpu.memory_space<vmem>>, vector<1024x1xf32>,
    } else {
    }
    return
  }
  func.func @transform_0(%arg0: i32, %arg1: i32) -> (i32, i32) {
    %c0_i32 = arith.constant 0 : i32
    %c0_i32_0 = arith.constant 0 : i32
    return %arg0, %c0_i32 : i32, i32
  }
  func.func @transform_1(%arg0: i32, %arg1: i32) -> (i32, i32) {
    %c0_i32 = arith.constant 0 : i32
    %c0_i32_0 = arith.constant 0 : i32
    return %arg1, %c0_i32 : i32, i32
  }
  func.func @transform_2(%arg0: i32, %arg1: i32) -> (i32, i32) {
    %c0_i32 = arith.constant 0 : i32
    %c0_i32_0 = arith.constant 0 : i32
    return %arg0, %c0_i32 : i32, i32
  }
  func.func @transform_3(%arg0: i32, %arg1: i32) -> (i32, i32) {
    %c0_i32 = arith.constant 0 : i32
    %c0_i32_0 = arith.constant 0 : i32
    return %c0_i32, %arg1 : i32, i32
  }
  func.func @transform_4(%arg0: i32, %arg1: i32) -> (i32, i32) {
    %c0_i32 = arith.constant 0 : i32
    %c0_i32_0 = arith.constant 0 : i32
    %c0_i32_1 = arith.constant 0 : i32
    return %c0_i32, %c0_i32_0 : i32, i32
  }
  func.func @transform_5(%arg0: i32, %arg1: i32) -> (i32, i32) {
    %c0_i32 = arith.constant 0 : i32
    return %arg0, %arg1 : i32, i32
  }
  func.func @transform_6(%arg0: i32, %arg1: i32) -> (i32, i32) {
    %c0_i32 = arith.constant 0 : i32
    %c0_i32_0 = arith.constant 0 : i32
    return %arg0, %c0_i32 : i32, i32
  }
}

module attributes {stable_mosaic.version = 14 : i64} {
  func.func @_conv_body(%arg0: i32, %arg1: i32, %arg2: memref<1024x3072xbf16, #tpu.memory_space<vmem>>, %arg3: memref<3072x256xf32, #tpu.memory_space<vmem>>, %arg4: memref<3072x1xf32, #tpu.memory_space<vmem>>, %arg5: memref<1024x1xf32, #tpu.memory_space<vmem>>, %arg6: memref<1x256xf32, #tpu.memory_space<vmem>>, %arg7: memref<3072x1xf32, #tpu.memory_space<vmem>>, %arg8: memref<256x256xf32, #tpu.memory_space<vmem>>, %arg9: memref<1024x256xf32, #tpu.memory_space<vmem>>, %arg10: memref<1x256xf32, #tpu.memory_space<vmem>>, %arg11: memref<1x256xf32, #tpu.memory_space<vmem>>) attributes {dimension_semantics = [#tpu.dimension_semantics<arbitrary>, #tpu.dimension_semantics<arbitrary>], iteration_bounds = array<i64: 3, 1>, scalar_prefetch = 0 : i64, scratch_operands = 0 : i64, tpu.core_type = #tpu.core_type<tc>, window_params = [{transform_indices = @transform_0, window_bounds = array<i64: 1024, 3072>}, {transform_indices = @transform_1, window_bounds = array<i64: 3072, 256>}, {transform_indices = @transform_2, window_bounds = array<i64: 3072, 1>}, {transform_indices = @transform_3, window_bounds = array<i64: 1024, 1>}, {pipeline_mode = #tpu.pipeline_mode<synchronous>, transform_indices = @transform_4, window_bounds = array<i64: 1, 256>}, {transform_indices = @transform_5, window_bounds = array<i64: 3072, 1>}, {pipeline_mode = #tpu.pipeline_mode<synchronous>, transform_indices = @transform_6, window_bounds = array<i64: 256, 256>}, {transform_indices = @transform_7, window_bounds = array<i64: 1024, 256>}, {pipeline_mode = #tpu.pipeline_mode<synchronous>, transform_indices = @transform_8, window_bounds = array<i64: 1, 256>}, {pipeline_mode = #tpu.pipeline_mode<synchronous>, transform_indices = @transform_9, window_bounds = array<i64: 1, 256>}]} {
    %get3A = arith.constant 0 : index
    %get3A_0 = arith.constant 0 : index
    %get3A_1 = vector.load %arg3[%get3A, %get3A_0] : memref<3072x256xf32, #tpu.memory_space<vmem>>, vector<3072x256xf32>
    %get3A_2 = arith.constant 0 : index
    %get3A_3 = arith.constant 0 : index
    %get3A_4 = vector.load %arg7[%get3A_2, %get3A_3] : memref<3072x1xf32, #tpu.memory_space<vmem>>, vector<3072x1xf32>
    %tanh3A = math.tanh %get3A_4 : vector<3072x1xf32>
    %mul3A = vector.broadcast %tanh3A : vector<3072x1xf32> to vector<3072x256xf32>
    %mul3A_5 = arith.mulf %get3A_1, %mul3A : vector<3072x256xf32>
    %get3A_6 = arith.constant 0 : index
    %get3A_7 = arith.constant 0 : index
    %get3A_8 = vector.load %arg8[%get3A_6, %get3A_7] : memref<256x256xf32, #tpu.memory_space<vmem>>, vector<256x256xf32>
    %dot_general3A = arith.constant dense<0.000000e+00> : vector<3072x256xf32>
    %dot_general3A_9 = tpu.matmul %mul3A_5, %get3A_8, %dot_general3A {dimension_numbers = #tpu.dot_dimension_numbers<[1], [0], [0], [1], [0, 0, 1, 1], [], []>, transpose_lhs_hint = false} : vector<3072x256xf32>, vector<256x256xf32>, vector<3072x256xf32> -> vector<3072x256xf32>
    %eq3A = arith.constant 0 : i32
    %eq3A_10 = arith.cmpi eq, %arg0, %eq3A : i32
    %convert_element_type3A = arith.extui %eq3A_10 : i1 to i32
    %cond3A = arith.constant 0 : i32
    %cond3A_11 = arith.cmpi ne, %convert_element_type3A, %cond3A : i32
    scf.if %cond3A_11 {
      %reduce_max3A = arith.constant dense<0xFF800000> : vector<256xf32>
      %reduce_max3A_46 = vector.multi_reduction <maximumf>, %mul3A_5, %reduce_max3A [0] : vector<3072x256xf32> to vector<256xf32>
      %broadcast_in_dim3A = vector.shape_cast %reduce_max3A_46 : vector<256xf32> to vector<1x256xf32>
      %reduce_sum3A = arith.constant dense<0.000000e+00> : vector<256xf32>
      %reduce_sum3A_47 = vector.multi_reduction <add>, %mul3A_5, %reduce_sum3A [0] : vector<3072x256xf32> to vector<256xf32>
      %broadcast_in_dim3A_48 = vector.shape_cast %reduce_sum3A_47 : vector<256xf32> to vector<1x256xf32>
      %eq3A_49 = arith.constant 0 : i32
      %eq3A_50 = arith.cmpi eq, %arg1, %eq3A_49 : i32
      %convert_element_type3A_51 = arith.extui %eq3A_50 : i1 to i32
      %cond3A_52 = arith.constant 0 : i32
      %cond3A_53 = arith.cmpi ne, %convert_element_type3A_51, %cond3A_52 : i32
      scf.if %cond3A_53 {
        %swap3A = arith.constant 0 : index
        %swap3A_59 = arith.constant 0 : index
        %swap3A_60 = vector.load %arg10[%swap3A, %swap3A_59] : memref<1x256xf32, #tpu.memory_space<vmem>>, vector<1x256xf32>
        tpu.vector_store %arg10[%swap3A, %swap3A_59], %broadcast_in_dim3A {strides = array<i32>} : memref<1x256xf32, #tpu.memory_space<vmem>>, vector<1x256xf32>,
        %swap3A_61 = arith.constant 0 : index
        %swap3A_62 = arith.constant 0 : index
        %swap3A_63 = vector.load %arg11[%swap3A_61, %swap3A_62] : memref<1x256xf32, #tpu.memory_space<vmem>>, vector<1x256xf32>
        tpu.vector_store %arg11[%swap3A_61, %swap3A_62], %broadcast_in_dim3A_48 {strides = array<i32>} : memref<1x256xf32, #tpu.memory_space<vmem>>, vector<1x256xf32>,
      } else {
      }
      %gt3A_54 = arith.constant 0 : i32
      %gt3A_55 = arith.cmpi sgt, %arg1, %gt3A_54 : i32
      %convert_element_type3A_56 = arith.extui %gt3A_55 : i1 to i32
      %cond3A_57 = arith.constant 0 : i32
      %cond3A_58 = arith.cmpi ne, %convert_element_type3A_56, %cond3A_57 : i32
      scf.if %cond3A_58 {
        %get3A_59 = arith.constant 0 : index
        %get3A_60 = arith.constant 0 : index
        %get3A_61 = vector.load %arg10[%get3A_59, %get3A_60] : memref<1x256xf32, #tpu.memory_space<vmem>>, vector<1x256xf32>
        %max3A = arith.maximumf %get3A_61, %broadcast_in_dim3A : vector<1x256xf32>
        %swap3A = arith.constant 0 : index
        %swap3A_62 = arith.constant 0 : index
        %swap3A_63 = vector.load %arg10[%swap3A, %swap3A_62] : memref<1x256xf32, #tpu.memory_space<vmem>>, vector<1x256xf32>
        tpu.vector_store %arg10[%swap3A, %swap3A_62], %max3A {strides = array<i32>} : memref<1x256xf32, #tpu.memory_space<vmem>>, vector<1x256xf32>,
        %get3A_64 = arith.constant 0 : index
        %get3A_65 = arith.constant 0 : index
        %get3A_66 = vector.load %arg11[%get3A_64, %get3A_65] : memref<1x256xf32, #tpu.memory_space<vmem>>, vector<1x256xf32>
        %add3A = arith.addf %get3A_66, %broadcast_in_dim3A_48 : vector<1x256xf32>
        %swap3A_67 = arith.constant 0 : index
        %swap3A_68 = arith.constant 0 : index
        %swap3A_69 = vector.load %arg11[%swap3A_67, %swap3A_68] : memref<1x256xf32, #tpu.memory_space<vmem>>, vector<1x256xf32>
        tpu.vector_store %arg11[%swap3A_67, %swap3A_68], %add3A {strides = array<i32>} : memref<1x256xf32, #tpu.memory_space<vmem>>, vector<1x256xf32>,
      } else {
      }
    } else {
    }
    %get3A_12 = arith.constant 0 : index
    %get3A_13 = arith.constant 0 : index
    %get3A_14 = vector.load %arg4[%get3A_12, %get3A_13] : memref<3072x1xf32, #tpu.memory_space<vmem>>, vector<3072x1xf32>
    %mul3A_15 = vector.broadcast %get3A_14 : vector<3072x1xf32> to vector<3072x256xf32>
    %mul3A_16 = arith.mulf %dot_general3A_9, %mul3A_15 : vector<3072x256xf32>
    %get3A_17 = arith.constant 0 : index
    %get3A_18 = arith.constant 0 : index
    %get3A_19 = vector.load %arg2[%get3A_17, %get3A_18] : memref<1024x3072xbf16, #tpu.memory_space<vmem>>, vector<1024x3072xbf16>
    %convert_element_type3A_20 = arith.truncf %mul3A_16 : vector<3072x256xf32> to vector<3072x256xbf16>
    %dot_general3A_21 = arith.constant dense<0.000000e+00> : vector<1024x256xf32>
    %dot_general3A_22 = tpu.matmul %get3A_19, %convert_element_type3A_20, %dot_general3A_21 {dimension_numbers = #tpu.dot_dimension_numbers<[1], [0], [0], [1], [0, 0, 1, 1], [], []>, transpose_lhs_hint = false} : vector<1024x3072xbf16>, vector<3072x256xbf16>, vector<1024x256xf32> -> vector<1024x256xf32>
    %eq3A_23 = arith.constant 0 : i32
    %eq3A_24 = arith.cmpi eq, %arg1, %eq3A_23 : i32
    %convert_element_type3A_25 = arith.extui %eq3A_24 : i1 to i32
    %cond3A_26 = arith.constant 0 : i32
    %cond3A_27 = arith.cmpi ne, %convert_element_type3A_25, %cond3A_26 : i32
    scf.if %cond3A_27 {
      %swap3A = arith.constant 0 : index
      %swap3A_46 = arith.constant 0 : index
      %swap3A_47 = vector.load %arg9[%swap3A, %swap3A_46] : memref<1024x256xf32, #tpu.memory_space<vmem>>, vector<1024x256xf32>
      tpu.vector_store %arg9[%swap3A, %swap3A_46], %dot_general3A_22 {strides = array<i32>} : memref<1024x256xf32, #tpu.memory_space<vmem>>, vector<1024x256xf32>,
    } else {
    }
    %gt3A = arith.constant 0 : i32
    %gt3A_28 = arith.cmpi sgt, %arg1, %gt3A : i32
    %convert_element_type3A_29 = arith.extui %gt3A_28 : i1 to i32
    %cond3A_30 = arith.constant 0 : i32
    %cond3A_31 = arith.cmpi ne, %convert_element_type3A_29, %cond3A_30 : i32
    scf.if %cond3A_31 {
      %get3A_46 = arith.constant 0 : index
      %get3A_47 = arith.constant 0 : index
      %get3A_48 = vector.load %arg9[%get3A_46, %get3A_47] : memref<1024x256xf32, #tpu.memory_space<vmem>>, vector<1024x256xf32>
      %add3A = arith.addf %get3A_48, %dot_general3A_22 : vector<1024x256xf32>
      %swap3A = arith.constant 0 : index
      %swap3A_49 = arith.constant 0 : index
      %swap3A_50 = vector.load %arg9[%swap3A, %swap3A_49] : memref<1024x256xf32, #tpu.memory_space<vmem>>, vector<1024x256xf32>
      tpu.vector_store %arg9[%swap3A, %swap3A_49], %add3A {strides = array<i32>} : memref<1024x256xf32, #tpu.memory_space<vmem>>, vector<1024x256xf32>,
    } else {
    }
    %mul3A_32 = arith.constant 1024 : i32
    %mul3A_33 = arith.muli %arg0, %mul3A_32 : i32
    %mul3A_34 = arith.constant 3072 : i32
    %mul3A_35 = arith.muli %arg1, %mul3A_34 : i32
    %sub3A = arith.subi %mul3A_33, %mul3A_35 : i32
    %ge3A = arith.constant 0 : i32
    %ge3A_36 = arith.cmpi sge, %sub3A, %ge3A : i32
    %lt3A = arith.constant 3072 : i32
    %lt3A_37 = arith.cmpi slt, %sub3A, %lt3A : i32
    %and3A = arith.andi %ge3A_36, %lt3A_37 : i1
    %convert_element_type3A_38 = arith.extui %and3A : i1 to i32
    %cond3A_39 = arith.constant 0 : i32
    %cond3A_40 = arith.cmpi ne, %convert_element_type3A_38, %cond3A_39 : i32
    scf.if %cond3A_40 {
      %multiple_of3A = tpu.assume_multiple %sub3A, 1024 : i32
      %get3A_46 = arith.index_cast %multiple_of3A : i32 to index
      %get3A_47 = arith.constant 0 : index
      %get3A_48 = vector.load %arg4[%get3A_46, %get3A_47] : memref<3072x1xf32, #tpu.memory_space<vmem>>, vector<1024x1xf32>
      %get3A_49 = arith.index_cast %multiple_of3A : i32 to index
      %get3A_50 = arith.constant 0 : index
      %get3A_51 = vector.load %arg3[%get3A_49, %get3A_50] : memref<3072x256xf32, #tpu.memory_space<vmem>>, vector<1024x256xf32>
      %get3A_52 = arith.index_cast %multiple_of3A : i32 to index
      %get3A_53 = arith.constant 0 : index
      %get3A_54 = vector.load %arg7[%get3A_52, %get3A_53] : memref<3072x1xf32, #tpu.memory_space<vmem>>, vector<1024x1xf32>
      %tanh3A_55 = math.tanh %get3A_54 : vector<1024x1xf32>
      %mul3A_56 = vector.broadcast %tanh3A_55 : vector<1024x1xf32> to vector<1024x256xf32>
      %mul3A_57 = arith.mulf %get3A_51, %mul3A_56 : vector<1024x256xf32>
      %get3A_58 = arith.constant 0 : index
      %get3A_59 = arith.constant 0 : index
      %get3A_60 = vector.load %arg8[%get3A_58, %get3A_59] : memref<256x256xf32, #tpu.memory_space<vmem>>, vector<256x256xf32>
      %dot_general3A_61 = arith.constant dense<0.000000e+00> : vector<1024x256xf32>
      %dot_general3A_62 = tpu.matmul %mul3A_57, %get3A_60, %dot_general3A_61 {dimension_numbers = #tpu.dot_dimension_numbers<[1], [0], [0], [1], [0, 0, 1, 1], [], []>, transpose_lhs_hint = false} : vector<1024x256xf32>, vector<256x256xf32>, vector<1024x256xf32> -> vector<1024x256xf32>
      %mul3A_63 = vector.broadcast %get3A_48 : vector<1024x1xf32> to vector<1024x256xf32>
      %mul3A_64 = arith.mulf %dot_general3A_62, %mul3A_63 : vector<1024x256xf32>
      %get3A_65 = arith.constant 0 : index
      %get3A_66 = arith.constant 0 : index
      %get3A_67 = vector.load %arg9[%get3A_65, %get3A_66] : memref<1024x256xf32, #tpu.memory_space<vmem>>, vector<1024x256xf32>
      %add3A = arith.addf %get3A_67, %mul3A_64 : vector<1024x256xf32>
      %swap3A = arith.constant 0 : index
      %swap3A_68 = arith.constant 0 : index
      %swap3A_69 = vector.load %arg9[%swap3A, %swap3A_68] : memref<1024x256xf32, #tpu.memory_space<vmem>>, vector<1024x256xf32>
      tpu.vector_store %arg9[%swap3A, %swap3A_68], %add3A {strides = array<i32>} : memref<1024x256xf32, #tpu.memory_space<vmem>>, vector<1024x256xf32>,
    } else {
    }
    %eq3A_41 = arith.constant 0 : i32
    %eq3A_42 = arith.cmpi eq, %arg1, %eq3A_41 : i32
    %convert_element_type3A_43 = arith.extui %eq3A_42 : i1 to i32
    %cond3A_44 = arith.constant 0 : i32
    %cond3A_45 = arith.cmpi ne, %convert_element_type3A_43, %cond3A_44 : i32
    scf.if %cond3A_45 {
      %get3A_46 = arith.constant 0 : index
      %get3A_47 = arith.constant 0 : index
      %get3A_48 = vector.load %arg9[%get3A_46, %get3A_47] : memref<1024x256xf32, #tpu.memory_space<vmem>>, vector<1024x256xf32>
      %get3A_49 = arith.constant 0 : index
      %get3A_50 = arith.constant 0 : index
      %get3A_51 = vector.load %arg5[%get3A_49, %get3A_50] : memref<1024x1xf32, #tpu.memory_space<vmem>>, vector<1024x1xf32>
      %mul3A_52 = vector.broadcast %get3A_51 : vector<1024x1xf32> to vector<1024x256xf32>
      %mul3A_53 = arith.mulf %get3A_48, %mul3A_52 : vector<1024x256xf32>
      %get3A_54 = arith.constant 0 : index
      %get3A_55 = arith.constant 0 : index
      %get3A_56 = vector.load %arg6[%get3A_54, %get3A_55] : memref<1x256xf32, #tpu.memory_space<vmem>>, vector<1x256xf32>
      %add3A = vector.broadcast %get3A_56 : vector<1x256xf32> to vector<1024x256xf32>
      %add3A_57 = arith.addf %mul3A_53, %add3A : vector<1024x256xf32>
      %max3A = arith.constant 0.000000e+00 : f32
      %max3A_58 = vector.broadcast %max3A : f32 to vector<1024x256xf32>
      %max3A_59 = arith.maximumf %add3A_57, %max3A_58 : vector<1024x256xf32>
      %swap3A = arith.constant 0 : index
      %swap3A_60 = arith.constant 0 : index
      %swap3A_61 = vector.load %arg9[%swap3A, %swap3A_60] : memref<1024x256xf32, #tpu.memory_space<vmem>>, vector<1024x256xf32>
      tpu.vector_store %arg9[%swap3A, %swap3A_60], %max3A_59 {strides = array<i32>} : memref<1024x256xf32, #tpu.memory_space<vmem>>, vector<1024x256xf32>,
    } else {
    }
    return
  }
  func.func @transform_0(%arg0: i32, %arg1: i32) -> (i32, i32) {
    %c0_i32 = arith.constant 0 : i32
    return %arg0, %arg1 : i32, i32
  }
  func.func @transform_1(%arg0: i32, %arg1: i32) -> (i32, i32) {
    %c0_i32 = arith.constant 0 : i32
    %c0_i32_0 = arith.constant 0 : i32
    return %arg1, %c0_i32 : i32, i32
  }
  func.func @transform_2(%arg0: i32, %arg1: i32) -> (i32, i32) {
    %c0_i32 = arith.constant 0 : i32
    %c0_i32_0 = arith.constant 0 : i32
    return %arg1, %c0_i32 : i32, i32
  }
  func.func @transform_3(%arg0: i32, %arg1: i32) -> (i32, i32) {
    %c0_i32 = arith.constant 0 : i32
    %c0_i32_0 = arith.constant 0 : i32
    return %arg0, %c0_i32 : i32, i32
  }
  func.func @transform_4(%arg0: i32, %arg1: i32) -> (i32, i32) {
    %c0_i32 = arith.constant 0 : i32
    %c0_i32_0 = arith.constant 0 : i32
    %c0_i32_1 = arith.constant 0 : i32
    return %c0_i32, %c0_i32_0 : i32, i32
  }
  func.func @transform_5(%arg0: i32, %arg1: i32) -> (i32, i32) {
    %c0_i32 = arith.constant 0 : i32
    %c0_i32_0 = arith.constant 0 : i32
    return %arg1, %c0_i32 : i32, i32
  }
  func.func @transform_6(%arg0: i32, %arg1: i32) -> (i32, i32) {
    %c0_i32 = arith.constant 0 : i32
    %c0_i32_0 = arith.constant 0 : i32
    %c0_i32_1 = arith.constant 0 : i32
    return %c0_i32, %c0_i32_0 : i32, i32
  }
  func.func @transform_7(%arg0: i32, %arg1: i32) -> (i32, i32) {
    %c0_i32 = arith.constant 0 : i32
    %c0_i32_0 = arith.constant 0 : i32
    return %arg0, %c0_i32 : i32, i32
  }
  func.func @transform_8(%arg0: i32, %arg1: i32) -> (i32, i32) {
    %c0_i32 = arith.constant 0 : i32
    %c0_i32_0 = arith.constant 0 : i32
    %c0_i32_1 = arith.constant 0 : i32
    return %c0_i32, %c0_i32_0 : i32, i32
  }
  func.func @transform_9(%arg0: i32, %arg1: i32) -> (i32, i32) {
    %c0_i32 = arith.constant 0 : i32
    %c0_i32_0 = arith.constant 0 : i32
    %c0_i32_1 = arith.constant 0 : i32
    return %c0_i32, %c0_i32_0 : i32, i32
  }
}

module attributes {stable_mosaic.version = 14 : i64} {
  func.func @_score_body(%arg0: i32, %arg1: i32, %arg2: memref<1024x3072xbf16, #tpu.memory_space<vmem>>, %arg3: memref<3072x256xf32, #tpu.memory_space<vmem>>, %arg4: memref<3072x1xf32, #tpu.memory_space<vmem>>, %arg5: memref<1024x1xf32, #tpu.memory_space<vmem>>, %arg6: memref<256x128xf32, #tpu.memory_space<vmem>>, %arg7: memref<1x128xf32, #tpu.memory_space<vmem>>, %arg8: memref<1024x128xf32, #tpu.memory_space<vmem>>) attributes {dimension_semantics = [#tpu.dimension_semantics<arbitrary>, #tpu.dimension_semantics<arbitrary>], iteration_bounds = array<i64: 3, 1>, scalar_prefetch = 0 : i64, scratch_operands = 0 : i64, tpu.core_type = #tpu.core_type<tc>, window_params = [{transform_indices = @transform_0, window_bounds = array<i64: 1024, 3072>}, {transform_indices = @transform_1, window_bounds = array<i64: 3072, 256>}, {transform_indices = @transform_2, window_bounds = array<i64: 3072, 1>}, {transform_indices = @transform_3, window_bounds = array<i64: 1024, 1>}, {pipeline_mode = #tpu.pipeline_mode<synchronous>, transform_indices = @transform_4, window_bounds = array<i64: 256, 128>}, {pipeline_mode = #tpu.pipeline_mode<synchronous>, transform_indices = @transform_5, window_bounds = array<i64: 1, 128>}, {transform_indices = @transform_6, window_bounds = array<i64: 1024, 128>}]} {
    %get3A = arith.constant 0 : index
    %get3A_0 = arith.constant 0 : index
    %get3A_1 = vector.load %arg3[%get3A, %get3A_0] : memref<3072x256xf32, #tpu.memory_space<vmem>>, vector<3072x256xf32>
    %get3A_2 = arith.constant 0 : index
    %get3A_3 = arith.constant 0 : index
    %get3A_4 = vector.load %arg6[%get3A_2, %get3A_3] : memref<256x128xf32, #tpu.memory_space<vmem>>, vector<256x128xf32>
    %dot_general3A = arith.constant dense<0.000000e+00> : vector<3072x128xf32>
    %dot_general3A_5 = tpu.matmul %get3A_1, %get3A_4, %dot_general3A {dimension_numbers = #tpu.dot_dimension_numbers<[1], [0], [0], [1], [0, 0, 1, 1], [], []>, transpose_lhs_hint = false} : vector<3072x256xf32>, vector<256x128xf32>, vector<3072x128xf32> -> vector<3072x128xf32>
    %get3A_6 = arith.constant 0 : index
    %get3A_7 = arith.constant 0 : index
    %get3A_8 = vector.load %arg4[%get3A_6, %get3A_7] : memref<3072x1xf32, #tpu.memory_space<vmem>>, vector<3072x1xf32>
    %mul3A = vector.broadcast %get3A_8 : vector<3072x1xf32> to vector<3072x128xf32>
    %mul3A_9 = arith.mulf %dot_general3A_5, %mul3A : vector<3072x128xf32>
    %get3A_10 = arith.constant 0 : index
    %get3A_11 = arith.constant 0 : index
    %get3A_12 = vector.load %arg2[%get3A_10, %get3A_11] : memref<1024x3072xbf16, #tpu.memory_space<vmem>>, vector<1024x3072xbf16>
    %convert_element_type3A = arith.truncf %mul3A_9 : vector<3072x128xf32> to vector<3072x128xbf16>
    %dot_general3A_13 = arith.constant dense<0.000000e+00> : vector<1024x128xf32>
    %dot_general3A_14 = tpu.matmul %get3A_12, %convert_element_type3A, %dot_general3A_13 {dimension_numbers = #tpu.dot_dimension_numbers<[1], [0], [0], [1], [0, 0, 1, 1], [], []>, transpose_lhs_hint = false} : vector<1024x3072xbf16>, vector<3072x128xbf16>, vector<1024x128xf32> -> vector<1024x128xf32>
    %eq3A = arith.constant 0 : i32
    %eq3A_15 = arith.cmpi eq, %arg1, %eq3A : i32
    %convert_element_type3A_16 = arith.extui %eq3A_15 : i1 to i32
    %cond3A = arith.constant 0 : i32
    %cond3A_17 = arith.cmpi ne, %convert_element_type3A_16, %cond3A : i32
    scf.if %cond3A_17 {
      %swap3A = arith.constant 0 : index
      %swap3A_36 = arith.constant 0 : index
      %swap3A_37 = vector.load %arg8[%swap3A, %swap3A_36] : memref<1024x128xf32, #tpu.memory_space<vmem>>, vector<1024x128xf32>
      tpu.vector_store %arg8[%swap3A, %swap3A_36], %dot_general3A_14 {strides = array<i32>} : memref<1024x128xf32, #tpu.memory_space<vmem>>, vector<1024x128xf32>,
    } else {
    }
    %gt3A = arith.constant 0 : i32
    %gt3A_18 = arith.cmpi sgt, %arg1, %gt3A : i32
    %convert_element_type3A_19 = arith.extui %gt3A_18 : i1 to i32
    %cond3A_20 = arith.constant 0 : i32
    %cond3A_21 = arith.cmpi ne, %convert_element_type3A_19, %cond3A_20 : i32
    scf.if %cond3A_21 {
      %get3A_36 = arith.constant 0 : index
      %get3A_37 = arith.constant 0 : index
      %get3A_38 = vector.load %arg8[%get3A_36, %get3A_37] : memref<1024x128xf32, #tpu.memory_space<vmem>>, vector<1024x128xf32>
      %add3A = arith.addf %get3A_38, %dot_general3A_14 : vector<1024x128xf32>
      %swap3A = arith.constant 0 : index
      %swap3A_39 = arith.constant 0 : index
      %swap3A_40 = vector.load %arg8[%swap3A, %swap3A_39] : memref<1024x128xf32, #tpu.memory_space<vmem>>, vector<1024x128xf32>
      tpu.vector_store %arg8[%swap3A, %swap3A_39], %add3A {strides = array<i32>} : memref<1024x128xf32, #tpu.memory_space<vmem>>, vector<1024x128xf32>,
    } else {
    }
    %mul3A_22 = arith.constant 1024 : i32
    %mul3A_23 = arith.muli %arg0, %mul3A_22 : i32
    %mul3A_24 = arith.constant 3072 : i32
    %mul3A_25 = arith.muli %arg1, %mul3A_24 : i32
    %sub3A = arith.subi %mul3A_23, %mul3A_25 : i32
    %ge3A = arith.constant 0 : i32
    %ge3A_26 = arith.cmpi sge, %sub3A, %ge3A : i32
    %lt3A = arith.constant 3072 : i32
    %lt3A_27 = arith.cmpi slt, %sub3A, %lt3A : i32
    %and3A = arith.andi %ge3A_26, %lt3A_27 : i1
    %convert_element_type3A_28 = arith.extui %and3A : i1 to i32
    %cond3A_29 = arith.constant 0 : i32
    %cond3A_30 = arith.cmpi ne, %convert_element_type3A_28, %cond3A_29 : i32
    scf.if %cond3A_30 {
      %multiple_of3A = tpu.assume_multiple %sub3A, 1024 : i32
      %get3A_36 = arith.index_cast %multiple_of3A : i32 to index
      %get3A_37 = arith.constant 0 : index
      %get3A_38 = vector.load %arg3[%get3A_36, %get3A_37] : memref<3072x256xf32, #tpu.memory_space<vmem>>, vector<1024x256xf32>
      %get3A_39 = arith.constant 0 : index
      %get3A_40 = arith.constant 0 : index
      %get3A_41 = vector.load %arg6[%get3A_39, %get3A_40] : memref<256x128xf32, #tpu.memory_space<vmem>>, vector<256x128xf32>
      %dot_general3A_42 = arith.constant dense<0.000000e+00> : vector<1024x128xf32>
      %dot_general3A_43 = tpu.matmul %get3A_38, %get3A_41, %dot_general3A_42 {dimension_numbers = #tpu.dot_dimension_numbers<[1], [0], [0], [1], [0, 0, 1, 1], [], []>, transpose_lhs_hint = false} : vector<1024x256xf32>, vector<256x128xf32>, vector<1024x128xf32> -> vector<1024x128xf32>
      %get3A_44 = arith.index_cast %multiple_of3A : i32 to index
      %get3A_45 = arith.constant 0 : index
      %get3A_46 = vector.load %arg4[%get3A_44, %get3A_45] : memref<3072x1xf32, #tpu.memory_space<vmem>>, vector<1024x1xf32>
      %mul3A_47 = vector.broadcast %get3A_46 : vector<1024x1xf32> to vector<1024x128xf32>
      %mul3A_48 = arith.mulf %dot_general3A_43, %mul3A_47 : vector<1024x128xf32>
      %get3A_49 = arith.constant 0 : index
      %get3A_50 = arith.constant 0 : index
      %get3A_51 = vector.load %arg8[%get3A_49, %get3A_50] : memref<1024x128xf32, #tpu.memory_space<vmem>>, vector<1024x128xf32>
      %add3A = arith.addf %get3A_51, %mul3A_48 : vector<1024x128xf32>
      %swap3A = arith.constant 0 : index
      %swap3A_52 = arith.constant 0 : index
      %swap3A_53 = vector.load %arg8[%swap3A, %swap3A_52] : memref<1024x128xf32, #tpu.memory_space<vmem>>, vector<1024x128xf32>
      tpu.vector_store %arg8[%swap3A, %swap3A_52], %add3A {strides = array<i32>} : memref<1024x128xf32, #tpu.memory_space<vmem>>, vector<1024x128xf32>,
    } else {
    }
    %eq3A_31 = arith.constant 0 : i32
    %eq3A_32 = arith.cmpi eq, %arg1, %eq3A_31 : i32
    %convert_element_type3A_33 = arith.extui %eq3A_32 : i1 to i32
    %cond3A_34 = arith.constant 0 : i32
    %cond3A_35 = arith.cmpi ne, %convert_element_type3A_33, %cond3A_34 : i32
    scf.if %cond3A_35 {
      %get3A_36 = arith.constant 0 : index
      %get3A_37 = arith.constant 0 : index
      %get3A_38 = vector.load %arg8[%get3A_36, %get3A_37] : memref<1024x128xf32, #tpu.memory_space<vmem>>, vector<1024x128xf32>
      %get3A_39 = arith.constant 0 : index
      %get3A_40 = arith.constant 0 : index
      %get3A_41 = vector.load %arg5[%get3A_39, %get3A_40] : memref<1024x1xf32, #tpu.memory_space<vmem>>, vector<1024x1xf32>
      %mul3A_42 = vector.broadcast %get3A_41 : vector<1024x1xf32> to vector<1024x128xf32>
      %mul3A_43 = arith.mulf %get3A_38, %mul3A_42 : vector<1024x128xf32>
      %get3A_44 = arith.constant 0 : index
      %get3A_45 = arith.constant 0 : index
      %get3A_46 = vector.load %arg7[%get3A_44, %get3A_45] : memref<1x128xf32, #tpu.memory_space<vmem>>, vector<1x128xf32>
      %add3A = vector.broadcast %get3A_46 : vector<1x128xf32> to vector<1024x128xf32>
      %add3A_47 = arith.addf %mul3A_43, %add3A : vector<1024x128xf32>
      %swap3A = arith.constant 0 : index
      %swap3A_48 = arith.constant 0 : index
      %swap3A_49 = vector.load %arg8[%swap3A, %swap3A_48] : memref<1024x128xf32, #tpu.memory_space<vmem>>, vector<1024x128xf32>
      tpu.vector_store %arg8[%swap3A, %swap3A_48], %add3A_47 {strides = array<i32>} : memref<1024x128xf32, #tpu.memory_space<vmem>>, vector<1024x128xf32>,
    } else {
    }
    return
  }
  func.func @transform_0(%arg0: i32, %arg1: i32) -> (i32, i32) {
    %c0_i32 = arith.constant 0 : i32
    return %arg0, %arg1 : i32, i32
  }
  func.func @transform_1(%arg0: i32, %arg1: i32) -> (i32, i32) {
    %c0_i32 = arith.constant 0 : i32
    %c0_i32_0 = arith.constant 0 : i32
    return %arg1, %c0_i32 : i32, i32
  }
  func.func @transform_2(%arg0: i32, %arg1: i32) -> (i32, i32) {
    %c0_i32 = arith.constant 0 : i32
    %c0_i32_0 = arith.constant 0 : i32
    return %arg1, %c0_i32 : i32, i32
  }
  func.func @transform_3(%arg0: i32, %arg1: i32) -> (i32, i32) {
    %c0_i32 = arith.constant 0 : i32
    %c0_i32_0 = arith.constant 0 : i32
    return %arg0, %c0_i32 : i32, i32
  }
  func.func @transform_4(%arg0: i32, %arg1: i32) -> (i32, i32) {
    %c0_i32 = arith.constant 0 : i32
    %c0_i32_0 = arith.constant 0 : i32
    %c0_i32_1 = arith.constant 0 : i32
    return %c0_i32, %c0_i32_0 : i32, i32
  }
  func.func @transform_5(%arg0: i32, %arg1: i32) -> (i32, i32) {
    %c0_i32 = arith.constant 0 : i32
    %c0_i32_0 = arith.constant 0 : i32
    %c0_i32_1 = arith.constant 0 : i32
    return %c0_i32, %c0_i32_0 : i32, i32
  }
  func.func @transform_6(%arg0: i32, %arg1: i32) -> (i32, i32) {
    %c0_i32 = arith.constant 0 : i32
    %c0_i32_0 = arith.constant 0 : i32
    return %arg0, %c0_i32 : i32, i32
  }
}

module attributes {stable_mosaic.version = 14 : i64} {
  func.func @_rank_body(%arg0: i32, %arg1: memref<256x1xf32, #tpu.memory_space<vmem>>, %arg2: memref<1x3072xf32, #tpu.memory_space<vmem>>, %arg3: memref<256x1xi32, #tpu.memory_space<vmem>>) attributes {dimension_semantics = [#tpu.dimension_semantics<arbitrary>], iteration_bounds = array<i64: 12>, scalar_prefetch = 0 : i64, scratch_operands = 0 : i64, tpu.core_type = #tpu.core_type<tc>, window_params = [{transform_indices = @transform_0, window_bounds = array<i64: 256, 1>}, {pipeline_mode = #tpu.pipeline_mode<synchronous>, transform_indices = @transform_1, window_bounds = array<i64: 1, 3072>}, {transform_indices = @transform_2, window_bounds = array<i64: 256, 1>}]} {
    %get3A = arith.constant 0 : index
    %get3A_0 = arith.constant 0 : index
    %get3A_1 = vector.load %arg1[%get3A, %get3A_0] : memref<256x1xf32, #tpu.memory_space<vmem>>, vector<256x1xf32>
    %get3A_2 = arith.constant 0 : index
    %get3A_3 = arith.constant 0 : index
    %get3A_4 = vector.load %arg2[%get3A_2, %get3A_3] : memref<1x3072xf32, #tpu.memory_space<vmem>>, vector<1x3072xf32>
    %iota3A = tpu.iota {dimensions = array<i32: 0>} : vector<256x3072xi32>
    %mul3A = arith.constant 256 : i32
    %mul3A_5 = arith.muli %arg0, %mul3A : i32
    %add3A = vector.broadcast %mul3A_5 : i32 to vector<256x3072xi32>
    %add3A_6 = arith.addi %iota3A, %add3A : vector<256x3072xi32>
    %iota3A_7 = tpu.iota {dimensions = array<i32: 1>} : vector<256x3072xi32>
    %gt3A = vector.broadcast %get3A_4 : vector<1x3072xf32> to vector<256x3072xf32>
    %gt3A_8 = vector.broadcast %get3A_1 : vector<256x1xf32> to vector<256x3072xf32>
    %gt3A_9 = arith.cmpf ogt, %gt3A, %gt3A_8 : vector<256x3072xf32>
    %eq3A = vector.broadcast %get3A_4 : vector<1x3072xf32> to vector<256x3072xf32>
    %eq3A_10 = vector.broadcast %get3A_1 : vector<256x1xf32> to vector<256x3072xf32>
    %eq3A_11 = arith.cmpf oeq, %eq3A, %eq3A_10 : vector<256x3072xf32>
    %lt3A = arith.cmpi slt, %iota3A_7, %add3A_6 : vector<256x3072xi32>
    %and3A = arith.andi %eq3A_11, %lt3A : vector<256x3072xi1>
    %or3A = arith.ori %gt3A_9, %and3A : vector<256x3072xi1>
    %convert_element_type3A = arith.extui %or3A : vector<256x3072xi1> to vector<256x3072xi32>
    %reduce_sum3A = arith.constant dense<0> : vector<256xi32>
    %reduce_sum3A_12 = vector.multi_reduction <add>, %convert_element_type3A, %reduce_sum3A [1] : vector<256x3072xi32> to vector<256xi32>
    %broadcast_in_dim3A = vector.shape_cast %reduce_sum3A_12 : vector<256xi32> to vector<256x1xi32>
    %swap3A = arith.constant 0 : index
    %swap3A_13 = arith.constant 0 : index
    %swap3A_14 = vector.load %arg3[%swap3A, %swap3A_13] : memref<256x1xi32, #tpu.memory_space<vmem>>, vector<256x1xi32>
    tpu.vector_store %arg3[%swap3A, %swap3A_13], %broadcast_in_dim3A {strides = array<i32>} : memref<256x1xi32, #tpu.memory_space<vmem>>, vector<256x1xi32>,
    return
  }
  func.func @transform_0(%arg0: i32) -> (i32, i32) {
    %c0_i32 = arith.constant 0 : i32
    %c0_i32_0 = arith.constant 0 : i32
    return %arg0, %c0_i32 : i32, i32
  }
  func.func @transform_1(%arg0: i32) -> (i32, i32) {
    %c0_i32 = arith.constant 0 : i32
    %c0_i32_0 = arith.constant 0 : i32
    %c0_i32_1 = arith.constant 0 : i32
    return %c0_i32, %c0_i32_0 : i32, i32
  }
  func.func @transform_2(%arg0: i32) -> (i32, i32) {
    %c0_i32 = arith.constant 0 : i32
    %c0_i32_0 = arith.constant 0 : i32
    return %arg0, %c0_i32 : i32, i32
  }
}

module attributes {stable_mosaic.version = 14 : i64} {
  func.func @_mask23_body(%arg0: i32, %arg1: i32, %arg2: memref<768x512xf32, #tpu.memory_space<vmem>>, %arg3: memref<1152x512xf32, #tpu.memory_space<vmem>>, %arg4: memref<768x1xi32, #tpu.memory_space<vmem>>, %arg5: memref<1x1152xi32, #tpu.memory_space<vmem>>, %arg6: memref<1x4096xf32, #tpu.memory_space<vmem>>, %arg7: memref<768x1152xbf16, #tpu.memory_space<vmem>>, %arg8: memref<768x1xf32, #tpu.memory_space<vmem>>) attributes {dimension_semantics = [#tpu.dimension_semantics<arbitrary>, #tpu.dimension_semantics<arbitrary>], iteration_bounds = array<i64: 3, 2>, scalar_prefetch = 0 : i64, scratch_operands = 0 : i64, tpu.core_type = #tpu.core_type<tc>, window_params = [{transform_indices = @transform_0, window_bounds = array<i64: 768, 512>}, {transform_indices = @transform_1, window_bounds = array<i64: 1152, 512>}, {transform_indices = @transform_2, window_bounds = array<i64: 768, 1>}, {transform_indices = @transform_3, window_bounds = array<i64: 1, 1152>}, {pipeline_mode = #tpu.pipeline_mode<synchronous>, transform_indices = @transform_4, window_bounds = array<i64: 1, 4096>}, {transform_indices = @transform_5, window_bounds = array<i64: 768, 1152>}, {transform_indices = @transform_6, window_bounds = array<i64: 768, 1>}]} {
    %get3A = arith.constant 0 : index
    %get3A_0 = arith.constant 0 : index
    %get3A_1 = vector.load %arg2[%get3A, %get3A_0] : memref<768x512xf32, #tpu.memory_space<vmem>>, vector<768x512xf32>
    %get3A_2 = arith.constant 0 : index
    %get3A_3 = arith.constant 0 : index
    %get3A_4 = vector.load %arg3[%get3A_2, %get3A_3] : memref<1152x512xf32, #tpu.memory_space<vmem>>, vector<1152x512xf32>
    %mul3A = arith.mulf %get3A_1, %get3A_1 : vector<768x512xf32>
    %reduce_sum3A = arith.constant dense<0.000000e+00> : vector<768xf32>
    %reduce_sum3A_5 = vector.multi_reduction <add>, %mul3A, %reduce_sum3A [1] : vector<768x512xf32> to vector<768xf32>
    %broadcast_in_dim3A = vector.shape_cast %reduce_sum3A_5 : vector<768xf32> to vector<768x1xf32>
    %broadcast_in_dim3A_6 = arith.constant 1.000000e+00 : f32
    %broadcast_in_dim3A_7 = vector.broadcast %broadcast_in_dim3A_6 : f32 to vector<1x512xf32>
    %mul3A_8 = arith.mulf %get3A_4, %get3A_4 : vector<1152x512xf32>
    %dot_general3A = arith.constant dense<0.000000e+00> : vector<1x1152xf32>
    %dot_general3A_9 = tpu.matmul %broadcast_in_dim3A_7, %mul3A_8, %dot_general3A {dimension_numbers = #tpu.dot_dimension_numbers<[1], [1], [0], [0], [0, 0, 1, 0], [], []>, transpose_lhs_hint = false} : vector<1x512xf32>, vector<1152x512xf32>, vector<1x1152xf32> -> vector<1x1152xf32>
    %add3A = vector.broadcast %broadcast_in_dim3A : vector<768x1xf32> to vector<768x1152xf32>
    %add3A_10 = vector.broadcast %dot_general3A_9 : vector<1x1152xf32> to vector<768x1152xf32>
    %add3A_11 = arith.addf %add3A, %add3A_10 : vector<768x1152xf32>
    %convert_element_type3A = arith.truncf %get3A_1 : vector<768x512xf32> to vector<768x512xbf16>
    %convert_element_type3A_12 = arith.truncf %get3A_4 : vector<1152x512xf32> to vector<1152x512xbf16>
    %dot_general3A_13 = arith.constant dense<0.000000e+00> : vector<768x1152xf32>
    %dot_general3A_14 = tpu.matmul %convert_element_type3A, %convert_element_type3A_12, %dot_general3A_13 {dimension_numbers = #tpu.dot_dimension_numbers<[1], [1], [0], [0], [0, 0, 1, 0], [], []>, transpose_lhs_hint = false} : vector<768x512xbf16>, vector<1152x512xbf16>, vector<768x1152xf32> -> vector<768x1152xf32>
    %mul3A_15 = arith.constant 2.000000e+00 : f32
    %mul3A_16 = vector.broadcast %mul3A_15 : f32 to vector<768x1152xf32>
    %mul3A_17 = arith.mulf %mul3A_16, %dot_general3A_14 : vector<768x1152xf32>
    %sub3A = arith.subf %add3A_11, %mul3A_17 : vector<768x1152xf32>
    %get3A_18 = arith.constant 0 : index
    %get3A_19 = arith.constant 0 : index
    %get3A_20 = vector.load %arg6[%get3A_18, %get3A_19] : memref<1x4096xf32, #tpu.memory_space<vmem>>, vector<1x4096xf32>
    %reduce_max3A = vector.shape_cast %get3A_20 : vector<1x4096xf32> to vector<1x1x4096xf32>
    %reduce_max3A_21 = arith.constant dense<0xFF800000> : vector<1xf32>
    %reduce_max3A_22 = vector.multi_reduction <maximumf>, %reduce_max3A, %reduce_max3A_21 [1, 2] : vector<1x1x4096xf32> to vector<1xf32>
    %reduce_max3A_23 = vector.shape_cast %reduce_max3A_22 : vector<1xf32> to vector<1x1x1xf32>
    %reduce_max3A_24 = vector.extract %reduce_max3A_23[0, 0, 0] : f32 from vector<1x1x1xf32>
    %mul3A_25 = arith.constant 5.000000e-01 : f32
    %mul3A_26 = arith.mulf %mul3A_25, %reduce_max3A_24 : f32
    %lt3A = vector.broadcast %mul3A_26 : f32 to vector<768x1152xf32>
    %lt3A_27 = arith.cmpf olt, %sub3A, %lt3A : vector<768x1152xf32>
    %get3A_28 = arith.constant 0 : index
    %get3A_29 = arith.constant 0 : index
    %get3A_30 = vector.load %arg5[%get3A_28, %get3A_29] : memref<1x1152xi32, #tpu.memory_space<vmem>>, vector<1x1152xi32>
    %get3A_31 = arith.constant 0 : index
    %get3A_32 = arith.constant 0 : index
    %get3A_33 = vector.load %arg4[%get3A_31, %get3A_32] : memref<768x1xi32, #tpu.memory_space<vmem>>, vector<768x1xi32>
    %lt3A_34 = vector.broadcast %get3A_30 : vector<1x1152xi32> to vector<768x1152xi32>
    %lt3A_35 = vector.broadcast %get3A_33 : vector<768x1xi32> to vector<768x1152xi32>
    %lt3A_36 = arith.cmpi slt, %lt3A_34, %lt3A_35 : vector<768x1152xi32>
    %and3A = arith.andi %lt3A_27, %lt3A_36 : vector<768x1152xi1>
    %jit3A = arith.constant 1.000000e+00 : f32
    %jit3A_37 = arith.constant 0.000000e+00 : f32
    %broadcast_in_dim3A_38 = vector.broadcast %jit3A : f32 to vector<768x1152xf32>
    %broadcast_in_dim3A_39 = vector.broadcast %jit3A_37 : f32 to vector<768x1152xf32>
    %select_n3A = arith.select %and3A, %broadcast_in_dim3A_38, %broadcast_in_dim3A_39 : vector<768x1152xi1>, vector<768x1152xf32>
    %convert_element_type3A_40 = arith.truncf %select_n3A : vector<768x1152xf32> to vector<768x1152xbf16>
    %swap3A = arith.constant 0 : index
    %swap3A_41 = arith.constant 0 : index
    %swap3A_42 = vector.load %arg7[%swap3A, %swap3A_41] : memref<768x1152xbf16, #tpu.memory_space<vmem>>, vector<768x1152xbf16>
    tpu.vector_store %arg7[%swap3A, %swap3A_41], %convert_element_type3A_40 {strides = array<i32>} : memref<768x1152xbf16, #tpu.memory_space<vmem>>, vector<768x1152xbf16>,
    %broadcast_in_dim3A_43 = arith.constant 1.000000e+00 : bf16
    %broadcast_in_dim3A_44 = vector.broadcast %broadcast_in_dim3A_43 : bf16 to vector<1152x128xbf16>
    %dot_general3A_45 = arith.constant dense<0.000000e+00> : vector<768x128xf32>
    %dot_general3A_46 = tpu.matmul %convert_element_type3A_40, %broadcast_in_dim3A_44, %dot_general3A_45 {dimension_numbers = #tpu.dot_dimension_numbers<[1], [0], [0], [1], [0, 0, 1, 1], [], []>, transpose_lhs_hint = false} : vector<768x1152xbf16>, vector<1152x128xbf16>, vector<768x128xf32> -> vector<768x128xf32>
    %slice3A = vector.extract_strided_slice %dot_general3A_46 {offsets = [0, 0], sizes = [768, 1], strides = [1, 1]} : vector<768x128xf32> to vector<768x1xf32>
    %eq3A = arith.constant 0 : i32
    %eq3A_47 = arith.cmpi eq, %arg1, %eq3A : i32
    %convert_element_type3A_48 = arith.extui %eq3A_47 : i1 to i32
    %cond3A = arith.constant 0 : i32
    %cond3A_49 = arith.cmpi ne, %convert_element_type3A_48, %cond3A : i32
    scf.if %cond3A_49 {
      %add3A_59 = arith.constant 1.000000e+00 : f32
      %add3A_60 = vector.broadcast %add3A_59 : f32 to vector<768x1xf32>
      %add3A_61 = arith.addf %add3A_60, %slice3A : vector<768x1xf32>
      %swap3A_62 = arith.constant 0 : index
      %swap3A_63 = arith.constant 0 : index
      %swap3A_64 = vector.load %arg8[%swap3A_62, %swap3A_63] : memref<768x1xf32, #tpu.memory_space<vmem>>, vector<768x1xf32>
      tpu.vector_store %arg8[%swap3A_62, %swap3A_63], %add3A_61 {strides = array<i32>} : memref<768x1xf32, #tpu.memory_space<vmem>>, vector<768x1xf32>,
    } else {
    }
    %gt3A = arith.constant 0 : i32
    %gt3A_50 = arith.cmpi sgt, %arg1, %gt3A : i32
    %convert_element_type3A_51 = arith.extui %gt3A_50 : i1 to i32
    %cond3A_52 = arith.constant 0 : i32
    %cond3A_53 = arith.cmpi ne, %convert_element_type3A_51, %cond3A_52 : i32
    scf.if %cond3A_53 {
      %get3A_59 = arith.constant 0 : index
      %get3A_60 = arith.constant 0 : index
      %get3A_61 = vector.load %arg8[%get3A_59, %get3A_60] : memref<768x1xf32, #tpu.memory_space<vmem>>, vector<768x1xf32>
      %add3A_62 = arith.addf %get3A_61, %slice3A : vector<768x1xf32>
      %swap3A_63 = arith.constant 0 : index
      %swap3A_64 = arith.constant 0 : index
      %swap3A_65 = vector.load %arg8[%swap3A_63, %swap3A_64] : memref<768x1xf32, #tpu.memory_space<vmem>>, vector<768x1xf32>
      tpu.vector_store %arg8[%swap3A_63, %swap3A_64], %add3A_62 {strides = array<i32>} : memref<768x1xf32, #tpu.memory_space<vmem>>, vector<768x1xf32>,
    } else {
    }
    %eq3A_54 = arith.constant 1 : i32
    %eq3A_55 = arith.cmpi eq, %arg1, %eq3A_54 : i32
    %convert_element_type3A_56 = arith.extui %eq3A_55 : i1 to i32
    %cond3A_57 = arith.constant 0 : i32
    %cond3A_58 = arith.cmpi ne, %convert_element_type3A_56, %cond3A_57 : i32
    scf.if %cond3A_58 {
      %get3A_59 = arith.constant 0 : index
      %get3A_60 = arith.constant 0 : index
      %get3A_61 = vector.load %arg8[%get3A_59, %get3A_60] : memref<768x1xf32, #tpu.memory_space<vmem>>, vector<768x1xf32>
      %sqrt3A = math.sqrt %get3A_61 : vector<768x1xf32>
      %div3A = arith.constant 1.000000e+00 : f32
      %div3A_62 = vector.broadcast %div3A : f32 to vector<768x1xf32>
      %div3A_63 = arith.divf %div3A_62, %sqrt3A : vector<768x1xf32>
      %swap3A_64 = arith.constant 0 : index
      %swap3A_65 = arith.constant 0 : index
      %swap3A_66 = vector.load %arg8[%swap3A_64, %swap3A_65] : memref<768x1xf32, #tpu.memory_space<vmem>>, vector<768x1xf32>
      tpu.vector_store %arg8[%swap3A_64, %swap3A_65], %div3A_63 {strides = array<i32>} : memref<768x1xf32, #tpu.memory_space<vmem>>, vector<768x1xf32>,
    } else {
    }
    return
  }
  func.func @transform_0(%arg0: i32, %arg1: i32) -> (i32, i32) {
    %c0_i32 = arith.constant 0 : i32
    %c0_i32_0 = arith.constant 0 : i32
    return %arg0, %c0_i32 : i32, i32
  }
  func.func @transform_1(%arg0: i32, %arg1: i32) -> (i32, i32) {
    %c0_i32 = arith.constant 0 : i32
    %c0_i32_0 = arith.constant 0 : i32
    return %arg1, %c0_i32 : i32, i32
  }
  func.func @transform_2(%arg0: i32, %arg1: i32) -> (i32, i32) {
    %c0_i32 = arith.constant 0 : i32
    %c0_i32_0 = arith.constant 0 : i32
    return %arg0, %c0_i32 : i32, i32
  }
  func.func @transform_3(%arg0: i32, %arg1: i32) -> (i32, i32) {
    %c0_i32 = arith.constant 0 : i32
    %c0_i32_0 = arith.constant 0 : i32
    return %c0_i32, %arg1 : i32, i32
  }
  func.func @transform_4(%arg0: i32, %arg1: i32) -> (i32, i32) {
    %c0_i32 = arith.constant 0 : i32
    %c0_i32_0 = arith.constant 0 : i32
    %c0_i32_1 = arith.constant 0 : i32
    return %c0_i32, %c0_i32_0 : i32, i32
  }
  func.func @transform_5(%arg0: i32, %arg1: i32) -> (i32, i32) {
    %c0_i32 = arith.constant 0 : i32
    return %arg0, %arg1 : i32, i32
  }
  func.func @transform_6(%arg0: i32, %arg1: i32) -> (i32, i32) {
    %c0_i32 = arith.constant 0 : i32
    %c0_i32_0 = arith.constant 0 : i32
    return %arg0, %c0_i32 : i32, i32
  }
}

module attributes {stable_mosaic.version = 14 : i64} {
  func.func @_conv_body(%arg0: i32, %arg1: i32, %arg2: memref<768x2304xbf16, #tpu.memory_space<vmem>>, %arg3: memref<2304x256xf32, #tpu.memory_space<vmem>>, %arg4: memref<2304x1xf32, #tpu.memory_space<vmem>>, %arg5: memref<768x1xf32, #tpu.memory_space<vmem>>, %arg6: memref<1x256xf32, #tpu.memory_space<vmem>>, %arg7: memref<2304x1xf32, #tpu.memory_space<vmem>>, %arg8: memref<256x256xf32, #tpu.memory_space<vmem>>, %arg9: memref<768x256xf32, #tpu.memory_space<vmem>>, %arg10: memref<1x256xf32, #tpu.memory_space<vmem>>, %arg11: memref<1x256xf32, #tpu.memory_space<vmem>>) attributes {dimension_semantics = [#tpu.dimension_semantics<arbitrary>, #tpu.dimension_semantics<arbitrary>], iteration_bounds = array<i64: 3, 1>, scalar_prefetch = 0 : i64, scratch_operands = 0 : i64, tpu.core_type = #tpu.core_type<tc>, window_params = [{transform_indices = @transform_0, window_bounds = array<i64: 768, 2304>}, {transform_indices = @transform_1, window_bounds = array<i64: 2304, 256>}, {transform_indices = @transform_2, window_bounds = array<i64: 2304, 1>}, {transform_indices = @transform_3, window_bounds = array<i64: 768, 1>}, {pipeline_mode = #tpu.pipeline_mode<synchronous>, transform_indices = @transform_4, window_bounds = array<i64: 1, 256>}, {transform_indices = @transform_5, window_bounds = array<i64: 2304, 1>}, {pipeline_mode = #tpu.pipeline_mode<synchronous>, transform_indices = @transform_6, window_bounds = array<i64: 256, 256>}, {transform_indices = @transform_7, window_bounds = array<i64: 768, 256>}, {pipeline_mode = #tpu.pipeline_mode<synchronous>, transform_indices = @transform_8, window_bounds = array<i64: 1, 256>}, {pipeline_mode = #tpu.pipeline_mode<synchronous>, transform_indices = @transform_9, window_bounds = array<i64: 1, 256>}]} {
    %get3A = arith.constant 0 : index
    %get3A_0 = arith.constant 0 : index
    %get3A_1 = vector.load %arg3[%get3A, %get3A_0] : memref<2304x256xf32, #tpu.memory_space<vmem>>, vector<2304x256xf32>
    %get3A_2 = arith.constant 0 : index
    %get3A_3 = arith.constant 0 : index
    %get3A_4 = vector.load %arg7[%get3A_2, %get3A_3] : memref<2304x1xf32, #tpu.memory_space<vmem>>, vector<2304x1xf32>
    %tanh3A = math.tanh %get3A_4 : vector<2304x1xf32>
    %mul3A = vector.broadcast %tanh3A : vector<2304x1xf32> to vector<2304x256xf32>
    %mul3A_5 = arith.mulf %get3A_1, %mul3A : vector<2304x256xf32>
    %get3A_6 = arith.constant 0 : index
    %get3A_7 = arith.constant 0 : index
    %get3A_8 = vector.load %arg8[%get3A_6, %get3A_7] : memref<256x256xf32, #tpu.memory_space<vmem>>, vector<256x256xf32>
    %dot_general3A = arith.constant dense<0.000000e+00> : vector<2304x256xf32>
    %dot_general3A_9 = tpu.matmul %mul3A_5, %get3A_8, %dot_general3A {dimension_numbers = #tpu.dot_dimension_numbers<[1], [0], [0], [1], [0, 0, 1, 1], [], []>, transpose_lhs_hint = false} : vector<2304x256xf32>, vector<256x256xf32>, vector<2304x256xf32> -> vector<2304x256xf32>
    %eq3A = arith.constant 0 : i32
    %eq3A_10 = arith.cmpi eq, %arg0, %eq3A : i32
    %convert_element_type3A = arith.extui %eq3A_10 : i1 to i32
    %cond3A = arith.constant 0 : i32
    %cond3A_11 = arith.cmpi ne, %convert_element_type3A, %cond3A : i32
    scf.if %cond3A_11 {
      %reduce_max3A = arith.constant dense<0xFF800000> : vector<256xf32>
      %reduce_max3A_46 = vector.multi_reduction <maximumf>, %mul3A_5, %reduce_max3A [0] : vector<2304x256xf32> to vector<256xf32>
      %broadcast_in_dim3A = vector.shape_cast %reduce_max3A_46 : vector<256xf32> to vector<1x256xf32>
      %reduce_sum3A = arith.constant dense<0.000000e+00> : vector<256xf32>
      %reduce_sum3A_47 = vector.multi_reduction <add>, %mul3A_5, %reduce_sum3A [0] : vector<2304x256xf32> to vector<256xf32>
      %broadcast_in_dim3A_48 = vector.shape_cast %reduce_sum3A_47 : vector<256xf32> to vector<1x256xf32>
      %eq3A_49 = arith.constant 0 : i32
      %eq3A_50 = arith.cmpi eq, %arg1, %eq3A_49 : i32
      %convert_element_type3A_51 = arith.extui %eq3A_50 : i1 to i32
      %cond3A_52 = arith.constant 0 : i32
      %cond3A_53 = arith.cmpi ne, %convert_element_type3A_51, %cond3A_52 : i32
      scf.if %cond3A_53 {
        %swap3A = arith.constant 0 : index
        %swap3A_59 = arith.constant 0 : index
        %swap3A_60 = vector.load %arg10[%swap3A, %swap3A_59] : memref<1x256xf32, #tpu.memory_space<vmem>>, vector<1x256xf32>
        tpu.vector_store %arg10[%swap3A, %swap3A_59], %broadcast_in_dim3A {strides = array<i32>} : memref<1x256xf32, #tpu.memory_space<vmem>>, vector<1x256xf32>,
        %swap3A_61 = arith.constant 0 : index
        %swap3A_62 = arith.constant 0 : index
        %swap3A_63 = vector.load %arg11[%swap3A_61, %swap3A_62] : memref<1x256xf32, #tpu.memory_space<vmem>>, vector<1x256xf32>
        tpu.vector_store %arg11[%swap3A_61, %swap3A_62], %broadcast_in_dim3A_48 {strides = array<i32>} : memref<1x256xf32, #tpu.memory_space<vmem>>, vector<1x256xf32>,
      } else {
      }
      %gt3A_54 = arith.constant 0 : i32
      %gt3A_55 = arith.cmpi sgt, %arg1, %gt3A_54 : i32
      %convert_element_type3A_56 = arith.extui %gt3A_55 : i1 to i32
      %cond3A_57 = arith.constant 0 : i32
      %cond3A_58 = arith.cmpi ne, %convert_element_type3A_56, %cond3A_57 : i32
      scf.if %cond3A_58 {
        %get3A_59 = arith.constant 0 : index
        %get3A_60 = arith.constant 0 : index
        %get3A_61 = vector.load %arg10[%get3A_59, %get3A_60] : memref<1x256xf32, #tpu.memory_space<vmem>>, vector<1x256xf32>
        %max3A = arith.maximumf %get3A_61, %broadcast_in_dim3A : vector<1x256xf32>
        %swap3A = arith.constant 0 : index
        %swap3A_62 = arith.constant 0 : index
        %swap3A_63 = vector.load %arg10[%swap3A, %swap3A_62] : memref<1x256xf32, #tpu.memory_space<vmem>>, vector<1x256xf32>
        tpu.vector_store %arg10[%swap3A, %swap3A_62], %max3A {strides = array<i32>} : memref<1x256xf32, #tpu.memory_space<vmem>>, vector<1x256xf32>,
        %get3A_64 = arith.constant 0 : index
        %get3A_65 = arith.constant 0 : index
        %get3A_66 = vector.load %arg11[%get3A_64, %get3A_65] : memref<1x256xf32, #tpu.memory_space<vmem>>, vector<1x256xf32>
        %add3A = arith.addf %get3A_66, %broadcast_in_dim3A_48 : vector<1x256xf32>
        %swap3A_67 = arith.constant 0 : index
        %swap3A_68 = arith.constant 0 : index
        %swap3A_69 = vector.load %arg11[%swap3A_67, %swap3A_68] : memref<1x256xf32, #tpu.memory_space<vmem>>, vector<1x256xf32>
        tpu.vector_store %arg11[%swap3A_67, %swap3A_68], %add3A {strides = array<i32>} : memref<1x256xf32, #tpu.memory_space<vmem>>, vector<1x256xf32>,
      } else {
      }
    } else {
    }
    %get3A_12 = arith.constant 0 : index
    %get3A_13 = arith.constant 0 : index
    %get3A_14 = vector.load %arg4[%get3A_12, %get3A_13] : memref<2304x1xf32, #tpu.memory_space<vmem>>, vector<2304x1xf32>
    %mul3A_15 = vector.broadcast %get3A_14 : vector<2304x1xf32> to vector<2304x256xf32>
    %mul3A_16 = arith.mulf %dot_general3A_9, %mul3A_15 : vector<2304x256xf32>
    %get3A_17 = arith.constant 0 : index
    %get3A_18 = arith.constant 0 : index
    %get3A_19 = vector.load %arg2[%get3A_17, %get3A_18] : memref<768x2304xbf16, #tpu.memory_space<vmem>>, vector<768x2304xbf16>
    %convert_element_type3A_20 = arith.truncf %mul3A_16 : vector<2304x256xf32> to vector<2304x256xbf16>
    %dot_general3A_21 = arith.constant dense<0.000000e+00> : vector<768x256xf32>
    %dot_general3A_22 = tpu.matmul %get3A_19, %convert_element_type3A_20, %dot_general3A_21 {dimension_numbers = #tpu.dot_dimension_numbers<[1], [0], [0], [1], [0, 0, 1, 1], [], []>, transpose_lhs_hint = false} : vector<768x2304xbf16>, vector<2304x256xbf16>, vector<768x256xf32> -> vector<768x256xf32>
    %eq3A_23 = arith.constant 0 : i32
    %eq3A_24 = arith.cmpi eq, %arg1, %eq3A_23 : i32
    %convert_element_type3A_25 = arith.extui %eq3A_24 : i1 to i32
    %cond3A_26 = arith.constant 0 : i32
    %cond3A_27 = arith.cmpi ne, %convert_element_type3A_25, %cond3A_26 : i32
    scf.if %cond3A_27 {
      %swap3A = arith.constant 0 : index
      %swap3A_46 = arith.constant 0 : index
      %swap3A_47 = vector.load %arg9[%swap3A, %swap3A_46] : memref<768x256xf32, #tpu.memory_space<vmem>>, vector<768x256xf32>
      tpu.vector_store %arg9[%swap3A, %swap3A_46], %dot_general3A_22 {strides = array<i32>} : memref<768x256xf32, #tpu.memory_space<vmem>>, vector<768x256xf32>,
    } else {
    }
    %gt3A = arith.constant 0 : i32
    %gt3A_28 = arith.cmpi sgt, %arg1, %gt3A : i32
    %convert_element_type3A_29 = arith.extui %gt3A_28 : i1 to i32
    %cond3A_30 = arith.constant 0 : i32
    %cond3A_31 = arith.cmpi ne, %convert_element_type3A_29, %cond3A_30 : i32
    scf.if %cond3A_31 {
      %get3A_46 = arith.constant 0 : index
      %get3A_47 = arith.constant 0 : index
      %get3A_48 = vector.load %arg9[%get3A_46, %get3A_47] : memref<768x256xf32, #tpu.memory_space<vmem>>, vector<768x256xf32>
      %add3A = arith.addf %get3A_48, %dot_general3A_22 : vector<768x256xf32>
      %swap3A = arith.constant 0 : index
      %swap3A_49 = arith.constant 0 : index
      %swap3A_50 = vector.load %arg9[%swap3A, %swap3A_49] : memref<768x256xf32, #tpu.memory_space<vmem>>, vector<768x256xf32>
      tpu.vector_store %arg9[%swap3A, %swap3A_49], %add3A {strides = array<i32>} : memref<768x256xf32, #tpu.memory_space<vmem>>, vector<768x256xf32>,
    } else {
    }
    %mul3A_32 = arith.constant 768 : i32
    %mul3A_33 = arith.muli %arg0, %mul3A_32 : i32
    %mul3A_34 = arith.constant 2304 : i32
    %mul3A_35 = arith.muli %arg1, %mul3A_34 : i32
    %sub3A = arith.subi %mul3A_33, %mul3A_35 : i32
    %ge3A = arith.constant 0 : i32
    %ge3A_36 = arith.cmpi sge, %sub3A, %ge3A : i32
    %lt3A = arith.constant 2304 : i32
    %lt3A_37 = arith.cmpi slt, %sub3A, %lt3A : i32
    %and3A = arith.andi %ge3A_36, %lt3A_37 : i1
    %convert_element_type3A_38 = arith.extui %and3A : i1 to i32
    %cond3A_39 = arith.constant 0 : i32
    %cond3A_40 = arith.cmpi ne, %convert_element_type3A_38, %cond3A_39 : i32
    scf.if %cond3A_40 {
      %multiple_of3A = tpu.assume_multiple %sub3A, 768 : i32
      %get3A_46 = arith.index_cast %multiple_of3A : i32 to index
      %get3A_47 = arith.constant 0 : index
      %get3A_48 = vector.load %arg4[%get3A_46, %get3A_47] : memref<2304x1xf32, #tpu.memory_space<vmem>>, vector<768x1xf32>
      %get3A_49 = arith.index_cast %multiple_of3A : i32 to index
      %get3A_50 = arith.constant 0 : index
      %get3A_51 = vector.load %arg3[%get3A_49, %get3A_50] : memref<2304x256xf32, #tpu.memory_space<vmem>>, vector<768x256xf32>
      %get3A_52 = arith.index_cast %multiple_of3A : i32 to index
      %get3A_53 = arith.constant 0 : index
      %get3A_54 = vector.load %arg7[%get3A_52, %get3A_53] : memref<2304x1xf32, #tpu.memory_space<vmem>>, vector<768x1xf32>
      %tanh3A_55 = math.tanh %get3A_54 : vector<768x1xf32>
      %mul3A_56 = vector.broadcast %tanh3A_55 : vector<768x1xf32> to vector<768x256xf32>
      %mul3A_57 = arith.mulf %get3A_51, %mul3A_56 : vector<768x256xf32>
      %get3A_58 = arith.constant 0 : index
      %get3A_59 = arith.constant 0 : index
      %get3A_60 = vector.load %arg8[%get3A_58, %get3A_59] : memref<256x256xf32, #tpu.memory_space<vmem>>, vector<256x256xf32>
      %dot_general3A_61 = arith.constant dense<0.000000e+00> : vector<768x256xf32>
      %dot_general3A_62 = tpu.matmul %mul3A_57, %get3A_60, %dot_general3A_61 {dimension_numbers = #tpu.dot_dimension_numbers<[1], [0], [0], [1], [0, 0, 1, 1], [], []>, transpose_lhs_hint = false} : vector<768x256xf32>, vector<256x256xf32>, vector<768x256xf32> -> vector<768x256xf32>
      %mul3A_63 = vector.broadcast %get3A_48 : vector<768x1xf32> to vector<768x256xf32>
      %mul3A_64 = arith.mulf %dot_general3A_62, %mul3A_63 : vector<768x256xf32>
      %get3A_65 = arith.constant 0 : index
      %get3A_66 = arith.constant 0 : index
      %get3A_67 = vector.load %arg9[%get3A_65, %get3A_66] : memref<768x256xf32, #tpu.memory_space<vmem>>, vector<768x256xf32>
      %add3A = arith.addf %get3A_67, %mul3A_64 : vector<768x256xf32>
      %swap3A = arith.constant 0 : index
      %swap3A_68 = arith.constant 0 : index
      %swap3A_69 = vector.load %arg9[%swap3A, %swap3A_68] : memref<768x256xf32, #tpu.memory_space<vmem>>, vector<768x256xf32>
      tpu.vector_store %arg9[%swap3A, %swap3A_68], %add3A {strides = array<i32>} : memref<768x256xf32, #tpu.memory_space<vmem>>, vector<768x256xf32>,
    } else {
    }
    %eq3A_41 = arith.constant 0 : i32
    %eq3A_42 = arith.cmpi eq, %arg1, %eq3A_41 : i32
    %convert_element_type3A_43 = arith.extui %eq3A_42 : i1 to i32
    %cond3A_44 = arith.constant 0 : i32
    %cond3A_45 = arith.cmpi ne, %convert_element_type3A_43, %cond3A_44 : i32
    scf.if %cond3A_45 {
      %get3A_46 = arith.constant 0 : index
      %get3A_47 = arith.constant 0 : index
      %get3A_48 = vector.load %arg9[%get3A_46, %get3A_47] : memref<768x256xf32, #tpu.memory_space<vmem>>, vector<768x256xf32>
      %get3A_49 = arith.constant 0 : index
      %get3A_50 = arith.constant 0 : index
      %get3A_51 = vector.load %arg5[%get3A_49, %get3A_50] : memref<768x1xf32, #tpu.memory_space<vmem>>, vector<768x1xf32>
      %mul3A_52 = vector.broadcast %get3A_51 : vector<768x1xf32> to vector<768x256xf32>
      %mul3A_53 = arith.mulf %get3A_48, %mul3A_52 : vector<768x256xf32>
      %get3A_54 = arith.constant 0 : index
      %get3A_55 = arith.constant 0 : index
      %get3A_56 = vector.load %arg6[%get3A_54, %get3A_55] : memref<1x256xf32, #tpu.memory_space<vmem>>, vector<1x256xf32>
      %add3A = vector.broadcast %get3A_56 : vector<1x256xf32> to vector<768x256xf32>
      %add3A_57 = arith.addf %mul3A_53, %add3A : vector<768x256xf32>
      %max3A = arith.constant 0.000000e+00 : f32
      %max3A_58 = vector.broadcast %max3A : f32 to vector<768x256xf32>
      %max3A_59 = arith.maximumf %add3A_57, %max3A_58 : vector<768x256xf32>
      %swap3A = arith.constant 0 : index
      %swap3A_60 = arith.constant 0 : index
      %swap3A_61 = vector.load %arg9[%swap3A, %swap3A_60] : memref<768x256xf32, #tpu.memory_space<vmem>>, vector<768x256xf32>
      tpu.vector_store %arg9[%swap3A, %swap3A_60], %max3A_59 {strides = array<i32>} : memref<768x256xf32, #tpu.memory_space<vmem>>, vector<768x256xf32>,
    } else {
    }
    return
  }
  func.func @transform_0(%arg0: i32, %arg1: i32) -> (i32, i32) {
    %c0_i32 = arith.constant 0 : i32
    return %arg0, %arg1 : i32, i32
  }
  func.func @transform_1(%arg0: i32, %arg1: i32) -> (i32, i32) {
    %c0_i32 = arith.constant 0 : i32
    %c0_i32_0 = arith.constant 0 : i32
    return %arg1, %c0_i32 : i32, i32
  }
  func.func @transform_2(%arg0: i32, %arg1: i32) -> (i32, i32) {
    %c0_i32 = arith.constant 0 : i32
    %c0_i32_0 = arith.constant 0 : i32
    return %arg1, %c0_i32 : i32, i32
  }
  func.func @transform_3(%arg0: i32, %arg1: i32) -> (i32, i32) {
    %c0_i32 = arith.constant 0 : i32
    %c0_i32_0 = arith.constant 0 : i32
    return %arg0, %c0_i32 : i32, i32
  }
  func.func @transform_4(%arg0: i32, %arg1: i32) -> (i32, i32) {
    %c0_i32 = arith.constant 0 : i32
    %c0_i32_0 = arith.constant 0 : i32
    %c0_i32_1 = arith.constant 0 : i32
    return %c0_i32, %c0_i32_0 : i32, i32
  }
  func.func @transform_5(%arg0: i32, %arg1: i32) -> (i32, i32) {
    %c0_i32 = arith.constant 0 : i32
    %c0_i32_0 = arith.constant 0 : i32
    return %arg1, %c0_i32 : i32, i32
  }
  func.func @transform_6(%arg0: i32, %arg1: i32) -> (i32, i32) {
    %c0_i32 = arith.constant 0 : i32
    %c0_i32_0 = arith.constant 0 : i32
    %c0_i32_1 = arith.constant 0 : i32
    return %c0_i32, %c0_i32_0 : i32, i32
  }
  func.func @transform_7(%arg0: i32, %arg1: i32) -> (i32, i32) {
    %c0_i32 = arith.constant 0 : i32
    %c0_i32_0 = arith.constant 0 : i32
    return %arg0, %c0_i32 : i32, i32
  }
  func.func @transform_8(%arg0: i32, %arg1: i32) -> (i32, i32) {
    %c0_i32 = arith.constant 0 : i32
    %c0_i32_0 = arith.constant 0 : i32
    %c0_i32_1 = arith.constant 0 : i32
    return %c0_i32, %c0_i32_0 : i32, i32
  }
  func.func @transform_9(%arg0: i32, %arg1: i32) -> (i32, i32) {
    %c0_i32 = arith.constant 0 : i32
    %c0_i32_0 = arith.constant 0 : i32
    %c0_i32_1 = arith.constant 0 : i32
    return %c0_i32, %c0_i32_0 : i32, i32
  }
}

module attributes {stable_mosaic.version = 14 : i64} {
  func.func @_score_body(%arg0: i32, %arg1: i32, %arg2: memref<768x2304xbf16, #tpu.memory_space<vmem>>, %arg3: memref<2304x256xf32, #tpu.memory_space<vmem>>, %arg4: memref<2304x1xf32, #tpu.memory_space<vmem>>, %arg5: memref<768x1xf32, #tpu.memory_space<vmem>>, %arg6: memref<256x128xf32, #tpu.memory_space<vmem>>, %arg7: memref<1x128xf32, #tpu.memory_space<vmem>>, %arg8: memref<768x128xf32, #tpu.memory_space<vmem>>) attributes {dimension_semantics = [#tpu.dimension_semantics<arbitrary>, #tpu.dimension_semantics<arbitrary>], iteration_bounds = array<i64: 3, 1>, scalar_prefetch = 0 : i64, scratch_operands = 0 : i64, tpu.core_type = #tpu.core_type<tc>, window_params = [{transform_indices = @transform_0, window_bounds = array<i64: 768, 2304>}, {transform_indices = @transform_1, window_bounds = array<i64: 2304, 256>}, {transform_indices = @transform_2, window_bounds = array<i64: 2304, 1>}, {transform_indices = @transform_3, window_bounds = array<i64: 768, 1>}, {pipeline_mode = #tpu.pipeline_mode<synchronous>, transform_indices = @transform_4, window_bounds = array<i64: 256, 128>}, {pipeline_mode = #tpu.pipeline_mode<synchronous>, transform_indices = @transform_5, window_bounds = array<i64: 1, 128>}, {transform_indices = @transform_6, window_bounds = array<i64: 768, 128>}]} {
    %get3A = arith.constant 0 : index
    %get3A_0 = arith.constant 0 : index
    %get3A_1 = vector.load %arg3[%get3A, %get3A_0] : memref<2304x256xf32, #tpu.memory_space<vmem>>, vector<2304x256xf32>
    %get3A_2 = arith.constant 0 : index
    %get3A_3 = arith.constant 0 : index
    %get3A_4 = vector.load %arg6[%get3A_2, %get3A_3] : memref<256x128xf32, #tpu.memory_space<vmem>>, vector<256x128xf32>
    %dot_general3A = arith.constant dense<0.000000e+00> : vector<2304x128xf32>
    %dot_general3A_5 = tpu.matmul %get3A_1, %get3A_4, %dot_general3A {dimension_numbers = #tpu.dot_dimension_numbers<[1], [0], [0], [1], [0, 0, 1, 1], [], []>, transpose_lhs_hint = false} : vector<2304x256xf32>, vector<256x128xf32>, vector<2304x128xf32> -> vector<2304x128xf32>
    %get3A_6 = arith.constant 0 : index
    %get3A_7 = arith.constant 0 : index
    %get3A_8 = vector.load %arg4[%get3A_6, %get3A_7] : memref<2304x1xf32, #tpu.memory_space<vmem>>, vector<2304x1xf32>
    %mul3A = vector.broadcast %get3A_8 : vector<2304x1xf32> to vector<2304x128xf32>
    %mul3A_9 = arith.mulf %dot_general3A_5, %mul3A : vector<2304x128xf32>
    %get3A_10 = arith.constant 0 : index
    %get3A_11 = arith.constant 0 : index
    %get3A_12 = vector.load %arg2[%get3A_10, %get3A_11] : memref<768x2304xbf16, #tpu.memory_space<vmem>>, vector<768x2304xbf16>
    %convert_element_type3A = arith.truncf %mul3A_9 : vector<2304x128xf32> to vector<2304x128xbf16>
    %dot_general3A_13 = arith.constant dense<0.000000e+00> : vector<768x128xf32>
    %dot_general3A_14 = tpu.matmul %get3A_12, %convert_element_type3A, %dot_general3A_13 {dimension_numbers = #tpu.dot_dimension_numbers<[1], [0], [0], [1], [0, 0, 1, 1], [], []>, transpose_lhs_hint = false} : vector<768x2304xbf16>, vector<2304x128xbf16>, vector<768x128xf32> -> vector<768x128xf32>
    %eq3A = arith.constant 0 : i32
    %eq3A_15 = arith.cmpi eq, %arg1, %eq3A : i32
    %convert_element_type3A_16 = arith.extui %eq3A_15 : i1 to i32
    %cond3A = arith.constant 0 : i32
    %cond3A_17 = arith.cmpi ne, %convert_element_type3A_16, %cond3A : i32
    scf.if %cond3A_17 {
      %swap3A = arith.constant 0 : index
      %swap3A_36 = arith.constant 0 : index
      %swap3A_37 = vector.load %arg8[%swap3A, %swap3A_36] : memref<768x128xf32, #tpu.memory_space<vmem>>, vector<768x128xf32>
      tpu.vector_store %arg8[%swap3A, %swap3A_36], %dot_general3A_14 {strides = array<i32>} : memref<768x128xf32, #tpu.memory_space<vmem>>, vector<768x128xf32>,
    } else {
    }
    %gt3A = arith.constant 0 : i32
    %gt3A_18 = arith.cmpi sgt, %arg1, %gt3A : i32
    %convert_element_type3A_19 = arith.extui %gt3A_18 : i1 to i32
    %cond3A_20 = arith.constant 0 : i32
    %cond3A_21 = arith.cmpi ne, %convert_element_type3A_19, %cond3A_20 : i32
    scf.if %cond3A_21 {
      %get3A_36 = arith.constant 0 : index
      %get3A_37 = arith.constant 0 : index
      %get3A_38 = vector.load %arg8[%get3A_36, %get3A_37] : memref<768x128xf32, #tpu.memory_space<vmem>>, vector<768x128xf32>
      %add3A = arith.addf %get3A_38, %dot_general3A_14 : vector<768x128xf32>
      %swap3A = arith.constant 0 : index
      %swap3A_39 = arith.constant 0 : index
      %swap3A_40 = vector.load %arg8[%swap3A, %swap3A_39] : memref<768x128xf32, #tpu.memory_space<vmem>>, vector<768x128xf32>
      tpu.vector_store %arg8[%swap3A, %swap3A_39], %add3A {strides = array<i32>} : memref<768x128xf32, #tpu.memory_space<vmem>>, vector<768x128xf32>,
    } else {
    }
    %mul3A_22 = arith.constant 768 : i32
    %mul3A_23 = arith.muli %arg0, %mul3A_22 : i32
    %mul3A_24 = arith.constant 2304 : i32
    %mul3A_25 = arith.muli %arg1, %mul3A_24 : i32
    %sub3A = arith.subi %mul3A_23, %mul3A_25 : i32
    %ge3A = arith.constant 0 : i32
    %ge3A_26 = arith.cmpi sge, %sub3A, %ge3A : i32
    %lt3A = arith.constant 2304 : i32
    %lt3A_27 = arith.cmpi slt, %sub3A, %lt3A : i32
    %and3A = arith.andi %ge3A_26, %lt3A_27 : i1
    %convert_element_type3A_28 = arith.extui %and3A : i1 to i32
    %cond3A_29 = arith.constant 0 : i32
    %cond3A_30 = arith.cmpi ne, %convert_element_type3A_28, %cond3A_29 : i32
    scf.if %cond3A_30 {
      %multiple_of3A = tpu.assume_multiple %sub3A, 768 : i32
      %get3A_36 = arith.index_cast %multiple_of3A : i32 to index
      %get3A_37 = arith.constant 0 : index
      %get3A_38 = vector.load %arg3[%get3A_36, %get3A_37] : memref<2304x256xf32, #tpu.memory_space<vmem>>, vector<768x256xf32>
      %get3A_39 = arith.constant 0 : index
      %get3A_40 = arith.constant 0 : index
      %get3A_41 = vector.load %arg6[%get3A_39, %get3A_40] : memref<256x128xf32, #tpu.memory_space<vmem>>, vector<256x128xf32>
      %dot_general3A_42 = arith.constant dense<0.000000e+00> : vector<768x128xf32>
      %dot_general3A_43 = tpu.matmul %get3A_38, %get3A_41, %dot_general3A_42 {dimension_numbers = #tpu.dot_dimension_numbers<[1], [0], [0], [1], [0, 0, 1, 1], [], []>, transpose_lhs_hint = false} : vector<768x256xf32>, vector<256x128xf32>, vector<768x128xf32> -> vector<768x128xf32>
      %get3A_44 = arith.index_cast %multiple_of3A : i32 to index
      %get3A_45 = arith.constant 0 : index
      %get3A_46 = vector.load %arg4[%get3A_44, %get3A_45] : memref<2304x1xf32, #tpu.memory_space<vmem>>, vector<768x1xf32>
      %mul3A_47 = vector.broadcast %get3A_46 : vector<768x1xf32> to vector<768x128xf32>
      %mul3A_48 = arith.mulf %dot_general3A_43, %mul3A_47 : vector<768x128xf32>
      %get3A_49 = arith.constant 0 : index
      %get3A_50 = arith.constant 0 : index
      %get3A_51 = vector.load %arg8[%get3A_49, %get3A_50] : memref<768x128xf32, #tpu.memory_space<vmem>>, vector<768x128xf32>
      %add3A = arith.addf %get3A_51, %mul3A_48 : vector<768x128xf32>
      %swap3A = arith.constant 0 : index
      %swap3A_52 = arith.constant 0 : index
      %swap3A_53 = vector.load %arg8[%swap3A, %swap3A_52] : memref<768x128xf32, #tpu.memory_space<vmem>>, vector<768x128xf32>
      tpu.vector_store %arg8[%swap3A, %swap3A_52], %add3A {strides = array<i32>} : memref<768x128xf32, #tpu.memory_space<vmem>>, vector<768x128xf32>,
    } else {
    }
    %eq3A_31 = arith.constant 0 : i32
    %eq3A_32 = arith.cmpi eq, %arg1, %eq3A_31 : i32
    %convert_element_type3A_33 = arith.extui %eq3A_32 : i1 to i32
    %cond3A_34 = arith.constant 0 : i32
    %cond3A_35 = arith.cmpi ne, %convert_element_type3A_33, %cond3A_34 : i32
    scf.if %cond3A_35 {
      %get3A_36 = arith.constant 0 : index
      %get3A_37 = arith.constant 0 : index
      %get3A_38 = vector.load %arg8[%get3A_36, %get3A_37] : memref<768x128xf32, #tpu.memory_space<vmem>>, vector<768x128xf32>
      %get3A_39 = arith.constant 0 : index
      %get3A_40 = arith.constant 0 : index
      %get3A_41 = vector.load %arg5[%get3A_39, %get3A_40] : memref<768x1xf32, #tpu.memory_space<vmem>>, vector<768x1xf32>
      %mul3A_42 = vector.broadcast %get3A_41 : vector<768x1xf32> to vector<768x128xf32>
      %mul3A_43 = arith.mulf %get3A_38, %mul3A_42 : vector<768x128xf32>
      %get3A_44 = arith.constant 0 : index
      %get3A_45 = arith.constant 0 : index
      %get3A_46 = vector.load %arg7[%get3A_44, %get3A_45] : memref<1x128xf32, #tpu.memory_space<vmem>>, vector<1x128xf32>
      %add3A = vector.broadcast %get3A_46 : vector<1x128xf32> to vector<768x128xf32>
      %add3A_47 = arith.addf %mul3A_43, %add3A : vector<768x128xf32>
      %swap3A = arith.constant 0 : index
      %swap3A_48 = arith.constant 0 : index
      %swap3A_49 = vector.load %arg8[%swap3A, %swap3A_48] : memref<768x128xf32, #tpu.memory_space<vmem>>, vector<768x128xf32>
      tpu.vector_store %arg8[%swap3A, %swap3A_48], %add3A_47 {strides = array<i32>} : memref<768x128xf32, #tpu.memory_space<vmem>>, vector<768x128xf32>,
    } else {
    }
    return
  }
  func.func @transform_0(%arg0: i32, %arg1: i32) -> (i32, i32) {
    %c0_i32 = arith.constant 0 : i32
    return %arg0, %arg1 : i32, i32
  }
  func.func @transform_1(%arg0: i32, %arg1: i32) -> (i32, i32) {
    %c0_i32 = arith.constant 0 : i32
    %c0_i32_0 = arith.constant 0 : i32
    return %arg1, %c0_i32 : i32, i32
  }
  func.func @transform_2(%arg0: i32, %arg1: i32) -> (i32, i32) {
    %c0_i32 = arith.constant 0 : i32
    %c0_i32_0 = arith.constant 0 : i32
    return %arg1, %c0_i32 : i32, i32
  }
  func.func @transform_3(%arg0: i32, %arg1: i32) -> (i32, i32) {
    %c0_i32 = arith.constant 0 : i32
    %c0_i32_0 = arith.constant 0 : i32
    return %arg0, %c0_i32 : i32, i32
  }
  func.func @transform_4(%arg0: i32, %arg1: i32) -> (i32, i32) {
    %c0_i32 = arith.constant 0 : i32
    %c0_i32_0 = arith.constant 0 : i32
    %c0_i32_1 = arith.constant 0 : i32
    return %c0_i32, %c0_i32_0 : i32, i32
  }
  func.func @transform_5(%arg0: i32, %arg1: i32) -> (i32, i32) {
    %c0_i32 = arith.constant 0 : i32
    %c0_i32_0 = arith.constant 0 : i32
    %c0_i32_1 = arith.constant 0 : i32
    return %c0_i32, %c0_i32_0 : i32, i32
  }
  func.func @transform_6(%arg0: i32, %arg1: i32) -> (i32, i32) {
    %c0_i32 = arith.constant 0 : i32
    %c0_i32_0 = arith.constant 0 : i32
    return %arg0, %c0_i32 : i32, i32
  }
}

module attributes {stable_mosaic.version = 14 : i64} {
  func.func @_rank_body(%arg0: i32, %arg1: memref<256x1xf32, #tpu.memory_space<vmem>>, %arg2: memref<1x2304xf32, #tpu.memory_space<vmem>>, %arg3: memref<256x1xi32, #tpu.memory_space<vmem>>) attributes {dimension_semantics = [#tpu.dimension_semantics<arbitrary>], iteration_bounds = array<i64: 9>, scalar_prefetch = 0 : i64, scratch_operands = 0 : i64, tpu.core_type = #tpu.core_type<tc>, window_params = [{transform_indices = @transform_0, window_bounds = array<i64: 256, 1>}, {pipeline_mode = #tpu.pipeline_mode<synchronous>, transform_indices = @transform_1, window_bounds = array<i64: 1, 2304>}, {transform_indices = @transform_2, window_bounds = array<i64: 256, 1>}]} {
    %get3A = arith.constant 0 : index
    %get3A_0 = arith.constant 0 : index
    %get3A_1 = vector.load %arg1[%get3A, %get3A_0] : memref<256x1xf32, #tpu.memory_space<vmem>>, vector<256x1xf32>
    %get3A_2 = arith.constant 0 : index
    %get3A_3 = arith.constant 0 : index
    %get3A_4 = vector.load %arg2[%get3A_2, %get3A_3] : memref<1x2304xf32, #tpu.memory_space<vmem>>, vector<1x2304xf32>
    %iota3A = tpu.iota {dimensions = array<i32: 0>} : vector<256x2304xi32>
    %mul3A = arith.constant 256 : i32
    %mul3A_5 = arith.muli %arg0, %mul3A : i32
    %add3A = vector.broadcast %mul3A_5 : i32 to vector<256x2304xi32>
    %add3A_6 = arith.addi %iota3A, %add3A : vector<256x2304xi32>
    %iota3A_7 = tpu.iota {dimensions = array<i32: 1>} : vector<256x2304xi32>
    %gt3A = vector.broadcast %get3A_4 : vector<1x2304xf32> to vector<256x2304xf32>
    %gt3A_8 = vector.broadcast %get3A_1 : vector<256x1xf32> to vector<256x2304xf32>
    %gt3A_9 = arith.cmpf ogt, %gt3A, %gt3A_8 : vector<256x2304xf32>
    %eq3A = vector.broadcast %get3A_4 : vector<1x2304xf32> to vector<256x2304xf32>
    %eq3A_10 = vector.broadcast %get3A_1 : vector<256x1xf32> to vector<256x2304xf32>
    %eq3A_11 = arith.cmpf oeq, %eq3A, %eq3A_10 : vector<256x2304xf32>
    %lt3A = arith.cmpi slt, %iota3A_7, %add3A_6 : vector<256x2304xi32>
    %and3A = arith.andi %eq3A_11, %lt3A : vector<256x2304xi1>
    %or3A = arith.ori %gt3A_9, %and3A : vector<256x2304xi1>
    %convert_element_type3A = arith.extui %or3A : vector<256x2304xi1> to vector<256x2304xi32>
    %reduce_sum3A = arith.constant dense<0> : vector<256xi32>
    %reduce_sum3A_12 = vector.multi_reduction <add>, %convert_element_type3A, %reduce_sum3A [1] : vector<256x2304xi32> to vector<256xi32>
    %broadcast_in_dim3A = vector.shape_cast %reduce_sum3A_12 : vector<256xi32> to vector<256x1xi32>
    %swap3A = arith.constant 0 : index
    %swap3A_13 = arith.constant 0 : index
    %swap3A_14 = vector.load %arg3[%swap3A, %swap3A_13] : memref<256x1xi32, #tpu.memory_space<vmem>>, vector<256x1xi32>
    tpu.vector_store %arg3[%swap3A, %swap3A_13], %broadcast_in_dim3A {strides = array<i32>} : memref<256x1xi32, #tpu.memory_space<vmem>>, vector<256x1xi32>,
    return
  }
  func.func @transform_0(%arg0: i32) -> (i32, i32) {
    %c0_i32 = arith.constant 0 : i32
    %c0_i32_0 = arith.constant 0 : i32
    return %arg0, %c0_i32 : i32, i32
  }
  func.func @transform_1(%arg0: i32) -> (i32, i32) {
    %c0_i32 = arith.constant 0 : i32
    %c0_i32_0 = arith.constant 0 : i32
    %c0_i32_1 = arith.constant 0 : i32
    return %c0_i32, %c0_i32_0 : i32, i32
  }
  func.func @transform_2(%arg0: i32) -> (i32, i32) {
    %c0_i32 = arith.constant 0 : i32
    %c0_i32_0 = arith.constant 0 : i32
    return %arg0, %c0_i32 : i32, i32
  }
}

module attributes {stable_mosaic.version = 14 : i64} {
  func.func @_readout_body(%arg0: i32, %arg1: memref<192x256xf32, #tpu.memory_space<vmem>>, %arg2: memref<192x1xf32, #tpu.memory_space<vmem>>, %arg3: memref<1x256xf32, #tpu.memory_space<vmem>>, %arg4: memref<1x256xf32, #tpu.memory_space<vmem>>) attributes {dimension_semantics = [#tpu.dimension_semantics<arbitrary>], iteration_bounds = array<i64: 9>, scalar_prefetch = 0 : i64, scratch_operands = 0 : i64, tpu.core_type = #tpu.core_type<tc>, window_params = [{transform_indices = @transform_0, window_bounds = array<i64: 192, 256>}, {transform_indices = @transform_1, window_bounds = array<i64: 192, 1>}, {pipeline_mode = #tpu.pipeline_mode<synchronous>, transform_indices = @transform_2, window_bounds = array<i64: 1, 256>}, {pipeline_mode = #tpu.pipeline_mode<synchronous>, transform_indices = @transform_3, window_bounds = array<i64: 1, 256>}]} {
    %get3A = arith.constant 0 : index
    %get3A_0 = arith.constant 0 : index
    %get3A_1 = vector.load %arg1[%get3A, %get3A_0] : memref<192x256xf32, #tpu.memory_space<vmem>>, vector<192x256xf32>
    %get3A_2 = arith.constant 0 : index
    %get3A_3 = arith.constant 0 : index
    %get3A_4 = vector.load %arg2[%get3A_2, %get3A_3] : memref<192x1xf32, #tpu.memory_space<vmem>>, vector<192x1xf32>
    %tanh3A = math.tanh %get3A_4 : vector<192x1xf32>
    %mul3A = vector.broadcast %tanh3A : vector<192x1xf32> to vector<192x256xf32>
    %mul3A_5 = arith.mulf %get3A_1, %mul3A : vector<192x256xf32>
    %reduce_max3A = arith.constant dense<0xFF800000> : vector<256xf32>
    %reduce_max3A_6 = vector.multi_reduction <maximumf>, %mul3A_5, %reduce_max3A [0] : vector<192x256xf32> to vector<256xf32>
    %broadcast_in_dim3A = vector.shape_cast %reduce_max3A_6 : vector<256xf32> to vector<1x256xf32>
    %reduce_sum3A = arith.constant dense<0.000000e+00> : vector<256xf32>
    %reduce_sum3A_7 = vector.multi_reduction <add>, %mul3A_5, %reduce_sum3A [0] : vector<192x256xf32> to vector<256xf32>
    %broadcast_in_dim3A_8 = vector.shape_cast %reduce_sum3A_7 : vector<256xf32> to vector<1x256xf32>
    %eq3A = arith.constant 0 : i32
    %eq3A_9 = arith.cmpi eq, %arg0, %eq3A : i32
    %convert_element_type3A = arith.extui %eq3A_9 : i1 to i32
    %cond3A = arith.constant 0 : i32
    %cond3A_10 = arith.cmpi ne, %convert_element_type3A, %cond3A : i32
    scf.if %cond3A_10 {
      %swap3A = arith.constant 0 : index
      %swap3A_15 = arith.constant 0 : index
      %swap3A_16 = vector.load %arg3[%swap3A, %swap3A_15] : memref<1x256xf32, #tpu.memory_space<vmem>>, vector<1x256xf32>
      tpu.vector_store %arg3[%swap3A, %swap3A_15], %broadcast_in_dim3A {strides = array<i32>} : memref<1x256xf32, #tpu.memory_space<vmem>>, vector<1x256xf32>,
      %swap3A_17 = arith.constant 0 : index
      %swap3A_18 = arith.constant 0 : index
      %swap3A_19 = vector.load %arg4[%swap3A_17, %swap3A_18] : memref<1x256xf32, #tpu.memory_space<vmem>>, vector<1x256xf32>
      tpu.vector_store %arg4[%swap3A_17, %swap3A_18], %broadcast_in_dim3A_8 {strides = array<i32>} : memref<1x256xf32, #tpu.memory_space<vmem>>, vector<1x256xf32>,
    } else {
    }
    %gt3A = arith.constant 0 : i32
    %gt3A_11 = arith.cmpi sgt, %arg0, %gt3A : i32
    %convert_element_type3A_12 = arith.extui %gt3A_11 : i1 to i32
    %cond3A_13 = arith.constant 0 : i32
    %cond3A_14 = arith.cmpi ne, %convert_element_type3A_12, %cond3A_13 : i32
    scf.if %cond3A_14 {
      %get3A_15 = arith.constant 0 : index
      %get3A_16 = arith.constant 0 : index
      %get3A_17 = vector.load %arg3[%get3A_15, %get3A_16] : memref<1x256xf32, #tpu.memory_space<vmem>>, vector<1x256xf32>
      %max3A = arith.maximumf %get3A_17, %broadcast_in_dim3A : vector<1x256xf32>
      %swap3A = arith.constant 0 : index
      %swap3A_18 = arith.constant 0 : index
      %swap3A_19 = vector.load %arg3[%swap3A, %swap3A_18] : memref<1x256xf32, #tpu.memory_space<vmem>>, vector<1x256xf32>
      tpu.vector_store %arg3[%swap3A, %swap3A_18], %max3A {strides = array<i32>} : memref<1x256xf32, #tpu.memory_space<vmem>>, vector<1x256xf32>,
      %get3A_20 = arith.constant 0 : index
      %get3A_21 = arith.constant 0 : index
      %get3A_22 = vector.load %arg4[%get3A_20, %get3A_21] : memref<1x256xf32, #tpu.memory_space<vmem>>, vector<1x256xf32>
      %add3A = arith.addf %get3A_22, %broadcast_in_dim3A_8 : vector<1x256xf32>
      %swap3A_23 = arith.constant 0 : index
      %swap3A_24 = arith.constant 0 : index
      %swap3A_25 = vector.load %arg4[%swap3A_23, %swap3A_24] : memref<1x256xf32, #tpu.memory_space<vmem>>, vector<1x256xf32>
      tpu.vector_store %arg4[%swap3A_23, %swap3A_24], %add3A {strides = array<i32>} : memref<1x256xf32, #tpu.memory_space<vmem>>, vector<1x256xf32>,
    } else {
    }
    return
  }
  func.func @transform_0(%arg0: i32) -> (i32, i32) {
    %c0_i32 = arith.constant 0 : i32
    %c0_i32_0 = arith.constant 0 : i32
    return %arg0, %c0_i32 : i32, i32
  }
  func.func @transform_1(%arg0: i32) -> (i32, i32) {
    %c0_i32 = arith.constant 0 : i32
    %c0_i32_0 = arith.constant 0 : i32
    return %arg0, %c0_i32 : i32, i32
  }
  func.func @transform_2(%arg0: i32) -> (i32, i32) {
    %c0_i32 = arith.constant 0 : i32
    %c0_i32_0 = arith.constant 0 : i32
    %c0_i32_1 = arith.constant 0 : i32
    return %c0_i32, %c0_i32_0 : i32, i32
  }
  func.func @transform_3(%arg0: i32) -> (i32, i32) {
    %c0_i32 = arith.constant 0 : i32
    %c0_i32_0 = arith.constant 0 : i32
    %c0_i32_1 = arith.constant 0 : i32
    return %c0_i32, %c0_i32_0 : i32, i32
  }
}

</mosaic_0001>

<sc_bundles>
// kernel: kernel.20.cloned.1.call-start
scs
__scs_entry_jumppad:
0x0: {  	(pc) =	sbr.rel $0x88, $3  }
0x1: {  	(tag) =	ssettag $0x0;
	lr =	simm.s32 $0x1  }
0x2: {  	[smem:$0x3F8D] =	sst lr;
	_ =	strace $0xD0000000  }
0x3: {  	_ = 	snop  }
0x4: {  	_ = 	snop  }
0x5: {  	_ = 	snop  }
0x6: {  	_ = 	snop  }
0x7: {  	_ = 	snop  }
__scs_overlays_trampoline_lowered:
0x8: {  	[smem:$0x3F9C] =	sst s0  }
0x9: {  	[smem:$0x3F9D] =	sst s1  }
0xa: {  	[smem:$0x3F9E] =	sst s2  }
0xb: {  	[smem:$0x3F9F] =	sst s3  }
0xc: {  	[smem:$0x3FA0] =	sst s4  }
0xd: {  	[smem:$0x3FA1] =	sst s5  }
0xe: {  	[smem:$0x3FA2] =	sst s6  }
0xf: {  	[smem:$0x3FA3] =	sst s7  }
0x10: {  	[smem:$0x3FA4] =	sst s8  }
0x11: {  	[smem:$0x3FA5] =	sst s9;
	s0 =	simm.s32 @!p0 $0x0  }
0x12: {  	s1 =	sld [smem:$0x3F8B];
	s0 =	simm.s32 @p0 $0x1  }
0x13: {  	[smem:$0x3FA6] =	sst s0;
	s0 =	simm.s32 @!p1 $0x0  }
0x14: {  	s2 =	sld [smem:$0x3F8A];
	s0 =	simm.s32 @p1 $0x1  }
0x15: {  	[smem:$0x3FA7] =	sst s0;
	s0 =	simm.s32 @!p2 $0x0  }
0x16: {  	s3 =	sld [smem:$0x3FDB];
	s0 =	simm.s32 @p2 $0x1  }
0x17: {  	s4 =	simm.s32 $0x1BF5;
	[smem:$0x3FA9] =	sst s0  }
0x18: {  	s0 =	sld [smem:$0x3F8C];
	_ =	swait.ge [sflag:s4], $0x0  }
0x19: {  	s7 =	sld [smem:$0x3F8D]  }
0x1a: {  	s8 =	sadd.s32 $0xFFFFE003, lr  }
0x1b: {  	s9 =	sadd.s32 $0xFFFFFEF7, lr;
	s5 =	simm.s32 $0xFFFFFFFF;
	p2 =	slt.u32 s8, $0xFFFFF086  }
0x1c: {  	p1 =	slt.u32 s9, $0xF7A;
	s5 =	simm.s32 @!p2 $0x0  }
0x1d: {  	s5 =	simm.s32 @p1 $0x1;
	p0 =	seq.s32 s7, s2  }
0x1e: {  	s7 =	smul.u32 @!p0 $0xF7A, s2;
	p2 =	seq.s32 @!p0 s5, $0x0  }
0x1f: {  	s9 =	smul.u32 $0xF7A, s1;
	s8 =	simm.s32 @!p0 $0x1BF5;
	p2 =	por !p2, p0  }
0x20: {  	[sflag:s8] =	ssyncset.s32 @!p0 $0xFFFFF086;
	s6 =	sadd.s32 @!p0 s3, s7;
	s7 =	simm.s32 @!p0 $0x108  }
0x21: {  	s3 =	sadd.s32 s3, s9;
	s6 =	sadd.s32 @!p0 $0x88, s6;
	s7 =	simm.s32 @p2 $0x1082  }
0x22: {  	[simem:s7], [sflag:s8] =	dma.local @!p0 [hbm:s6], $0xF7A  }
0x23: {  	s9 =	sor.u32 $0xD0000000, s2;
	s6 =	simm.s32 $0x108;
	_ =	swait.ge @!p0 [sflag:s8], $0x0  }
0x24: {  	s3 =	sadd.s32 $0x88, s3;
	s6 =	simm.s32 @!p1 $0x1082;
	[sflag:s4] =	ssyncset.s32 $0xFFFFF086  }
0x25: {  	[simem:s6], [sflag:s4] =	dma.local [hbm:s3], $0xF7A  }
0x26: {  	[smem:$0x3F8D] =	sst s1;
	(tag) =	ssettag s2;
	_ =	strace s9  }
0x27: {  	s1 =	sld [smem:$0x3F9D]  }
0x28: {  	s2 =	sld [smem:$0x3F9E]  }
0x29: {  	s4 =	sld [smem:$0x3FA0]  }
0x2a: {  	p0 =	seq.s32 s5, $0x0;
	s5 =	sld [smem:$0x3FA1]  }
0x2b: {  	s6 =	sld [smem:$0x3FA2]  }
0x2c: {  	s7 =	sld [smem:$0x3FA3]  }
0x2d: {  	s3 =	simm.s32 $0x108;
	s8 =	sld [smem:$0x3FA4]  }
0x2e: {  	s3 =	simm.s32 @!p0 $0x1082;
	s9 =	sld [smem:$0x3FA5]  }
0x2f: {  	lr =	sadd.s32 s0, s3;
	s0 =	sld [smem:$0x3F9C]  }
0x30: {  	s3 =	sld [smem:$0x3F9F]  }
0x31: {  	[smem:$0x3FA8] =	sst s10  }
0x32: {  	s10 =	sld [smem:$0x3FA6];
	_ =	sdelay $0x3  }
0x33: {  	p0 =	seq.s32 s10, $0x1;
	s10 =	sld [smem:$0x3FA8];
	_ =	sdelay $0x3  }
0x34: {  	[smem:$0x3FA8] =	sst s10  }
0x35: {  	s10 =	sld [smem:$0x3FA7];
	_ =	sdelay $0x3  }
0x36: {  	p1 =	seq.s32 s10, $0x1;
	s10 =	sld [smem:$0x3FA8];
	_ =	sdelay $0x3  }
0x37: {  	[smem:$0x3FA8] =	sst s10  }
0x38: {  	s10 =	sld [smem:$0x3FA9]  }
0x39: {  	_ = 	snop;
	(pc) =	sbr.ind lr, $3  }
0x3a: {  	_ = 	snop  }
0x3b: {  	_ = 	snop  }
0x3c: {  	p2 =	seq.s32 s10, $0x1;
	s10 =	sld [smem:$0x3FA8]  }
0x3d: {  	_ =	shalt  }
0x3e: {  	_ =	shalt  }
0x3f: {  	_ =	shalt  }
0x40: {  	_ =	shalt  }
0x41: {  	_ =	shalt  }
0x42: {  	_ =	shalt  }
0x43: {  	_ =	shalt  }
0x44: {  	_ =	shalt  }
0x45: {  	_ =	shalt  }
0x46: {  	_ =	shalt  }
0x47: {  	_ =	shalt  }
0x48: {  	_ =	shalt  }
0x49: {  	_ =	shalt  }
0x4a: {  	_ =	shalt  }
0x4b: {  	_ =	shalt  }
0x4c: {  	_ =	shalt  }
0x4d: {  	_ =	shalt  }
0x4e: {  	_ =	shalt  }
0x4f: {  	_ =	shalt  }
0x50: {  	_ =	shalt  }
0x51: {  	_ =	shalt  }
0x52: {  	_ =	shalt  }
0x53: {  	_ =	shalt  }
0x54: {  	_ =	shalt  }
0x55: {  	_ =	shalt  }
0x56: {  	_ =	shalt  }
0x57: {  	_ =	shalt  }
0x58: {  	_ =	shalt  }
0x59: {  	_ =	shalt  }
0x5a: {  	_ =	shalt  }
0x5b: {  	_ =	shalt  }
0x5c: {  	_ =	shalt  }
0x5d: {  	_ =	shalt  }
0x5e: {  	_ =	shalt  }
0x5f: {  	_ =	shalt  }
0x60: {  	_ =	shalt  }
0x61: {  	_ =	shalt  }
0x62: {  	_ =	shalt  }
0x63: {  	_ =	shalt  }
0x64: {  	_ =	shalt  }
0x65: {  	_ =	shalt  }
0x66: {  	_ =	shalt  }
0x67: {  	_ =	shalt  }
0x68: {  	_ =	shalt  }
0x69: {  	_ =	shalt  }
0x6a: {  	_ =	shalt  }
0x6b: {  	_ =	shalt  }
0x6c: {  	_ =	shalt  }
0x6d: {  	_ =	shalt  }
0x6e: {  	_ =	shalt  }
0x6f: {  	_ =	shalt  }
0x70: {  	_ =	shalt  }
0x71: {  	_ =	shalt  }
0x72: {  	_ =	shalt  }
0x73: {  	_ =	shalt  }
0x74: {  	_ =	shalt  }
0x75: {  	_ =	shalt  }
0x76: {  	_ =	shalt  }
0x77: {  	_ =	shalt  }
0x78: {  	_ =	shalt  }
0x79: {  	_ =	shalt  }
0x7a: {  	_ =	shalt  }
0x7b: {  	_ =	shalt  }
0x7c: {  	_ =	shalt  }
0x7d: {  	_ =	shalt  }
0x7e: {  	_ =	shalt  }
0x7f: {  	_ =	shalt  }
0x80: {  	_ =	shalt  }
0x81: {  	_ =	shalt  }
0x82: {  	_ =	shalt  }
0x83: {  	_ =	shalt  }
0x84: {  	_ =	shalt  }
0x85: {  	_ =	shalt  }
0x86: {  	_ =	shalt  }
0x87: {  	_ =	shalt  }
.Lfunc_end0:
.L_simem_size_0:
called_computation_lowered:
.L_overlay_start_0:
0x88: {  	s2 =	sld [smem:$0x3FD9]  }
0x89: {  	s3 =	sld [smem:$0x3FFE];
	_ =	sdelay $0x1  }
0x8a: {  	s1 =	srdreg.scid  }
0x8b: {  	s0 =	sand.u32 $0x1, s1  }
0x8c: {  	s16 =	sshll.u32 s0, $0xA;
	s2 =	sadd.s32 s3, s2  }
0x8d: {  	s2 =	sadd.s32 s2, s16  }
0x8e: {  	[smem:$0x3FB4] =	sst s2  }
0x8f: {  	_ = 	snop  }
0x90: {  	(tm) =	ssettm $0x1  }
0x91: {  	s17 =	sld [smem:$0x3FFB];
	_ =	sdelay $0x3  }
0x92: {  	_ =	strace s17  }
0x93: {  	s2 =	sld [smem:$0x3FFC];
	_ =	sdelay $0x3  }
0x94: {  	_ =	strace s2  }
0x95: {  	s2 =	sld [smem:$0x3FFD];
	_ =	sdelay $0x3  }
0x96: {  	_ =	strace s2  }
0x97: {  	_ =	strace $0x8FFFFFFF  }
0x98: {  	s18 =	sld [smem:$0x3FDB];
	_ =	sdelay $0x1  }
0x99: {  	s19 =	simm.s32 $_scs_section_size  }
0x9a: {  	s4 =	simm.s32 $_size__tile_overlayer_lowered;
	s5 =	simm.s32 $_tile_overlayer_lowered  }
0x9b: {  	s22 =	simm.s32 $0x1BFF;
	s21 =	sshll.u32 s5, $0x1;
	s2 =	sadd.s32 s19, s18  }
0x9c: {  	s6 =	simm.s32 $0x0;
	s20 =	sshll.u32 s4, $0x1;
	s4 =	sadd.s32 s21, s2  }
0x9d: {  	[timem:s6], [sflag:s22] =	dma.local [hbm:s4], s20  }
0x9e: {  	_ =	swait.ge [sflag:s22], s20  }
0x9f: {  	s3 =	ssub.s32 $0x0, s20;
	[sflag:s22] =	ssyncset.done $0x0  }
0xa0: {  	[sflag:s22] =	ssyncadd.s32 s3;
	_ =	sdelay $0x1  }
0xa1: {  	s23 =	simm.s32 $0x1B8B  }
0xa2: {  	_ =	swait.ge [sflag:s23], $0x1  }
0xa3: {  	[sflag:s23] =	ssyncset.done $0x0  }
0xa4: {  	s25 =	simm.s32 $0x1B8E;
	s24 =	sld [smem:$0x3FFE];
	[sflag:s23] =	ssyncadd.s32 $0xFFFFFFFF  }
0xa5: {  	s26 =	simm.s32 $execute0_lowered;
	[smem:$0x3FD2] =	sst s25  }
0xa6: {  	s4 =	sshll.u32 s26, $0x1;
	_ =	strace $0x80000046;
	[dreg:$0x1] =	wrdreg $0xFFFFFFFF  }
0xa7: {  	s28 =	simm.s32 $_size_execute0_lowered;
	s2 =	sadd.s32 s2, s4;
	[dreg:$0x0] =	wrdreg $0x0  }
0xa8: {  	s4 =	sshll.u32 s28, $0x1;
	[dreg:$0x2] =	wrdreg s2  }
0xa9: {  	[dreg:$0x3] =	wrdreg s4  }
0xaa: {  	[dreg:$0x4] =	wrdreg $0xC0  }
0xab: {  	_ =	task [dreg:s6], $0x5FFFF  }
0xac: {  	[dreg:$0x1] =	wrdreg $0xFFFFFFFF  }
0xad: {  	[dreg:$0x0] =	wrdreg $0x60  }
0xae: {  	[dreg:$0x2] =	wrdreg s24  }
0xaf: {  	[dreg:$0x3] =	wrdreg $0x38000  }
0xb0: {  	[dreg:$0x4] =	wrdreg $0x9  }
0xb1: {  	_ =	task.clear_ibuf [dreg:s6], $0x5FFFF;
	_ =	strace $0x90000046  }
0xb2: {  	s29 =	simm.s32 $0x9;
	_ =	strace $0x80000048  }
0xb3: {  	_ =	swait.ge [sflag:s29], $0x1  }
0xb4: {  	[sflag:s29] =	ssyncadd.s32 $0xFFFFFFFF  }
0xb5: {  	_ =	strace $0x90000048  }
0xb6: {  	_ =	sfence  }
0xb7: {  	s30 =	sld [smem:$0x0];
	_ =	sdelay $0x2  }
0xb8: {  	s31 =	sshll.u32 s1, $0xD;
	s1 =	sshrl.u32 s1, $0x2  }
0xb9: {  	s3 =	sand.u32 $0x4000, s31;
	s1 =	sadd.s32 s1, s30  }
0xba: {  	s0 =	sor.u32 s3, s0;
	s1 =	sshll.u32 s1, $0x11  }
0xbb: {  	s0 =	sor.u32 s1, s0  }
0xbc: {  	s0 =	sadd.s32 $0x8F2B, s0  }
0xbd: {  	[sflag:s0] =	ssyncadd.remote.s32 $0x1  }
0xbe: {  	_ =	sfence.sel $0xFFFF  }
0xbf: {  	[dreg:$0x0] =	wrdreg $0xFFFFFFFF;
	(pc) =	sbr.abs _section_cstart, $3  }
0xc0: {  	[dreg:$0x1] =	wrdreg $0xFFFFFFFF  }
0xc1: {  	_ =	task.clear_ibuf [dreg:s6], $0x2FFFF;
	_ =	strace $0x9FFFFFFF  }
0xc2: {  	(tm) =	ssettm $0x7FFFFFFF  }
0xc3: {  	_ =	shalt  }
tec
execute0_lowered:
.L_overlay_start_1:
0x0: {  	(tag) =	ssettag $0x1  }
0x1: {  	s0 =	rddreg [dreg:$0x0]  }
0x2: {  	s11 =	rddreg [dreg:$0x1]  }
0x3: {  	s2 =	simm.s32 $0x0;
	s1 =	srdreg.scid;
	s3 =	stileid.u32  }
0x4: {  	s14 =	simm.s32 $0x2;
	s15 =	simm.s32 $0x2000;
	s16 =	simm.s32 $0x2C00  }
0x5: {  	s17 =	simm.s32 $0x38C0;
	s18 =	simm.s32 $0x3940;
	s19 =	simm.s32 $0x4140  }
0x6: {  	s20 =	simm.s32 $0x4940;
	s21 =	simm.s32 $0x5140;
	s23 =	simm.s32 $0x1  }
0x7: {  	s28 =	simm.s32 $0x11140;
	s29 =	simm.s32 $0x11940;
	s30 =	simm.s32 $0x12140  }
0x8: {  	s31 =	simm.s32 $0x12940;
	[smem:$0x7FF] =	sst s2;
	s1 =	sand.u32 $0x1, s1  }
0x9: {  	s4 =	sshll.u32 s3, $0x1;
	s5 =	sadd.s32 $0x64A00, s0;
	s24 =	sadd.s32 $0x64800, s0  }
0xa: {  	s6 =	sadd.s32 $0x44800, s0;
	_ =	strace $0x80000047;
	[dreg:$0x3] =	wrdreg s5  }
0xb: {  	s8 =	sadd.s32 $0x7CE00, s0;
	s9 =	sadd.s32 $0x64C00, s0;
	[dreg:$0x4] =	wrdreg s24  }
0xc: {  	p0 =	sne.s32 s3, $0x0;
	s3 =	simm.s32 $0x14140;
	[dreg:$0x5] =	wrdreg s8  }
0xd: {  	s4 =	sor.u32 s1, s4;
	s5 =	sadd.s32 $0x4800, s0;
	[dreg:$0x6] =	wrdreg s9  }
0xe: {  	s26 =	ssub.s32 $0x2, s1;
	p1 =	sne.s32 s1, $0x0;
	s7 =	smul.u32 $0x1800, s4  }
0xf: {  	s24 =	simm.s32 $0xF940;
	s25 =	smul.u32 $0x180, s4;
	s10 =	sshrl.u32 s26, $0x1  }
0x10: {  	s1 =	simm.s32 $0x13940;
	s4 =	smul.u32 $0xC00, s4;
	s13 =	ssub.s32 s26, s10  }
.Ltmp0:
0x11: {  	s10 =	sadd.s32 $0x4900, s0;
	s26 =	simm.s32 $0x10940;
	(pc) =	sbr.rel .LBB2_1-.Ltmp0, $4  }
0x12: {  	s7 =	sadd.s32 s7, s0;
	s8 =	sshrl.u32 s25, $0x2;
	s4 =	sadd.s32 s4, s0  }
0x13: {  	v0 =	vlaneseq.u32;
	s13 =	smax.u32 s13, $0x1;
	s25 =	simm.s32 $0x10140;
	s0 =	simm.s32 $0x13140  }
0x14: {  	vm0 =	vmmov $0xffff;
	v2 =	vshrl.u32 v0, $0x3;
	s9 =	sadd.s32 s8, s11;
	s11 =	sadd.s32 $0x7D000, s7;
	s12 =	sadd.s32 $0x64E00, s4  }
0x15: {  	v1 =	vand.u32 $0x7, v0;
	v3 =	vor.u32 $0x8, v0;
	v2 =	vmul.u32 $0x8, v2;
	s4 =	simm.s32 $0x14940;
	s7 =	simm.s32 $0x15140;
	s8 =	simm.s32 $0x0  }
.LBB2_5:
0x16: {  	[bflag:$0x0] =	sbarrier.arrive $0xFFFF  }
0x17: {  	[tilespmem:s17], [sflag:$0x2] =	stream.linear.gather [spmem:s9], $0x60, $0x38;
	[tilespmem:$0x15940] =	vst v63  }
0x18: {  	_ =	swait.ge [sflag:s14], $0x60  }
0x19: {  	[sflag:s14] =	ssyncset.done $0x0  }
0x1a: {  	[sflag:s14] =	ssyncadd.s32 $0xFFFFFFA0  }
0x1b: {  	v4 =	vld [tilespmem:$0x38C0];
	_ =	sdelay $0x4  }
0x1c: {  	v5 =	vshll.u32 v4, $0x2  }
0x1d: {  	v4 =	vand.u32 $0x7, v4;
	v5 =	vand.u32 $0xFFFFFFE0, v5  }
0x1e: {  	v4 =	vor.u32 v4, v5  }
0x1f: {  	v5 =	vperm.xlane v4, v1;
	_ =	sdelay $0x1  }
0x20: {  	v5 =	vadd.s32 v2, v5;
	_ =	sdelay $0x1  }
0x21: {  	v4 =	vperm.xlane v4, v3;
	_ =	sdelay $0x1  }
0x22: {  	v4 =	vadd.s32 v2, v4  }
0x23: {  	[tilespmem:s18], [sflag:$0x1] =	stream.indirect_vreg.gather [hbm4b:s5+s2], $0x80, v5, vm0, $0xb8;
	[tilespmem:$0x15940] =	vst v63  }
0x24: {  	_ = 	snop  }
0x25: {  	[tilespmem:s19], [sflag:$0x1] =	stream.indirect_vreg.gather [hbm4b:s10+s2], $0x80, v5, vm0, $0xb8;
	[tilespmem:$0x15940] =	vst v63  }
0x26: {  	_ = 	snop  }
0x27: {  	[tilespmem:s20], [sflag:$0x1] =	stream.indirect_vreg.gather [hbm4b:s5+s2], $0x80, v4, vm0, $0xb8;
	[tilespmem:$0x15940] =	vst v63  }
0x28: {  	_ = 	snop  }
0x29: {  	[tilespmem:s21], [sflag:$0x1] =	stream.indirect_vreg.gather [hbm4b:s10+s2], $0x80, v4, vm0, $0xb8;
	[tilespmem:$0x15940] =	vst v63  }
0x2a: {  	v4 =	vld [tilespmem:$0x38D0];
	_ =	sdelay $0x4  }
0x2b: {  	v5 =	vshll.u32 v4, $0x2  }
0x2c: {  	v4 =	vand.u32 $0x7, v4;
	v5 =	vand.u32 $0xFFFFFFE0, v5  }
0x2d: {  	v4 =	vor.u32 v4, v5  }
0x2e: {  	v5 =	vperm.xlane v4, v1;
	_ =	sdelay $0x1  }
0x2f: {  	v5 =	vadd.s32 v2, v5;
	_ =	sdelay $0x1  }
0x30: {  	v4 =	vperm.xlane v4, v3;
	_ =	sdelay $0x1  }
0x31: {  	s22 =	simm.s32 $0x5940;
	v4 =	vadd.s32 v2, v4  }
0x32: {  	[tilespmem:s22], [sflag:$0x1] =	stream.indirect_vreg.gather [hbm4b:s5+s2], $0x80, v5, vm0, $0xb8;
	[tilespmem:$0x15940] =	vst v63  }
0x33: {  	s22 =	simm.s32 $0x6140  }
0x34: {  	[tilespmem:s22], [sflag:$0x1] =	stream.indirect_vreg.gather [hbm4b:s10+s2], $0x80, v5, vm0, $0xb8;
	[tilespmem:$0x15940] =	vst v63  }
0x35: {  	s22 =	simm.s32 $0x6940  }
0x36: {  	[tilespmem:s22], [sflag:$0x1] =	stream.indirect_vreg.gather [hbm4b:s5+s2], $0x80, v4, vm0, $0xb8;
	[tilespmem:$0x15940] =	vst v63  }
0x37: {  	s22 =	simm.s32 $0x7140  }
0x38: {  	[tilespmem:s22], [sflag:$0x1] =	stream.indirect_vreg.gather [hbm4b:s10+s2], $0x80, v4, vm0, $0xb8;
	[tilespmem:$0x15940] =	vst v63  }
0x39: {  	v4 =	vld [tilespmem:$0x38E0];
	_ =	sdelay $0x4  }
0x3a: {  	v5 =	vshll.u32 v4, $0x2  }
0x3b: {  	v4 =	vand.u32 $0x7, v4;
	v5 =	vand.u32 $0xFFFFFFE0, v5  }
0x3c: {  	v4 =	vor.u32 v4, v5  }
0x3d: {  	v5 =	vperm.xlane v4, v1;
	_ =	sdelay $0x1  }
0x3e: {  	v5 =	vadd.s32 v2, v5;
	_ =	sdelay $0x1  }
0x3f: {  	v4 =	vperm.xlane v4, v3;
	_ =	sdelay $0x1  }
0x40: {  	s22 =	simm.s32 $0x7940;
	v4 =	vadd.s32 v2, v4  }
0x41: {  	[tilespmem:s22], [sflag:$0x1] =	stream.indirect_vreg.gather [hbm4b:s5+s2], $0x80, v5, vm0, $0xb8;
	[tilespmem:$0x15940] =	vst v63  }
0x42: {  	s22 =	simm.s32 $0x8140  }
0x43: {  	[tilespmem:s22], [sflag:$0x1] =	stream.indirect_vreg.gather [hbm4b:s10+s2], $0x80, v5, vm0, $0xb8;
	[tilespmem:$0x15940] =	vst v63  }
0x44: {  	s22 =	simm.s32 $0x8940  }
0x45: {  	[tilespmem:s22], [sflag:$0x1] =	stream.indirect_vreg.gather [hbm4b:s5+s2], $0x80, v4, vm0, $0xb8;
	[tilespmem:$0x15940] =	vst v63  }
0x46: {  	s22 =	simm.s32 $0x9140  }
0x47: {  	[tilespmem:s22], [sflag:$0x1] =	stream.indirect_vreg.gather [hbm4b:s10+s2], $0x80, v4, vm0, $0xb8;
	[tilespmem:$0x15940] =	vst v63  }
0x48: {  	v4 =	vld [tilespmem:$0x38F0];
	_ =	sdelay $0x4  }
0x49: {  	v5 =	vshll.u32 v4, $0x2  }
0x4a: {  	v4 =	vand.u32 $0x7, v4;
	v5 =	vand.u32 $0xFFFFFFE0, v5  }
0x4b: {  	v4 =	vor.u32 v4, v5  }
0x4c: {  	v5 =	vperm.xlane v4, v1;
	_ =	sdelay $0x1  }
0x4d: {  	v5 =	vadd.s32 v2, v5;
	_ =	sdelay $0x1  }
0x4e: {  	v4 =	vperm.xlane v4, v3;
	_ =	sdelay $0x1  }
0x4f: {  	s22 =	simm.s32 $0x9940;
	v4 =	vadd.s32 v2, v4  }
0x50: {  	[tilespmem:s22], [sflag:$0x1] =	stream.indirect_vreg.gather [hbm4b:s5+s2], $0x80, v5, vm0, $0xb8;
	[tilespmem:$0x15940] =	vst v63  }
0x51: {  	s22 =	simm.s32 $0xA140  }
0x52: {  	[tilespmem:s22], [sflag:$0x1] =	stream.indirect_vreg.gather [hbm4b:s10+s2], $0x80, v5, vm0, $0xb8;
	[tilespmem:$0x15940] =	vst v63  }
0x53: {  	s22 =	simm.s32 $0xA940  }
0x54: {  	[tilespmem:s22], [sflag:$0x1] =	stream.indirect_vreg.gather [hbm4b:s5+s2], $0x80, v4, vm0, $0xb8;
	[tilespmem:$0x15940] =	vst v63  }
0x55: {  	s22 =	simm.s32 $0xB140  }
0x56: {  	[tilespmem:s22], [sflag:$0x1] =	stream.indirect_vreg.gather [hbm4b:s10+s2], $0x80, v4, vm0, $0xb8;
	[tilespmem:$0x15940] =	vst v63  }
0x57: {  	v4 =	vld [tilespmem:$0x3900];
	_ =	sdelay $0x4  }
0x58: {  	v5 =	vshll.u32 v4, $0x2  }
0x59: {  	v4 =	vand.u32 $0x7, v4;
	v5 =	vand.u32 $0xFFFFFFE0, v5  }
0x5a: {  	v4 =	vor.u32 v4, v5  }
0x5b: {  	v5 =	vperm.xlane v4, v1;
	_ =	sdelay $0x1  }
0x5c: {  	v5 =	vadd.s32 v2, v5;
	_ =	sdelay $0x1  }
0x5d: {  	v4 =	vperm.xlane v4, v3;
	_ =	sdelay $0x1  }
0x5e: {  	s22 =	simm.s32 $0xB940;
	v4 =	vadd.s32 v2, v4  }
0x5f: {  	[tilespmem:s22], [sflag:$0x1] =	stream.indirect_vreg.gather [hbm4b:s5+s2], $0x80, v5, vm0, $0xb8;
	[tilespmem:$0x15940] =	vst v63  }
0x60: {  	s22 =	simm.s32 $0xC140  }
0x61: {  	[tilespmem:s22], [sflag:$0x1] =	stream.indirect_vreg.gather [hbm4b:s10+s2], $0x80, v5, vm0, $0xb8;
	[tilespmem:$0x15940] =	vst v63  }
0x62: {  	s22 =	simm.s32 $0xC940  }
0x63: {  	[tilespmem:s22], [sflag:$0x1] =	stream.indirect_vreg.gather [hbm4b:s5+s2], $0x80, v4, vm0, $0xb8;
	[tilespmem:$0x15940] =	vst v63  }
0x64: {  	s22 =	simm.s32 $0xD140  }
0x65: {  	[tilespmem:s22], [sflag:$0x1] =	stream.indirect_vreg.gather [hbm4b:s10+s2], $0x80, v4, vm0, $0xb8;
	[tilespmem:$0x15940] =	vst v63  }
0x66: {  	v4 =	vld [tilespmem:$0x3910];
	_ =	sdelay $0x4  }
0x67: {  	v5 =	vshll.u32 v4, $0x2  }
0x68: {  	v4 =	vand.u32 $0x7, v4;
	v5 =	vand.u32 $0xFFFFFFE0, v5  }
0x69: {  	v4 =	vor.u32 v4, v5  }
0x6a: {  	v5 =	vperm.xlane v4, v1;
	_ =	sdelay $0x1  }
0x6b: {  	v5 =	vadd.s32 v2, v5;
	_ =	sdelay $0x1  }
0x6c: {  	v4 =	vperm.xlane v4, v3;
	_ =	sdelay $0x1  }
0x6d: {  	s22 =	simm.s32 $0xD940;
	v4 =	vadd.s32 v2, v4  }
0x6e: {  	[tilespmem:s22], [sflag:$0x1] =	stream.indirect_vreg.gather [hbm4b:s5+s2], $0x80, v5, vm0, $0xb8;
	[tilespmem:$0x15940] =	vst v63  }
0x6f: {  	s22 =	simm.s32 $0xE140  }
0x70: {  	[tilespmem:s22], [sflag:$0x1] =	stream.indirect_vreg.gather [hbm4b:s10+s2], $0x80, v5, vm0, $0xb8;
	[tilespmem:$0x15940] =	vst v63  }
0x71: {  	s22 =	simm.s32 $0xE940  }
0x72: {  	[tilespmem:s22], [sflag:$0x1] =	stream.indirect_vreg.gather [hbm4b:s5+s2], $0x80, v4, vm0, $0xb8;
	[tilespmem:$0x15940] =	vst v63  }
0x73: {  	s22 =	simm.s32 $0xF140  }
0x74: {  	[tilespmem:s22], [sflag:$0x1] =	stream.indirect_vreg.gather [hbm4b:s10+s2], $0x80, v4, vm0, $0xb8;
	[tilespmem:$0x15940] =	vst v63  }
0x75: {  	_ =	swait.ge [sflag:s23], $0xC000  }
0x76: {  	[sflag:s23] =	ssyncset.done $0x0  }
0x77: {  	[sflag:s23] =	ssyncadd.s32 $0xFFFF4000  }
0x78: {  	[hbm4b:s11+s2] =	stream.linear.scatter [tilespmem:s18], [sflag:$0x2], $0xC000, $0x38;
	[tilespmem:$0x15940] =	vst v63  }
0x79: {  	_ =	swait.ge [sflag:s14], $0xC000  }
0x7a: {  	[sflag:s14] =	ssyncset.done $0x0  }
0x7b: {  	[sflag:s14] =	ssyncadd.s32 $0xFFFF4000  }
0x7c: {  	v4 =	vld [tilespmem:$0x38C0];
	_ =	sdelay $0x4  }
0x7d: {  	v5 =	vshll.u32 v4, $0x1  }
0x7e: {  	v4 =	vand.u32 $0x7, v4;
	v5 =	vand.u32 $0xFFFFFFF0, v5  }
0x7f: {  	v4 =	vor.u32 v4, v5  }
0x80: {  	v5 =	vperm.xlane v4, v1;
	_ =	sdelay $0x1  }
0x81: {  	v4 =	vperm.xlane v4, v3;
	v5 =	vadd.s32 v2, v5;
	_ =	sdelay $0x1  }
0x82: {  	v4 =	vadd.s32 v2, v4;
	_ =	sdelay $0x2  }
0x83: {  	[tilespmem:s24], [sflag:$0x1] =	stream.indirect_vreg.gather [hbm4b:s6+s2], $0x80, v5, vm0, $0xb8;
	[tilespmem:$0x15940] =	vst v63  }
0x84: {  	_ = 	snop  }
0x85: {  	[tilespmem:s25], [sflag:$0x1] =	stream.indirect_vreg.gather [hbm4b:s6+s2], $0x80, v4, vm0, $0xb8;
	[tilespmem:$0x15940] =	vst v63  }
0x86: {  	v4 =	vld [tilespmem:$0x38D0];
	_ =	sdelay $0x4  }
0x87: {  	v5 =	vshll.u32 v4, $0x1  }
0x88: {  	v4 =	vand.u32 $0x7, v4;
	v5 =	vand.u32 $0xFFFFFFF0, v5  }
0x89: {  	v4 =	vor.u32 v4, v5  }
0x8a: {  	v5 =	vperm.xlane v4, v1;
	_ =	sdelay $0x1  }
0x8b: {  	v4 =	vperm.xlane v4, v3;
	v5 =	vadd.s32 v2, v5;
	_ =	sdelay $0x1  }
0x8c: {  	v4 =	vadd.s32 v2, v4;
	_ =	sdelay $0x2  }
0x8d: {  	[tilespmem:s26], [sflag:$0x1] =	stream.indirect_vreg.gather [hbm4b:s6+s2], $0x80, v5, vm0, $0xb8;
	[tilespmem:$0x15940] =	vst v63  }
0x8e: {  	_ = 	snop  }
0x8f: {  	[tilespmem:s28], [sflag:$0x1] =	stream.indirect_vreg.gather [hbm4b:s6+s2], $0x80, v4, vm0, $0xb8;
	[tilespmem:$0x15940] =	vst v63  }
0x90: {  	v4 =	vld [tilespmem:$0x38E0];
	_ =	sdelay $0x4  }
0x91: {  	v5 =	vshll.u32 v4, $0x1  }
0x92: {  	v4 =	vand.u32 $0x7, v4;
	v5 =	vand.u32 $0xFFFFFFF0, v5  }
0x93: {  	v4 =	vor.u32 v4, v5  }
0x94: {  	v5 =	vperm.xlane v4, v1;
	_ =	sdelay $0x1  }
0x95: {  	v4 =	vperm.xlane v4, v3;
	v5 =	vadd.s32 v2, v5;
	_ =	sdelay $0x1  }
0x96: {  	v4 =	vadd.s32 v2, v4;
	_ =	sdelay $0x2  }
0x97: {  	[tilespmem:s29], [sflag:$0x1] =	stream.indirect_vreg.gather [hbm4b:s6+s2], $0x80, v5, vm0, $0xb8;
	[tilespmem:$0x15940] =	vst v63  }
0x98: {  	_ = 	snop  }
0x99: {  	[tilespmem:s30], [sflag:$0x1] =	stream.indirect_vreg.gather [hbm4b:s6+s2], $0x80, v4, vm0, $0xb8;
	[tilespmem:$0x15940] =	vst v63  }
0x9a: {  	v4 =	vld [tilespmem:$0x38F0];
	_ =	sdelay $0x4  }
0x9b: {  	v5 =	vshll.u32 v4, $0x1  }
0x9c: {  	v4 =	vand.u32 $0x7, v4;
	v5 =	vand.u32 $0xFFFFFFF0, v5  }
0x9d: {  	v4 =	vor.u32 v4, v5  }
0x9e: {  	v5 =	vperm.xlane v4, v1;
	_ =	sdelay $0x1  }
0x9f: {  	v4 =	vperm.xlane v4, v3;
	v5 =	vadd.s32 v2, v5;
	_ =	sdelay $0x1  }
0xa0: {  	v4 =	vadd.s32 v2, v4;
	_ =	sdelay $0x2  }
0xa1: {  	[tilespmem:s31], [sflag:$0x1] =	stream.indirect_vreg.gather [hbm4b:s6+s2], $0x80, v5, vm0, $0xb8;
	[tilespmem:$0x15940] =	vst v63  }
0xa2: {  	_ = 	snop  }
0xa3: {  	[tilespmem:s0], [sflag:$0x1] =	stream.indirect_vreg.gather [hbm4b:s6+s2], $0x80, v4, vm0, $0xb8;
	[tilespmem:$0x15940] =	vst v63  }
0xa4: {  	v4 =	vld [tilespmem:$0x3900];
	_ =	sdelay $0x4  }
0xa5: {  	v5 =	vshll.u32 v4, $0x1  }
0xa6: {  	v4 =	vand.u32 $0x7, v4;
	v5 =	vand.u32 $0xFFFFFFF0, v5  }
0xa7: {  	v4 =	vor.u32 v4, v5  }
0xa8: {  	v5 =	vperm.xlane v4, v1;
	_ =	sdelay $0x1  }
0xa9: {  	v4 =	vperm.xlane v4, v3;
	v5 =	vadd.s32 v2, v5;
	_ =	sdelay $0x1  }
0xaa: {  	v4 =	vadd.s32 v2, v4;
	_ =	sdelay $0x2  }
0xab: {  	[tilespmem:s1], [sflag:$0x1] =	stream.indirect_vreg.gather [hbm4b:s6+s2], $0x80, v5, vm0, $0xb8;
	[tilespmem:$0x15940] =	vst v63  }
0xac: {  	_ = 	snop  }
0xad: {  	[tilespmem:s3], [sflag:$0x1] =	stream.indirect_vreg.gather [hbm4b:s6+s2], $0x80, v4, vm0, $0xb8;
	[tilespmem:$0x15940] =	vst v63  }
0xae: {  	v4 =	vld [tilespmem:$0x3910];
	_ =	sdelay $0x4  }
0xaf: {  	v5 =	vshll.u32 v4, $0x1  }
0xb0: {  	v4 =	vand.u32 $0x7, v4;
	v5 =	vand.u32 $0xFFFFFFF0, v5  }
0xb1: {  	v4 =	vor.u32 v4, v5  }
0xb2: {  	v5 =	vperm.xlane v4, v1;
	_ =	sdelay $0x1  }
0xb3: {  	v4 =	vperm.xlane v4, v3;
	v5 =	vadd.s32 v2, v5;
	_ =	sdelay $0x1  }
0xb4: {  	v4 =	vadd.s32 v2, v4;
	_ =	sdelay $0x2  }
0xb5: {  	[tilespmem:s4], [sflag:$0x1] =	stream.indirect_vreg.gather [hbm4b:s6+s2], $0x80, v5, vm0, $0xb8;
	[tilespmem:$0x15940] =	vst v63  }
0xb6: {  	_ = 	snop  }
0xb7: {  	[tilespmem:s7], [sflag:$0x1] =	stream.indirect_vreg.gather [hbm4b:s6+s2], $0x80, v4, vm0, $0xb8;
	[tilespmem:$0x15940] =	vst v63  }
0xb8: {  	s8 =	sadd.s32 $0x1, s8;
	_ =	swait.ge [sflag:s23], $0x6000  }
0xb9: {  	p2 =	sne.s32 s8, s13;
	[sflag:s23] =	ssyncset.done $0x0  }
.Ltmp1:
0xba: {  	[sflag:s23] =	ssyncadd.s32 $0xFFFFA000;
	(pc) =	sbr.rel @!p2 .LBB2_6-.Ltmp1, $4  }
0xbb: {  	[hbm4b:s12+s2] =	stream.linear.scatter [tilespmem:s24], [sflag:$0x2], $0x6000, $0x38;
	[tilespmem:$0x15940] =	vst v63  }
0xbc: {  	_ =	swait.ge [sflag:s14], $0x6000  }
0xbd: {  	[sflag:s14] =	ssyncset.done $0x0  }
0xbe: {  	[sflag:s14] =	ssyncadd.s32 $0xFFFFA000  }
.LBB2_1:
.Ltmp2:
0xbf: {  	(pc) =	sbr.rel @p0 .LBB2_5-.Ltmp2, $1  }
0xc0: {  	_ =	sdelay $0x3  }
0xc1: {  	s19 =	simm.s32 $0x0;
	s17 =	rddreg [dreg:$0x3]  }
0xc2: {  	[tilespmem:s19], [sflag:$0x2] =	stream.linear.gather [hbm4b:s17+s19], $0x1000, $0x38;
	[tilespmem:$0x15940] =	vst v63  }
0xc3: {  	_ =	swait.ge [sflag:s14], $0x1000  }
0xc4: {  	[sflag:s14] =	ssyncset.done $0x0  }
0xc5: {  	s17 =	simm.s32 $0x1000;
	s20 =	rddreg [dreg:$0x4];
	[sflag:s14] =	ssyncadd.s32 $0xFFFFF000  }
0xc6: {  	[tilespmem:s17], [sflag:$0x2] =	stream.linear.gather [hbm4b:s20+s19], $0x1000, $0x38;
	[tilespmem:$0x15940] =	vst v63  }
0xc7: {  	_ =	swait.ge [sflag:s14], $0x1000  }
0xc8: {  	[sflag:s14] =	ssyncset.done $0x0  }
0xc9: {  	[sflag:s14] =	ssyncadd.s32 $0xFFFFF000  }
0xca: {  	v4 =	vld [tilespmem:s19+$0x0];
	_ =	sdelay $0x4  }
0xcb: {  	vm1 =	vlt.s32 v4, $0xC00;
	_ =	sdelay $0x4  }
0xcc: {  	v5 =	vor.u32 s19, v0  }
0xcd: {  	[tilespmem:v4+s15+$0x0] =	vst.idx.msk vm1, v5  }
0xce: {  	v5 =	vld [tilespmem:s17+$0x0];
	_ =	sdelay $0x4  }
0xcf: {  	s19 =	simm.s32 $0x10;
	[tilespmem:v4+s16+$0x0] =	vst.idx.msk vm1, v5  }
0xd0: {  	s21 =	simm.s32 $0x10;
	s20 =	simm.s32 $0x20;
	v4 =	vld [tilespmem:s19+$0x0]  }
.LBB2_3:
0xd1: {  	p2 =	sne.s32 s20, $0xFF0;
	_ =	sdelay $0x3  }
0xd2: {  	vm1 =	vlt.s32 v4, $0xC00;
	_ =	sdelay $0x4  }
0xd3: {  	v5 =	vor.u32 s19, v0;
	s19 =	smov.u32 s20  }
0xd4: {  	s17 =	sadd.s32 $0x10, s17;
	[tilespmem:v4+s15+$0x0] =	vst.idx.msk vm1, v5  }
0xd5: {  	v5 =	vld [tilespmem:s17+$0x0];
	_ =	sdelay $0x1  }
.Ltmp3:
0xd6: {  	(pc) =	sbr.rel @p2 .LBB2_3-.Ltmp3, $3  }
0xd7: {  	_ =	sdelay $0x1  }
0xd8: {  	s21 =	sadd.s32 $0x10, s21;
	[tilespmem:v4+s16+$0x0] =	vst.idx.msk vm1, v5  }
0xd9: {  	s20 =	sadd.s32 $0x10, s20;
	v4 =	vld [tilespmem:s21+$0x0]  }
0xda: {  	_ =	sdelay $0x3  }
0xdb: {  	vm1 =	vlt.s32 v4, $0xC00;
	_ =	sdelay $0x4  }
0xdc: {  	v5 =	vor.u32 s19, v0  }
0xdd: {  	s17 =	sadd.s32 $0x10, s17;
	[tilespmem:v4+s15+$0x0] =	vst.idx.msk vm1, v5  }
0xde: {  	v5 =	vld [tilespmem:s17+$0x0];
	_ =	sdelay $0x4  }
0xdf: {  	s22 =	rddreg [dreg:$0x1];
	[tilespmem:v4+s16+$0x0] =	vst.idx.msk vm1, v5  }
0xe0: {  	[spmem:s22] =	stream.linear.scatter [tilespmem:s15], [sflag:$0x2], $0xC00, $0x38;
	[tilespmem:$0x15940] =	vst v63  }
0xe1: {  	_ =	swait.ge [sflag:s14], $0xC00  }
0xe2: {  	s19 =	simm.s32 @!p1 $0x2000;
	[sflag:s14] =	ssyncset.done $0x0  }
0xe3: {  	s17 =	simm.s32 @!p1 $0x0;
	s20 =	rddreg [dreg:$0x5];
	[sflag:s14] =	ssyncadd.s32 $0xFFFFF400  }
0xe4: {  	[hbm4b:s20+s17] =	stream.linear.scatter @!p1 [tilespmem:s19], [sflag:$0x2], $0xC00, $0x38;
	[tilespmem:$0x15940] =	vst v63  }
0xe5: {  	s19 =	simm.s32 @!p1 $0x2  }
0xe6: {  	_ =	swait.ge @!p1 [sflag:s19], $0xC00  }
0xe7: {  	s20 =	simm.s32 @!p1 $0x2C00;
	[sflag:s19] =	ssyncset.done @!p1 $0x0  }
.Ltmp4:
0xe8: {  	s21 =	rddreg [dreg:$0x6];
	[sflag:s19] =	ssyncadd.s32 @!p1 $0xFFFFF400;
	(pc) =	sbr.rel .LBB2_5-.Ltmp4, $4  }
0xe9: {  	[hbm4b:s21+s17] =	stream.linear.scatter @!p1 [tilespmem:s20], [sflag:$0x2], $0xC00, $0x38;
	[tilespmem:$0x15940] =	vst v63  }
0xea: {  	_ =	swait.ge @!p1 [sflag:s19], $0xC00  }
0xeb: {  	s17 =	simm.s32 $0x38C0;
	s20 =	simm.s32 $0x4940;
	[sflag:s19] =	ssyncset.done @!p1 $0x0  }
0xec: {  	s21 =	simm.s32 $0x5140;
	[sflag:s19] =	ssyncadd.s32 @!p1 $0xFFFFF400;
	s19 =	simm.s32 $0x4140  }
.LBB2_6:
0xed: {  	_ =	sfence.sel $0x180000  }
0xee: {  	[bflag:$0x0] =	sbarrier.arrive $0xFFFF  }
0xef: {  	_ =	strace $0x90000047  }
0xf0: {  	[bflag:$0x2] =	sbarrier.arrive $0xFFFF  }
0xf1: {  	s0 =	rddreg [dreg:$0x2]  }
0xf2: {  	s0 =	sadd.s32 @!p0 $0x100000, s0  }
0xf3: {  	[sflag:s0] =	ssyncadd.tile.s32 @!p0 $0x1;
	_ =	shalt  }
.Lfunc_end2:
_tile_overlayer_lowered:
.L_overlay_start_2:
0xf4: {  	(tag) =	ssettag $0x2  }
0xf5: {  	s0 =	rddreg [dreg:$0x0];
	s2 =	stileid.u32  }
0xf6: {  	s1 =	rddreg [dreg:$0x1];
	p0 =	sne.s32 s2, $0x0  }
0xf7: {  	s3 =	rddreg [dreg:$0x2];
	[bflag:$0x3] =	sbarrier.arrive $0xFFFF;
	s2 =	simm.s32 @!p0 $0x1C02  }
0xf8: {  	[timem:s3], [sflag:s2] =	dma.local @!p0 [hbm:s0], s1  }
0xf9: {  	s0 =	simm.s32 @!p0 $0x2  }
0xfa: {  	_ =	swait.ge @!p0 [sflag:s0], s1  }
0xfb: {  	s1 =	ssub.s32 @!p0 $0x0, s1;
	[sflag:s0] =	ssyncset.done @!p0 $0x0  }
0xfc: {  	[sflag:s0] =	ssyncadd.s32 @!p0 s1  }
0xfd: {  	[bflag:$0x3] =	sbarrier.arrive $0xFFFF  }
0xfe: {  	_ =	shalt  }

// kernel: kernel.23.cloned.1.call-start
scs
__scs_entry_jumppad:
0x0: {  	(pc) =	sbr.rel $0x88, $3  }
0x1: {  	(tag) =	ssettag $0x0;
	lr =	simm.s32 $0x1  }
0x2: {  	[smem:$0x3F8D] =	sst lr;
	_ =	strace $0xD0000000  }
0x3: {  	_ = 	snop  }
0x4: {  	_ = 	snop  }
0x5: {  	_ = 	snop  }
0x6: {  	_ = 	snop  }
0x7: {  	_ = 	snop  }
__scs_overlays_trampoline_lowered:
0x8: {  	[smem:$0x3F9C] =	sst s0  }
0x9: {  	[smem:$0x3F9D] =	sst s1  }
0xa: {  	[smem:$0x3F9E] =	sst s2  }
0xb: {  	[smem:$0x3F9F] =	sst s3  }
0xc: {  	[smem:$0x3FA0] =	sst s4  }
0xd: {  	[smem:$0x3FA1] =	sst s5  }
0xe: {  	[smem:$0x3FA2] =	sst s6  }
0xf: {  	[smem:$0x3FA3] =	sst s7  }
0x10: {  	[smem:$0x3FA4] =	sst s8  }
0x11: {  	[smem:$0x3FA5] =	sst s9;
	s0 =	simm.s32 @!p0 $0x0  }
0x12: {  	s1 =	sld [smem:$0x3F8B];
	s0 =	simm.s32 @p0 $0x1  }
0x13: {  	[smem:$0x3FA6] =	sst s0;
	s0 =	simm.s32 @!p1 $0x0  }
0x14: {  	s2 =	sld [smem:$0x3F8A];
	s0 =	simm.s32 @p1 $0x1  }
0x15: {  	[smem:$0x3FA7] =	sst s0;
	s0 =	simm.s32 @!p2 $0x0  }
0x16: {  	s3 =	sld [smem:$0x3FDB];
	s0 =	simm.s32 @p2 $0x1  }
0x17: {  	s4 =	simm.s32 $0x1BF5;
	[smem:$0x3FA9] =	sst s0  }
0x18: {  	s0 =	sld [smem:$0x3F8C];
	_ =	swait.ge [sflag:s4], $0x0  }
0x19: {  	s7 =	sld [smem:$0x3F8D]  }
0x1a: {  	s8 =	sadd.s32 $0xFFFFE003, lr  }
0x1b: {  	s9 =	sadd.s32 $0xFFFFFEF7, lr;
	s5 =	simm.s32 $0xFFFFFFFF;
	p2 =	slt.u32 s8, $0xFFFFF086  }
0x1c: {  	p1 =	slt.u32 s9, $0xF7A;
	s5 =	simm.s32 @!p2 $0x0  }
0x1d: {  	s5 =	simm.s32 @p1 $0x1;
	p0 =	seq.s32 s7, s2  }
0x1e: {  	s7 =	smul.u32 @!p0 $0xF7A, s2;
	p2 =	seq.s32 @!p0 s5, $0x0  }
0x1f: {  	s9 =	smul.u32 $0xF7A, s1;
	s8 =	simm.s32 @!p0 $0x1BF5;
	p2 =	por !p2, p0  }
0x20: {  	[sflag:s8] =	ssyncset.s32 @!p0 $0xFFFFF086;
	s6 =	sadd.s32 @!p0 s3, s7;
	s7 =	simm.s32 @!p0 $0x108  }
0x21: {  	s3 =	sadd.s32 s3, s9;
	s6 =	sadd.s32 @!p0 $0x88, s6;
	s7 =	simm.s32 @p2 $0x1082  }
0x22: {  	[simem:s7], [sflag:s8] =	dma.local @!p0 [hbm:s6], $0xF7A  }
0x23: {  	s9 =	sor.u32 $0xD0000000, s2;
	s6 =	simm.s32 $0x108;
	_ =	swait.ge @!p0 [sflag:s8], $0x0  }
0x24: {  	s3 =	sadd.s32 $0x88, s3;
	s6 =	simm.s32 @!p1 $0x1082;
	[sflag:s4] =	ssyncset.s32 $0xFFFFF086  }
0x25: {  	[simem:s6], [sflag:s4] =	dma.local [hbm:s3], $0xF7A  }
0x26: {  	[smem:$0x3F8D] =	sst s1;
	(tag) =	ssettag s2;
	_ =	strace s9  }
0x27: {  	s1 =	sld [smem:$0x3F9D]  }
0x28: {  	s2 =	sld [smem:$0x3F9E]  }
0x29: {  	s4 =	sld [smem:$0x3FA0]  }
0x2a: {  	p0 =	seq.s32 s5, $0x0;
	s5 =	sld [smem:$0x3FA1]  }
0x2b: {  	s6 =	sld [smem:$0x3FA2]  }
0x2c: {  	s7 =	sld [smem:$0x3FA3]  }
0x2d: {  	s3 =	simm.s32 $0x108;
	s8 =	sld [smem:$0x3FA4]  }
0x2e: {  	s3 =	simm.s32 @!p0 $0x1082;
	s9 =	sld [smem:$0x3FA5]  }
0x2f: {  	lr =	sadd.s32 s0, s3;
	s0 =	sld [smem:$0x3F9C]  }
0x30: {  	s3 =	sld [smem:$0x3F9F]  }
0x31: {  	[smem:$0x3FA8] =	sst s10  }
0x32: {  	s10 =	sld [smem:$0x3FA6];
	_ =	sdelay $0x3  }
0x33: {  	p0 =	seq.s32 s10, $0x1;
	s10 =	sld [smem:$0x3FA8];
	_ =	sdelay $0x3  }
0x34: {  	[smem:$0x3FA8] =	sst s10  }
0x35: {  	s10 =	sld [smem:$0x3FA7];
	_ =	sdelay $0x3  }
0x36: {  	p1 =	seq.s32 s10, $0x1;
	s10 =	sld [smem:$0x3FA8];
	_ =	sdelay $0x3  }
0x37: {  	[smem:$0x3FA8] =	sst s10  }
0x38: {  	s10 =	sld [smem:$0x3FA9]  }
0x39: {  	_ = 	snop;
	(pc) =	sbr.ind lr, $3  }
0x3a: {  	_ = 	snop  }
0x3b: {  	_ = 	snop  }
0x3c: {  	p2 =	seq.s32 s10, $0x1;
	s10 =	sld [smem:$0x3FA8]  }
0x3d: {  	_ =	shalt  }
0x3e: {  	_ =	shalt  }
0x3f: {  	_ =	shalt  }
0x40: {  	_ =	shalt  }
0x41: {  	_ =	shalt  }
0x42: {  	_ =	shalt  }
0x43: {  	_ =	shalt  }
0x44: {  	_ =	shalt  }
0x45: {  	_ =	shalt  }
0x46: {  	_ =	shalt  }
0x47: {  	_ =	shalt  }
0x48: {  	_ =	shalt  }
0x49: {  	_ =	shalt  }
0x4a: {  	_ =	shalt  }
0x4b: {  	_ =	shalt  }
0x4c: {  	_ =	shalt  }
0x4d: {  	_ =	shalt  }
0x4e: {  	_ =	shalt  }
0x4f: {  	_ =	shalt  }
0x50: {  	_ =	shalt  }
0x51: {  	_ =	shalt  }
0x52: {  	_ =	shalt  }
0x53: {  	_ =	shalt  }
0x54: {  	_ =	shalt  }
0x55: {  	_ =	shalt  }
0x56: {  	_ =	shalt  }
0x57: {  	_ =	shalt  }
0x58: {  	_ =	shalt  }
0x59: {  	_ =	shalt  }
0x5a: {  	_ =	shalt  }
0x5b: {  	_ =	shalt  }
0x5c: {  	_ =	shalt  }
0x5d: {  	_ =	shalt  }
0x5e: {  	_ =	shalt  }
0x5f: {  	_ =	shalt  }
0x60: {  	_ =	shalt  }
0x61: {  	_ =	shalt  }
0x62: {  	_ =	shalt  }
0x63: {  	_ =	shalt  }
0x64: {  	_ =	shalt  }
0x65: {  	_ =	shalt  }
0x66: {  	_ =	shalt  }
0x67: {  	_ =	shalt  }
0x68: {  	_ =	shalt  }
0x69: {  	_ =	shalt  }
0x6a: {  	_ =	shalt  }
0x6b: {  	_ =	shalt  }
0x6c: {  	_ =	shalt  }
0x6d: {  	_ =	shalt  }
0x6e: {  	_ =	shalt  }
0x6f: {  	_ =	shalt  }
0x70: {  	_ =	shalt  }
0x71: {  	_ =	shalt  }
0x72: {  	_ =	shalt  }
0x73: {  	_ =	shalt  }
0x74: {  	_ =	shalt  }
0x75: {  	_ =	shalt  }
0x76: {  	_ =	shalt  }
0x77: {  	_ =	shalt  }
0x78: {  	_ =	shalt  }
0x79: {  	_ =	shalt  }
0x7a: {  	_ =	shalt  }
0x7b: {  	_ =	shalt  }
0x7c: {  	_ =	shalt  }
0x7d: {  	_ =	shalt  }
0x7e: {  	_ =	shalt  }
0x7f: {  	_ =	shalt  }
0x80: {  	_ =	shalt  }
0x81: {  	_ =	shalt  }
0x82: {  	_ =	shalt  }
0x83: {  	_ =	shalt  }
0x84: {  	_ =	shalt  }
0x85: {  	_ =	shalt  }
0x86: {  	_ =	shalt  }
0x87: {  	_ =	shalt  }
.Lfunc_end0:
.L_simem_size_0:
called_computation.1_lowered:
.L_overlay_start_0:
0x88: {  	s2 =	sld [smem:$0x3FD9]  }
0x89: {  	s3 =	sld [smem:$0x3FFE];
	_ =	sdelay $0x1  }
0x8a: {  	s1 =	srdreg.scid  }
0x8b: {  	s0 =	sand.u32 $0x1, s1  }
0x8c: {  	s16 =	sshll.u32 s0, $0xA;
	s2 =	sadd.s32 s3, s2  }
0x8d: {  	s2 =	sadd.s32 s2, s16  }
0x8e: {  	[smem:$0x3FB4] =	sst s2  }
0x8f: {  	_ = 	snop  }
0x90: {  	(tm) =	ssettm $0x1  }
0x91: {  	s17 =	sld [smem:$0x3FFB];
	_ =	sdelay $0x3  }
0x92: {  	_ =	strace s17  }
0x93: {  	s2 =	sld [smem:$0x3FFC];
	_ =	sdelay $0x3  }
0x94: {  	_ =	strace s2  }
0x95: {  	s2 =	sld [smem:$0x3FFD];
	_ =	sdelay $0x3  }
0x96: {  	_ =	strace s2  }
0x97: {  	_ =	strace $0x8FFFFFFF  }
0x98: {  	s18 =	sld [smem:$0x3FDB];
	_ =	sdelay $0x1  }
0x99: {  	s19 =	simm.s32 $_scs_section_size  }
0x9a: {  	s4 =	simm.s32 $_size__tile_overlayer_lowered;
	s5 =	simm.s32 $_tile_overlayer_lowered  }
0x9b: {  	s22 =	simm.s32 $0x1BFF;
	s21 =	sshll.u32 s5, $0x1;
	s2 =	sadd.s32 s19, s18  }
0x9c: {  	s6 =	simm.s32 $0x0;
	s20 =	sshll.u32 s4, $0x1;
	s4 =	sadd.s32 s21, s2  }
0x9d: {  	[timem:s6], [sflag:s22] =	dma.local [hbm:s4], s20  }
0x9e: {  	_ =	swait.ge [sflag:s22], s20  }
0x9f: {  	s3 =	ssub.s32 $0x0, s20;
	[sflag:s22] =	ssyncset.done $0x0  }
0xa0: {  	[sflag:s22] =	ssyncadd.s32 s3;
	_ =	sdelay $0x1  }
0xa1: {  	s23 =	simm.s32 $0x1B8B  }
0xa2: {  	_ =	swait.ge [sflag:s23], $0x1  }
0xa3: {  	[sflag:s23] =	ssyncset.done $0x0  }
0xa4: {  	s25 =	simm.s32 $0x1B8E;
	s24 =	sld [smem:$0x3FFE];
	[sflag:s23] =	ssyncadd.s32 $0xFFFFFFFF  }
0xa5: {  	s26 =	simm.s32 $execute0_lowered;
	[smem:$0x3FD2] =	sst s25  }
0xa6: {  	s4 =	sshll.u32 s26, $0x1;
	_ =	strace $0x80000049;
	[dreg:$0x1] =	wrdreg $0xFFFFFFFF  }
0xa7: {  	s28 =	simm.s32 $_size_execute0_lowered;
	s2 =	sadd.s32 s2, s4;
	[dreg:$0x0] =	wrdreg $0x0  }
0xa8: {  	s4 =	sshll.u32 s28, $0x1;
	[dreg:$0x2] =	wrdreg s2  }
0xa9: {  	[dreg:$0x3] =	wrdreg s4  }
0xaa: {  	[dreg:$0x4] =	wrdreg $0xC0  }
0xab: {  	_ =	task [dreg:s6], $0x5FFFF  }
0xac: {  	[dreg:$0x1] =	wrdreg $0xFFFFFFFF  }
0xad: {  	[dreg:$0x0] =	wrdreg $0x60  }
0xae: {  	[dreg:$0x2] =	wrdreg s24  }
0xaf: {  	[dreg:$0x3] =	wrdreg $0x3F000  }
0xb0: {  	[dreg:$0x4] =	wrdreg $0x9  }
0xb1: {  	_ =	task.clear_ibuf [dreg:s6], $0x5FFFF;
	_ =	strace $0x90000049  }
0xb2: {  	s29 =	simm.s32 $0x9;
	_ =	strace $0x8000004B  }
0xb3: {  	_ =	swait.ge [sflag:s29], $0x1  }
0xb4: {  	[sflag:s29] =	ssyncadd.s32 $0xFFFFFFFF  }
0xb5: {  	_ =	strace $0x9000004B  }
0xb6: {  	_ =	sfence  }
0xb7: {  	s30 =	sld [smem:$0x0];
	_ =	sdelay $0x2  }
0xb8: {  	s31 =	sshll.u32 s1, $0xD;
	s1 =	sshrl.u32 s1, $0x2  }
0xb9: {  	s3 =	sand.u32 $0x4000, s31;
	s1 =	sadd.s32 s1, s30  }
0xba: {  	s0 =	sor.u32 s3, s0;
	s1 =	sshll.u32 s1, $0x11  }
0xbb: {  	s0 =	sor.u32 s1, s0  }
0xbc: {  	s0 =	sadd.s32 $0x8F2B, s0  }
0xbd: {  	[sflag:s0] =	ssyncadd.remote.s32 $0x1  }
0xbe: {  	_ =	sfence.sel $0xFFFF  }
0xbf: {  	[dreg:$0x0] =	wrdreg $0xFFFFFFFF;
	(pc) =	sbr.abs _section_cstart, $3  }
0xc0: {  	[dreg:$0x1] =	wrdreg $0xFFFFFFFF  }
0xc1: {  	_ =	task.clear_ibuf [dreg:s6], $0x2FFFF;
	_ =	strace $0x9FFFFFFF  }
0xc2: {  	(tm) =	ssettm $0x7FFFFFFF  }
0xc3: {  	_ =	shalt  }
tec
execute0_lowered:
.L_overlay_start_1:
0x0: {  	(tag) =	ssettag $0x1  }
0x1: {  	s0 =	rddreg [dreg:$0x0]  }
0x2: {  	s11 =	rddreg [dreg:$0x1];
	s2 =	simm.s32 $0x0  }
0x3: {  	s1 =	srdreg.scid;
	s3 =	stileid.u32;
	s16 =	simm.s32 $0x2  }
0x4: {  	s17 =	simm.s32 $0x1800;
	s18 =	simm.s32 $0x2100;
	s19 =	simm.s32 $0x3600  }
0x5: {  	s20 =	simm.s32 $0x1;
	s28 =	simm.s32 $0xF810;
	s29 =	simm.s32 $0x10010  }
0x6: {  	s30 =	simm.s32 $0x10810;
	s31 =	simm.s32 $0x11010;
	[smem:$0x7FF] =	sst s2  }
0x7: {  	s1 =	sand.u32 $0x1, s1;
	s4 =	sshll.u32 s3, $0x1;
	s5 =	sadd.s32 $0x1CA00, s0  }
0x8: {  	s21 =	sadd.s32 $0x1C800, s0;
	_ =	strace $0x8000004A;
	[dreg:$0x3] =	wrdreg s5  }
0x9: {  	s22 =	sadd.s32 $0x7CE00, s0;
	s6 =	sadd.s32 $0x7D000, s0;
	[dreg:$0x4] =	wrdreg s21  }
0xa: {  	s7 =	sadd.s32 $0x4800, s0;
	s9 =	sadd.s32 $0x1CC00, s0;
	[dreg:$0x5] =	wrdreg s22  }
0xb: {  	s24 =	sadd.s32 $0x1D000, s0;
	s25 =	sadd.s32 $0x1CE00, s0;
	[dreg:$0x6] =	wrdreg s9  }
0xc: {  	s12 =	sadd.s32 $0x7D100, s0;
	p0 =	sne.s32 s3, $0x0;
	[dreg:$0x7] =	wrdreg s24  }
0xd: {  	s3 =	simm.s32 $0x4810;
	s4 =	sor.u32 s1, s4;
	[dreg:$0x8] =	wrdreg s25  }
0xe: {  	s26 =	ssub.s32 $0x2, s1;
	p1 =	sne.s32 s1, $0x0;
	s1 =	simm.s32 $0x3F90  }
0xf: {  	s21 =	simm.s32 $0x4010;
	s22 =	simm.s32 $0xD010;
	s23 =	smul.u32 $0x1200, s4  }
0x10: {  	s24 =	simm.s32 $0xE010;
	s8 =	smul.u32 $0x900, s4;
	s10 =	sshrl.u32 s26, $0x1  }
0x11: {  	s25 =	simm.s32 $0xE810;
	s4 =	smul.u32 $0x120, s4;
	s9 =	ssub.s32 s26, s10  }
.Ltmp0:
0x12: {  	s10 =	simm.s32 $0xC810;
	s26 =	simm.s32 $0xF010;
	(pc) =	sbr.rel .LBB2_1-.Ltmp0, $4  }
0x13: {  	s5 =	sadd.s32 s23, s0;
	s8 =	sadd.s32 s8, s0;
	s4 =	sshrl.u32 s4, $0x2  }
0x14: {  	v0 =	vlaneseq.u32;
	s15 =	smax.u32 s9, $0x1;
	s23 =	simm.s32 $0xD810;
	s0 =	simm.s32 $0x0  }
0x15: {  	vm0 =	vmmov $0xffff;
	v2 =	vshrl.u32 v0, $0x3;
	s11 =	sadd.s32 s4, s11;
	s13 =	sadd.s32 $0x1D200, s5;
	s14 =	sadd.s32 $0x41200, s8  }
0x16: {  	v1 =	vand.u32 $0x7, v0;
	v3 =	vor.u32 $0x8, v0;
	v2 =	vmul.u32 $0x8, v2;
	s4 =	simm.s32 $0x5010;
	s5 =	simm.s32 $0x5810;
	s8 =	simm.s32 $0x6010  }
.LBB2_5:
0x17: {  	[bflag:$0x0] =	sbarrier.arrive $0xFFFF  }
0x18: {  	[tilespmem:s1], [sflag:$0x2] =	stream.linear.gather [spmem:s11], $0x48, $0x38;
	[tilespmem:$0x11810] =	vst v63  }
0x19: {  	_ =	swait.ge [sflag:s16], $0x48  }
0x1a: {  	[sflag:s16] =	ssyncset.done $0x0  }
0x1b: {  	[sflag:s16] =	ssyncadd.s32 $0xFFFFFFB8  }
0x1c: {  	v4 =	vld [tilespmem:$0x3F90];
	_ =	sdelay $0x4  }
0x1d: {  	v5 =	vshll.u32 v4, $0x2  }
0x1e: {  	v4 =	vand.u32 $0x7, v4;
	v5 =	vand.u32 $0xFFFFFFE0, v5  }
0x1f: {  	v4 =	vor.u32 v4, v5  }
0x20: {  	v5 =	vperm.xlane v4, v1;
	_ =	sdelay $0x1  }
0x21: {  	v5 =	vadd.s32 v2, v5;
	_ =	sdelay $0x1  }
0x22: {  	v4 =	vperm.xlane v4, v3;
	_ =	sdelay $0x1  }
0x23: {  	v4 =	vadd.s32 v2, v4  }
0x24: {  	[tilespmem:s21], [sflag:$0x1] =	stream.indirect_vreg.gather [hbm4b:s6+s2], $0x80, v5, vm0, $0xb8;
	[tilespmem:$0x11810] =	vst v63  }
0x25: {  	_ = 	snop  }
0x26: {  	[tilespmem:s3], [sflag:$0x1] =	stream.indirect_vreg.gather [hbm4b:s12+s2], $0x80, v5, vm0, $0xb8;
	[tilespmem:$0x11810] =	vst v63  }
0x27: {  	_ = 	snop  }
0x28: {  	[tilespmem:s4], [sflag:$0x1] =	stream.indirect_vreg.gather [hbm4b:s6+s2], $0x80, v4, vm0, $0xb8;
	[tilespmem:$0x11810] =	vst v63  }
0x29: {  	_ = 	snop  }
0x2a: {  	[tilespmem:s5], [sflag:$0x1] =	stream.indirect_vreg.gather [hbm4b:s12+s2], $0x80, v4, vm0, $0xb8;
	[tilespmem:$0x11810] =	vst v63  }
0x2b: {  	v4 =	vld [tilespmem:$0x3FA0];
	_ =	sdelay $0x4  }
0x2c: {  	v5 =	vshll.u32 v4, $0x2  }
0x2d: {  	v4 =	vand.u32 $0x7, v4;
	v5 =	vand.u32 $0xFFFFFFE0, v5  }
0x2e: {  	v4 =	vor.u32 v4, v5  }
0x2f: {  	v5 =	vperm.xlane v4, v1;
	_ =	sdelay $0x1  }
0x30: {  	v5 =	vadd.s32 v2, v5;
	_ =	sdelay $0x1  }
0x31: {  	v4 =	vperm.xlane v4, v3;
	_ =	sdelay $0x1  }
0x32: {  	v4 =	vadd.s32 v2, v4  }
0x33: {  	[tilespmem:s8], [sflag:$0x1] =	stream.indirect_vreg.gather [hbm4b:s6+s2], $0x80, v5, vm0, $0xb8;
	[tilespmem:$0x11810] =	vst v63  }
0x34: {  	s9 =	simm.s32 $0x6810  }
0x35: {  	[tilespmem:s9], [sflag:$0x1] =	stream.indirect_vreg.gather [hbm4b:s12+s2], $0x80, v5, vm0, $0xb8;
	[tilespmem:$0x11810] =	vst v63  }
0x36: {  	s9 =	simm.s32 $0x7010  }
0x37: {  	[tilespmem:s9], [sflag:$0x1] =	stream.indirect_vreg.gather [hbm4b:s6+s2], $0x80, v4, vm0, $0xb8;
	[tilespmem:$0x11810] =	vst v63  }
0x38: {  	s9 =	simm.s32 $0x7810  }
0x39: {  	[tilespmem:s9], [sflag:$0x1] =	stream.indirect_vreg.gather [hbm4b:s12+s2], $0x80, v4, vm0, $0xb8;
	[tilespmem:$0x11810] =	vst v63  }
0x3a: {  	v4 =	vld [tilespmem:$0x3FB0];
	_ =	sdelay $0x4  }
0x3b: {  	v5 =	vshll.u32 v4, $0x2  }
0x3c: {  	v4 =	vand.u32 $0x7, v4;
	v5 =	vand.u32 $0xFFFFFFE0, v5  }
0x3d: {  	v4 =	vor.u32 v4, v5  }
0x3e: {  	v5 =	vperm.xlane v4, v1;
	_ =	sdelay $0x1  }
0x3f: {  	v5 =	vadd.s32 v2, v5;
	_ =	sdelay $0x1  }
0x40: {  	v4 =	vperm.xlane v4, v3;
	_ =	sdelay $0x1  }
0x41: {  	s9 =	simm.s32 $0x8010;
	v4 =	vadd.s32 v2, v4  }
0x42: {  	[tilespmem:s9], [sflag:$0x1] =	stream.indirect_vreg.gather [hbm4b:s6+s2], $0x80, v5, vm0, $0xb8;
	[tilespmem:$0x11810] =	vst v63  }
0x43: {  	s9 =	simm.s32 $0x8810  }
0x44: {  	[tilespmem:s9], [sflag:$0x1] =	stream.indirect_vreg.gather [hbm4b:s12+s2], $0x80, v5, vm0, $0xb8;
	[tilespmem:$0x11810] =	vst v63  }
0x45: {  	s9 =	simm.s32 $0x9010  }
0x46: {  	[tilespmem:s9], [sflag:$0x1] =	stream.indirect_vreg.gather [hbm4b:s6+s2], $0x80, v4, vm0, $0xb8;
	[tilespmem:$0x11810] =	vst v63  }
0x47: {  	s9 =	simm.s32 $0x9810  }
0x48: {  	[tilespmem:s9], [sflag:$0x1] =	stream.indirect_vreg.gather [hbm4b:s12+s2], $0x80, v4, vm0, $0xb8;
	[tilespmem:$0x11810] =	vst v63  }
0x49: {  	v4 =	vld [tilespmem:$0x3FC0];
	_ =	sdelay $0x4  }
0x4a: {  	v5 =	vshll.u32 v4, $0x2  }
0x4b: {  	v4 =	vand.u32 $0x7, v4;
	v5 =	vand.u32 $0xFFFFFFE0, v5  }
0x4c: {  	v4 =	vor.u32 v4, v5  }
0x4d: {  	v5 =	vperm.xlane v4, v1;
	_ =	sdelay $0x1  }
0x4e: {  	v5 =	vadd.s32 v2, v5;
	_ =	sdelay $0x1  }
0x4f: {  	v4 =	vperm.xlane v4, v3;
	_ =	sdelay $0x1  }
0x50: {  	s9 =	simm.s32 $0xA010;
	v4 =	vadd.s32 v2, v4  }
0x51: {  	[tilespmem:s9], [sflag:$0x1] =	stream.indirect_vreg.gather [hbm4b:s6+s2], $0x80, v5, vm0, $0xb8;
	[tilespmem:$0x11810] =	vst v63  }
0x52: {  	s9 =	simm.s32 $0xA810  }
0x53: {  	[tilespmem:s9], [sflag:$0x1] =	stream.indirect_vreg.gather [hbm4b:s12+s2], $0x80, v5, vm0, $0xb8;
	[tilespmem:$0x11810] =	vst v63  }
0x54: {  	s9 =	simm.s32 $0xB010  }
0x55: {  	[tilespmem:s9], [sflag:$0x1] =	stream.indirect_vreg.gather [hbm4b:s6+s2], $0x80, v4, vm0, $0xb8;
	[tilespmem:$0x11810] =	vst v63  }
0x56: {  	s9 =	simm.s32 $0xB810  }
0x57: {  	[tilespmem:s9], [sflag:$0x1] =	stream.indirect_vreg.gather [hbm4b:s12+s2], $0x80, v4, vm0, $0xb8;
	[tilespmem:$0x11810] =	vst v63  }
0x58: {  	v4 =	vld.msk [tilespmem:$0x3FD0], $0xff;
	_ =	sdelay $0x4  }
0x59: {  	v5 =	vshll.u32 v4, $0x2  }
0x5a: {  	v4 =	vand.u32 $0x7, v4;
	v5 =	vand.u32 $0xFFFFFFE0, v5  }
0x5b: {  	v4 =	vor.u32 v4, v5  }
0x5c: {  	v4 =	vperm.xlane v4, v1;
	_ =	sdelay $0x1  }
0x5d: {  	v4 =	vadd.s32 v2, v4;
	_ =	sdelay $0x3  }
0x5e: {  	s9 =	simm.s32 $0xC010  }
0x5f: {  	[tilespmem:s9], [sflag:$0x1] =	stream.indirect_vreg.gather [hbm4b:s6+s2], $0x80, v4, vm0, $0xb8;
	[tilespmem:$0x11810] =	vst v63  }
0x60: {  	_ = 	snop  }
0x61: {  	[tilespmem:s10], [sflag:$0x1] =	stream.indirect_vreg.gather [hbm4b:s12+s2], $0x80, v4, vm0, $0xb8;
	[tilespmem:$0x11810] =	vst v63  }
0x62: {  	_ =	swait.ge [sflag:s20], $0x9000  }
0x63: {  	[sflag:s20] =	ssyncset.done $0x0  }
0x64: {  	[sflag:s20] =	ssyncadd.s32 $0xFFFF7000  }
0x65: {  	[hbm4b:s13+s2] =	stream.linear.scatter [tilespmem:s21], [sflag:$0x2], $0x9000, $0x38;
	[tilespmem:$0x11810] =	vst v63  }
0x66: {  	_ =	swait.ge [sflag:s16], $0x9000  }
0x67: {  	[sflag:s16] =	ssyncset.done $0x0  }
0x68: {  	[sflag:s16] =	ssyncadd.s32 $0xFFFF7000  }
0x69: {  	v4 =	vld [tilespmem:$0x3F90];
	_ =	sdelay $0x4  }
0x6a: {  	v5 =	vshll.u32 v4, $0x1  }
0x6b: {  	v4 =	vand.u32 $0x7, v4;
	v5 =	vand.u32 $0xFFFFFFF0, v5  }
0x6c: {  	v4 =	vor.u32 v4, v5  }
0x6d: {  	v5 =	vperm.xlane v4, v1;
	_ =	sdelay $0x1  }
0x6e: {  	v4 =	vperm.xlane v4, v3;
	v5 =	vadd.s32 v2, v5;
	_ =	sdelay $0x1  }
0x6f: {  	v4 =	vadd.s32 v2, v4;
	_ =	sdelay $0x2  }
0x70: {  	[tilespmem:s22], [sflag:$0x1] =	stream.indirect_vreg.gather [hbm4b:s7+s2], $0x80, v5, vm0, $0xb8;
	[tilespmem:$0x11810] =	vst v63  }
0x71: {  	_ = 	snop  }
0x72: {  	[tilespmem:s23], [sflag:$0x1] =	stream.indirect_vreg.gather [hbm4b:s7+s2], $0x80, v4, vm0, $0xb8;
	[tilespmem:$0x11810] =	vst v63  }
0x73: {  	v4 =	vld [tilespmem:$0x3FA0];
	_ =	sdelay $0x4  }
0x74: {  	v5 =	vshll.u32 v4, $0x1  }
0x75: {  	v4 =	vand.u32 $0x7, v4;
	v5 =	vand.u32 $0xFFFFFFF0, v5  }
0x76: {  	v4 =	vor.u32 v4, v5  }
0x77: {  	v5 =	vperm.xlane v4, v1;
	_ =	sdelay $0x1  }
0x78: {  	v4 =	vperm.xlane v4, v3;
	v5 =	vadd.s32 v2, v5;
	_ =	sdelay $0x1  }
0x79: {  	v4 =	vadd.s32 v2, v4;
	_ =	sdelay $0x2  }
0x7a: {  	[tilespmem:s24], [sflag:$0x1] =	stream.indirect_vreg.gather [hbm4b:s7+s2], $0x80, v5, vm0, $0xb8;
	[tilespmem:$0x11810] =	vst v63  }
0x7b: {  	_ = 	snop  }
0x7c: {  	[tilespmem:s25], [sflag:$0x1] =	stream.indirect_vreg.gather [hbm4b:s7+s2], $0x80, v4, vm0, $0xb8;
	[tilespmem:$0x11810] =	vst v63  }
0x7d: {  	v4 =	vld [tilespmem:$0x3FB0];
	_ =	sdelay $0x4  }
0x7e: {  	v5 =	vshll.u32 v4, $0x1  }
0x7f: {  	v4 =	vand.u32 $0x7, v4;
	v5 =	vand.u32 $0xFFFFFFF0, v5  }
0x80: {  	v4 =	vor.u32 v4, v5  }
0x81: {  	v5 =	vperm.xlane v4, v1;
	_ =	sdelay $0x1  }
0x82: {  	v4 =	vperm.xlane v4, v3;
	v5 =	vadd.s32 v2, v5;
	_ =	sdelay $0x1  }
0x83: {  	v4 =	vadd.s32 v2, v4;
	_ =	sdelay $0x2  }
0x84: {  	[tilespmem:s26], [sflag:$0x1] =	stream.indirect_vreg.gather [hbm4b:s7+s2], $0x80, v5, vm0, $0xb8;
	[tilespmem:$0x11810] =	vst v63  }
0x85: {  	_ = 	snop  }
0x86: {  	[tilespmem:s28], [sflag:$0x1] =	stream.indirect_vreg.gather [hbm4b:s7+s2], $0x80, v4, vm0, $0xb8;
	[tilespmem:$0x11810] =	vst v63  }
0x87: {  	v4 =	vld [tilespmem:$0x3FC0];
	_ =	sdelay $0x4  }
0x88: {  	v5 =	vshll.u32 v4, $0x1  }
0x89: {  	v4 =	vand.u32 $0x7, v4;
	v5 =	vand.u32 $0xFFFFFFF0, v5  }
0x8a: {  	v4 =	vor.u32 v4, v5  }
0x8b: {  	v5 =	vperm.xlane v4, v1;
	_ =	sdelay $0x1  }
0x8c: {  	v4 =	vperm.xlane v4, v3;
	v5 =	vadd.s32 v2, v5;
	_ =	sdelay $0x1  }
0x8d: {  	v4 =	vadd.s32 v2, v4;
	_ =	sdelay $0x2  }
0x8e: {  	[tilespmem:s29], [sflag:$0x1] =	stream.indirect_vreg.gather [hbm4b:s7+s2], $0x80, v5, vm0, $0xb8;
	[tilespmem:$0x11810] =	vst v63  }
0x8f: {  	_ = 	snop  }
0x90: {  	[tilespmem:s30], [sflag:$0x1] =	stream.indirect_vreg.gather [hbm4b:s7+s2], $0x80, v4, vm0, $0xb8;
	[tilespmem:$0x11810] =	vst v63  }
0x91: {  	v4 =	vld.msk [tilespmem:$0x3FD0], $0xff;
	_ =	sdelay $0x4  }
0x92: {  	v5 =	vshll.u32 v4, $0x1  }
0x93: {  	v4 =	vand.u32 $0x7, v4;
	v5 =	vand.u32 $0xFFFFFFF0, v5  }
0x94: {  	v4 =	vor.u32 v4, v5  }
0x95: {  	v4 =	vperm.xlane v4, v1;
	_ =	sdelay $0x1  }
0x96: {  	v4 =	vadd.s32 v2, v4;
	_ =	sdelay $0x4  }
0x97: {  	[tilespmem:s31], [sflag:$0x1] =	stream.indirect_vreg.gather [hbm4b:s7+s2], $0x80, v4, vm0, $0xb8;
	[tilespmem:$0x11810] =	vst v63  }
0x98: {  	s0 =	sadd.s32 $0x1, s0;
	_ =	swait.ge [sflag:s20], $0x4800  }
0x99: {  	p2 =	sne.s32 s0, s15;
	[sflag:s20] =	ssyncset.done $0x0  }
.Ltmp1:
0x9a: {  	[sflag:s20] =	ssyncadd.s32 $0xFFFFB800;
	(pc) =	sbr.rel @!p2 .LBB2_6-.Ltmp1, $4  }
0x9b: {  	[hbm4b:s14+s2] =	stream.linear.scatter [tilespmem:s22], [sflag:$0x2], $0x4800, $0x38;
	[tilespmem:$0x11810] =	vst v63  }
0x9c: {  	_ =	swait.ge [sflag:s16], $0x4800  }
0x9d: {  	[sflag:s16] =	ssyncset.done $0x0  }
0x9e: {  	[sflag:s16] =	ssyncadd.s32 $0xFFFFB800  }
.LBB2_1:
.Ltmp2:
0x9f: {  	(pc) =	sbr.rel @p0 .LBB2_5-.Ltmp2, $1  }
0xa0: {  	_ =	sdelay $0x3  }
0xa1: {  	s1 =	simm.s32 $0x0;
	s3 =	rddreg [dreg:$0x3]  }
0xa2: {  	[tilespmem:s1], [sflag:$0x2] =	stream.linear.gather [hbm4b:s3+s1], $0xC00, $0x38;
	[tilespmem:$0x11810] =	vst v63  }
0xa3: {  	_ =	swait.ge [sflag:s16], $0xC00  }
0xa4: {  	[sflag:s16] =	ssyncset.done $0x0  }
0xa5: {  	s3 =	simm.s32 $0xC00;
	s4 =	rddreg [dreg:$0x4];
	[sflag:s16] =	ssyncadd.s32 $0xFFFFF400  }
0xa6: {  	[tilespmem:s3], [sflag:$0x2] =	stream.linear.gather [hbm4b:s4+s1], $0xC00, $0x38;
	[tilespmem:$0x11810] =	vst v63  }
0xa7: {  	_ =	swait.ge [sflag:s16], $0xC00  }
0xa8: {  	[sflag:s16] =	ssyncset.done $0x0  }
0xa9: {  	s4 =	simm.s32 $0x2A00;
	s5 =	rddreg [dreg:$0x5];
	[sflag:s16] =	ssyncadd.s32 $0xFFFFF400  }
0xaa: {  	[tilespmem:s4], [sflag:$0x2] =	stream.linear.gather [hbm4b:s5+s1], $0xC00, $0x38;
	[tilespmem:$0x11810] =	vst v63  }
0xab: {  	_ =	swait.ge [sflag:s16], $0xC00  }
0xac: {  	[sflag:s16] =	ssyncset.done $0x0  }
0xad: {  	[sflag:s16] =	ssyncadd.s32 $0xFFFFF400  }
0xae: {  	v4 =	vld [tilespmem:s1+$0x0];
	_ =	sdelay $0x4  }
0xaf: {  	vm1 =	vlt.s32 v4, $0x900;
	_ =	sdelay $0x4  }
0xb0: {  	v5 =	vor.u32 s1, v0  }
0xb1: {  	[tilespmem:v4+s17+$0x0] =	vst.idx.msk vm1, v5  }
0xb2: {  	v5 =	vld [tilespmem:s3+$0x0];
	_ =	sdelay $0x4  }
0xb3: {  	[tilespmem:v4+s18+$0x0] =	vst.idx.msk vm1, v5  }
0xb4: {  	s5 =	simm.s32 $0x10;
	v5 =	vld [tilespmem:s4+$0x0]  }
.LBB2_3:
0xb5: {  	_ =	sdelay $0x3  }
0xb6: {  	s1 =	sadd.s32 $0x10, s1;
	s3 =	sadd.s32 $0x10, s3;
	s4 =	sadd.s32 $0x10, s4;
	[tilespmem:v4+s19+$0x0] =	vst.idx.msk vm1, v5  }
0xb7: {  	p2 =	sne.s32 s5, $0xBF0;
	s8 =	smov.u32 s5;
	s5 =	sadd.s32 $0x10, s5;
	v4 =	vld [tilespmem:s1+$0x0]  }
0xb8: {  	_ =	sdelay $0x3  }
0xb9: {  	vm1 =	vlt.s32 v4, $0x900;
	_ =	sdelay $0x4  }
0xba: {  	v5 =	vor.u32 s8, v0  }
0xbb: {  	[tilespmem:v4+s17+$0x0] =	vst.idx.msk vm1, v5  }
0xbc: {  	v5 =	vld [tilespmem:s3+$0x0];
	_ =	sdelay $0x1  }
.Ltmp3:
0xbd: {  	(pc) =	sbr.rel @p2 .LBB2_3-.Ltmp3, $3  }
0xbe: {  	_ =	sdelay $0x1  }
0xbf: {  	[tilespmem:v4+s18+$0x0] =	vst.idx.msk vm1, v5  }
0xc0: {  	v5 =	vld [tilespmem:s4+$0x0]  }
0xc1: {  	_ =	sdelay $0x4  }
0xc2: {  	s1 =	rddreg [dreg:$0x1];
	[tilespmem:v4+s19+$0x0] =	vst.idx.msk vm1, v5  }
0xc3: {  	[spmem:s1] =	stream.linear.scatter [tilespmem:s17], [sflag:$0x2], $0x900, $0x38;
	[tilespmem:$0x11810] =	vst v63  }
0xc4: {  	_ =	swait.ge [sflag:s16], $0x900  }
0xc5: {  	s3 =	simm.s32 @!p1 $0x1800;
	[sflag:s16] =	ssyncset.done $0x0  }
0xc6: {  	s1 =	simm.s32 @!p1 $0x0;
	s4 =	rddreg [dreg:$0x6];
	[sflag:s16] =	ssyncadd.s32 $0xFFFFF700  }
0xc7: {  	[hbm4b:s4+s1] =	stream.linear.scatter @!p1 [tilespmem:s3], [sflag:$0x2], $0x900, $0x38;
	[tilespmem:$0x11810] =	vst v63  }
0xc8: {  	s3 =	simm.s32 @!p1 $0x2  }
0xc9: {  	_ =	swait.ge @!p1 [sflag:s3], $0x900  }
0xca: {  	[sflag:s3] =	ssyncset.done @!p1 $0x0  }
0xcb: {  	s4 =	simm.s32 @!p1 $0x2100;
	s5 =	rddreg [dreg:$0x7];
	[sflag:s3] =	ssyncadd.s32 @!p1 $0xFFFFF700  }
0xcc: {  	[hbm4b:s5+s1] =	stream.linear.scatter @!p1 [tilespmem:s4], [sflag:$0x2], $0x900, $0x38;
	[tilespmem:$0x11810] =	vst v63  }
0xcd: {  	_ =	swait.ge @!p1 [sflag:s3], $0x900  }
0xce: {  	s4 =	simm.s32 @!p1 $0x3600;
	[sflag:s3] =	ssyncset.done @!p1 $0x0  }
.Ltmp4:
0xcf: {  	s5 =	rddreg [dreg:$0x8];
	[sflag:s3] =	ssyncadd.s32 @!p1 $0xFFFFF700;
	(pc) =	sbr.rel .LBB2_5-.Ltmp4, $4  }
0xd0: {  	[hbm4b:s5+s1] =	stream.linear.scatter @!p1 [tilespmem:s4], [sflag:$0x2], $0x900, $0x38;
	[tilespmem:$0x11810] =	vst v63  }
0xd1: {  	s8 =	simm.s32 $0x6010;
	_ =	swait.ge @!p1 [sflag:s3], $0x900  }
0xd2: {  	s1 =	simm.s32 $0x3F90;
	s4 =	simm.s32 $0x5010;
	[sflag:s3] =	ssyncset.done @!p1 $0x0  }
0xd3: {  	s5 =	simm.s32 $0x5810;
	[sflag:s3] =	ssyncadd.s32 @!p1 $0xFFFFF700;
	s3 =	simm.s32 $0x4810  }
.LBB2_6:
0xd4: {  	_ =	sfence.sel $0x180000  }
0xd5: {  	[bflag:$0x0] =	sbarrier.arrive $0xFFFF  }
0xd6: {  	_ =	strace $0x9000004A  }
0xd7: {  	[bflag:$0x2] =	sbarrier.arrive $0xFFFF  }
0xd8: {  	s0 =	rddreg [dreg:$0x2]  }
0xd9: {  	s0 =	sadd.s32 @!p0 $0x100000, s0  }
0xda: {  	[sflag:s0] =	ssyncadd.tile.s32 @!p0 $0x1;
	_ =	shalt  }
.Lfunc_end2:
_tile_overlayer_lowered:
.L_overlay_start_2:
0xdb: {  	(tag) =	ssettag $0x2  }
0xdc: {  	s0 =	rddreg [dreg:$0x0];
	s2 =	stileid.u32  }
0xdd: {  	s1 =	rddreg [dreg:$0x1];
	p0 =	sne.s32 s2, $0x0  }
0xde: {  	s3 =	rddreg [dreg:$0x2];
	[bflag:$0x3] =	sbarrier.arrive $0xFFFF;
	s2 =	simm.s32 @!p0 $0x1C02  }
0xdf: {  	[timem:s3], [sflag:s2] =	dma.local @!p0 [hbm:s0], s1  }
0xe0: {  	s0 =	simm.s32 @!p0 $0x2  }
0xe1: {  	_ =	swait.ge @!p0 [sflag:s0], s1  }
0xe2: {  	s1 =	ssub.s32 @!p0 $0x0, s1;
	[sflag:s0] =	ssyncset.done @!p0 $0x0  }
0xe3: {  	[sflag:s0] =	ssyncadd.s32 @!p0 s1  }
0xe4: {  	[bflag:$0x3] =	sbarrier.arrive $0xFFFF  }
0xe5: {  	_ =	shalt  }

// kernel: kernel.26.cloned.1.call-start
scs
__scs_entry_jumppad:
0x0: {  	(pc) =	sbr.rel $0x88, $3  }
0x1: {  	(tag) =	ssettag $0x0;
	lr =	simm.s32 $0x1  }
0x2: {  	[smem:$0x3F8D] =	sst lr;
	_ =	strace $0xD0000000  }
0x3: {  	_ = 	snop  }
0x4: {  	_ = 	snop  }
0x5: {  	_ = 	snop  }
0x6: {  	_ = 	snop  }
0x7: {  	_ = 	snop  }
__scs_overlays_trampoline_lowered:
0x8: {  	[smem:$0x3F9C] =	sst s0  }
0x9: {  	[smem:$0x3F9D] =	sst s1  }
0xa: {  	[smem:$0x3F9E] =	sst s2  }
0xb: {  	[smem:$0x3F9F] =	sst s3  }
0xc: {  	[smem:$0x3FA0] =	sst s4  }
0xd: {  	[smem:$0x3FA1] =	sst s5  }
0xe: {  	[smem:$0x3FA2] =	sst s6  }
0xf: {  	[smem:$0x3FA3] =	sst s7  }
0x10: {  	[smem:$0x3FA4] =	sst s8  }
0x11: {  	[smem:$0x3FA5] =	sst s9;
	s0 =	simm.s32 @!p0 $0x0  }
0x12: {  	s1 =	sld [smem:$0x3F8B];
	s0 =	simm.s32 @p0 $0x1  }
0x13: {  	[smem:$0x3FA6] =	sst s0;
	s0 =	simm.s32 @!p1 $0x0  }
0x14: {  	s2 =	sld [smem:$0x3F8A];
	s0 =	simm.s32 @p1 $0x1  }
0x15: {  	[smem:$0x3FA7] =	sst s0;
	s0 =	simm.s32 @!p2 $0x0  }
0x16: {  	s3 =	sld [smem:$0x3FDB];
	s0 =	simm.s32 @p2 $0x1  }
0x17: {  	s4 =	simm.s32 $0x1BF5;
	[smem:$0x3FA9] =	sst s0  }
0x18: {  	s0 =	sld [smem:$0x3F8C];
	_ =	swait.ge [sflag:s4], $0x0  }
0x19: {  	s7 =	sld [smem:$0x3F8D]  }
0x1a: {  	s8 =	sadd.s32 $0xFFFFE003, lr  }
0x1b: {  	s9 =	sadd.s32 $0xFFFFFEF7, lr;
	s5 =	simm.s32 $0xFFFFFFFF;
	p2 =	slt.u32 s8, $0xFFFFF086  }
0x1c: {  	p1 =	slt.u32 s9, $0xF7A;
	s5 =	simm.s32 @!p2 $0x0  }
0x1d: {  	s5 =	simm.s32 @p1 $0x1;
	p0 =	seq.s32 s7, s2  }
0x1e: {  	s7 =	smul.u32 @!p0 $0xF7A, s2;
	p2 =	seq.s32 @!p0 s5, $0x0  }
0x1f: {  	s9 =	smul.u32 $0xF7A, s1;
	s8 =	simm.s32 @!p0 $0x1BF5;
	p2 =	por !p2, p0  }
0x20: {  	[sflag:s8] =	ssyncset.s32 @!p0 $0xFFFFF086;
	s6 =	sadd.s32 @!p0 s3, s7;
	s7 =	simm.s32 @!p0 $0x108  }
0x21: {  	s3 =	sadd.s32 s3, s9;
	s6 =	sadd.s32 @!p0 $0x88, s6;
	s7 =	simm.s32 @p2 $0x1082  }
0x22: {  	[simem:s7], [sflag:s8] =	dma.local @!p0 [hbm:s6], $0xF7A  }
0x23: {  	s9 =	sor.u32 $0xD0000000, s2;
	s6 =	simm.s32 $0x108;
	_ =	swait.ge @!p0 [sflag:s8], $0x0  }
0x24: {  	s3 =	sadd.s32 $0x88, s3;
	s6 =	simm.s32 @!p1 $0x1082;
	[sflag:s4] =	ssyncset.s32 $0xFFFFF086  }
0x25: {  	[simem:s6], [sflag:s4] =	dma.local [hbm:s3], $0xF7A  }
0x26: {  	[smem:$0x3F8D] =	sst s1;
	(tag) =	ssettag s2;
	_ =	strace s9  }
0x27: {  	s1 =	sld [smem:$0x3F9D]  }
0x28: {  	s2 =	sld [smem:$0x3F9E]  }
0x29: {  	s4 =	sld [smem:$0x3FA0]  }
0x2a: {  	p0 =	seq.s32 s5, $0x0;
	s5 =	sld [smem:$0x3FA1]  }
0x2b: {  	s6 =	sld [smem:$0x3FA2]  }
0x2c: {  	s7 =	sld [smem:$0x3FA3]  }
0x2d: {  	s3 =	simm.s32 $0x108;
	s8 =	sld [smem:$0x3FA4]  }
0x2e: {  	s3 =	simm.s32 @!p0 $0x1082;
	s9 =	sld [smem:$0x3FA5]  }
0x2f: {  	lr =	sadd.s32 s0, s3;
	s0 =	sld [smem:$0x3F9C]  }
0x30: {  	s3 =	sld [smem:$0x3F9F]  }
0x31: {  	[smem:$0x3FA8] =	sst s10  }
0x32: {  	s10 =	sld [smem:$0x3FA6];
	_ =	sdelay $0x3  }
0x33: {  	p0 =	seq.s32 s10, $0x1;
	s10 =	sld [smem:$0x3FA8];
	_ =	sdelay $0x3  }
0x34: {  	[smem:$0x3FA8] =	sst s10  }
0x35: {  	s10 =	sld [smem:$0x3FA7];
	_ =	sdelay $0x3  }
0x36: {  	p1 =	seq.s32 s10, $0x1;
	s10 =	sld [smem:$0x3FA8];
	_ =	sdelay $0x3  }
0x37: {  	[smem:$0x3FA8] =	sst s10  }
0x38: {  	s10 =	sld [smem:$0x3FA9]  }
0x39: {  	_ = 	snop;
	(pc) =	sbr.ind lr, $3  }
0x3a: {  	_ = 	snop  }
0x3b: {  	_ = 	snop  }
0x3c: {  	p2 =	seq.s32 s10, $0x1;
	s10 =	sld [smem:$0x3FA8]  }
0x3d: {  	_ =	shalt  }
0x3e: {  	_ =	shalt  }
0x3f: {  	_ =	shalt  }
0x40: {  	_ =	shalt  }
0x41: {  	_ =	shalt  }
0x42: {  	_ =	shalt  }
0x43: {  	_ =	shalt  }
0x44: {  	_ =	shalt  }
0x45: {  	_ =	shalt  }
0x46: {  	_ =	shalt  }
0x47: {  	_ =	shalt  }
0x48: {  	_ =	shalt  }
0x49: {  	_ =	shalt  }
0x4a: {  	_ =	shalt  }
0x4b: {  	_ =	shalt  }
0x4c: {  	_ =	shalt  }
0x4d: {  	_ =	shalt  }
0x4e: {  	_ =	shalt  }
0x4f: {  	_ =	shalt  }
0x50: {  	_ =	shalt  }
0x51: {  	_ =	shalt  }
0x52: {  	_ =	shalt  }
0x53: {  	_ =	shalt  }
0x54: {  	_ =	shalt  }
0x55: {  	_ =	shalt  }
0x56: {  	_ =	shalt  }
0x57: {  	_ =	shalt  }
0x58: {  	_ =	shalt  }
0x59: {  	_ =	shalt  }
0x5a: {  	_ =	shalt  }
0x5b: {  	_ =	shalt  }
0x5c: {  	_ =	shalt  }
0x5d: {  	_ =	shalt  }
0x5e: {  	_ =	shalt  }
0x5f: {  	_ =	shalt  }
0x60: {  	_ =	shalt  }
0x61: {  	_ =	shalt  }
0x62: {  	_ =	shalt  }
0x63: {  	_ =	shalt  }
0x64: {  	_ =	shalt  }
0x65: {  	_ =	shalt  }
0x66: {  	_ =	shalt  }
0x67: {  	_ =	shalt  }
0x68: {  	_ =	shalt  }
0x69: {  	_ =	shalt  }
0x6a: {  	_ =	shalt  }
0x6b: {  	_ =	shalt  }
0x6c: {  	_ =	shalt  }
0x6d: {  	_ =	shalt  }
0x6e: {  	_ =	shalt  }
0x6f: {  	_ =	shalt  }
0x70: {  	_ =	shalt  }
0x71: {  	_ =	shalt  }
0x72: {  	_ =	shalt  }
0x73: {  	_ =	shalt  }
0x74: {  	_ =	shalt  }
0x75: {  	_ =	shalt  }
0x76: {  	_ =	shalt  }
0x77: {  	_ =	shalt  }
0x78: {  	_ =	shalt  }
0x79: {  	_ =	shalt  }
0x7a: {  	_ =	shalt  }
0x7b: {  	_ =	shalt  }
0x7c: {  	_ =	shalt  }
0x7d: {  	_ =	shalt  }
0x7e: {  	_ =	shalt  }
0x7f: {  	_ =	shalt  }
0x80: {  	_ =	shalt  }
0x81: {  	_ =	shalt  }
0x82: {  	_ =	shalt  }
0x83: {  	_ =	shalt  }
0x84: {  	_ =	shalt  }
0x85: {  	_ =	shalt  }
0x86: {  	_ =	shalt  }
0x87: {  	_ =	shalt  }
.Lfunc_end0:
.L_simem_size_0:
called_computation.2_lowered:
.L_overlay_start_0:
0x88: {  	s2 =	sld [smem:$0x3FD9]  }
0x89: {  	s3 =	sld [smem:$0x3FFE];
	_ =	sdelay $0x1  }
0x8a: {  	s1 =	srdreg.scid  }
0x8b: {  	s0 =	sand.u32 $0x1, s1  }
0x8c: {  	s16 =	sshll.u32 s0, $0xA;
	s2 =	sadd.s32 s3, s2  }
0x8d: {  	s2 =	sadd.s32 s2, s16  }
0x8e: {  	[smem:$0x3FB4] =	sst s2  }
0x8f: {  	_ = 	snop  }
0x90: {  	(tm) =	ssettm $0x1  }
0x91: {  	s17 =	sld [smem:$0x3FFB];
	_ =	sdelay $0x3  }
0x92: {  	_ =	strace s17  }
0x93: {  	s2 =	sld [smem:$0x3FFC];
	_ =	sdelay $0x3  }
0x94: {  	_ =	strace s2  }
0x95: {  	s2 =	sld [smem:$0x3FFD];
	_ =	sdelay $0x3  }
0x96: {  	_ =	strace s2  }
0x97: {  	_ =	strace $0x8FFFFFFF  }
0x98: {  	s18 =	sld [smem:$0x3FDB];
	_ =	sdelay $0x1  }
0x99: {  	s19 =	simm.s32 $_scs_section_size  }
0x9a: {  	s4 =	simm.s32 $_size__tile_overlayer_lowered;
	s5 =	simm.s32 $_tile_overlayer_lowered  }
0x9b: {  	s22 =	simm.s32 $0x1BFF;
	s21 =	sshll.u32 s5, $0x1;
	s2 =	sadd.s32 s19, s18  }
0x9c: {  	s6 =	simm.s32 $0x0;
	s20 =	sshll.u32 s4, $0x1;
	s4 =	sadd.s32 s21, s2  }
0x9d: {  	[timem:s6], [sflag:s22] =	dma.local [hbm:s4], s20  }
0x9e: {  	_ =	swait.ge [sflag:s22], s20  }
0x9f: {  	s3 =	ssub.s32 $0x0, s20;
	[sflag:s22] =	ssyncset.done $0x0  }
0xa0: {  	[sflag:s22] =	ssyncadd.s32 s3;
	_ =	sdelay $0x1  }
0xa1: {  	s23 =	simm.s32 $0x1B8B  }
0xa2: {  	_ =	swait.ge [sflag:s23], $0x1  }
0xa3: {  	[sflag:s23] =	ssyncset.done $0x0  }
0xa4: {  	s25 =	simm.s32 $0x1B8E;
	s24 =	sld [smem:$0x3FFE];
	[sflag:s23] =	ssyncadd.s32 $0xFFFFFFFF  }
0xa5: {  	s26 =	simm.s32 $execute0_lowered;
	[smem:$0x3FD2] =	sst s25  }
0xa6: {  	s4 =	sshll.u32 s26, $0x1;
	_ =	strace $0x8000004C;
	[dreg:$0x1] =	wrdreg $0xFFFFFFFF  }
0xa7: {  	s28 =	simm.s32 $_size_execute0_lowered;
	s2 =	sadd.s32 s2, s4;
	[dreg:$0x0] =	wrdreg $0x0  }
0xa8: {  	s4 =	sshll.u32 s28, $0x1;
	[dreg:$0x2] =	wrdreg s2  }
0xa9: {  	[dreg:$0x3] =	wrdreg s4  }
0xaa: {  	[dreg:$0x4] =	wrdreg $0xC0  }
0xab: {  	_ =	task [dreg:s6], $0x5FFFF  }
0xac: {  	[dreg:$0x1] =	wrdreg $0xFFFFFFFF  }
0xad: {  	[dreg:$0x0] =	wrdreg $0x60  }
0xae: {  	[dreg:$0x2] =	wrdreg s24  }
0xaf: {  	[dreg:$0x3] =	wrdreg $0x20000  }
0xb0: {  	[dreg:$0x4] =	wrdreg $0x9  }
0xb1: {  	_ =	task.clear_ibuf [dreg:s6], $0x5FFFF;
	_ =	strace $0x9000004C  }
0xb2: {  	s29 =	simm.s32 $0x9;
	_ =	strace $0x8000004E  }
0xb3: {  	_ =	swait.ge [sflag:s29], $0x1  }
0xb4: {  	[sflag:s29] =	ssyncadd.s32 $0xFFFFFFFF  }
0xb5: {  	_ =	strace $0x9000004E  }
0xb6: {  	_ =	sfence  }
0xb7: {  	s30 =	sld [smem:$0x0];
	_ =	sdelay $0x2  }
0xb8: {  	s31 =	sshll.u32 s1, $0xD;
	s1 =	sshrl.u32 s1, $0x2  }
0xb9: {  	s3 =	sand.u32 $0x4000, s31;
	s1 =	sadd.s32 s1, s30  }
0xba: {  	s0 =	sor.u32 s3, s0;
	s1 =	sshll.u32 s1, $0x11  }
0xbb: {  	s0 =	sor.u32 s1, s0  }
0xbc: {  	s0 =	sadd.s32 $0x8F2B, s0  }
0xbd: {  	[sflag:s0] =	ssyncadd.remote.s32 $0x1  }
0xbe: {  	_ =	sfence.sel $0xFFFF  }
0xbf: {  	[dreg:$0x0] =	wrdreg $0xFFFFFFFF;
	(pc) =	sbr.abs _section_cstart, $3  }
0xc0: {  	[dreg:$0x1] =	wrdreg $0xFFFFFFFF  }
0xc1: {  	_ =	task.clear_ibuf [dreg:s6], $0x2FFFF;
	_ =	strace $0x9FFFFFFF  }
0xc2: {  	(tm) =	ssettm $0x7FFFFFFF  }
0xc3: {  	_ =	shalt  }
tec
execute0_lowered:
.L_overlay_start_1:
0x0: {  	(tag) =	ssettag $0x1  }
0x1: {  	s8 =	rddreg [dreg:$0x0]  }
0x2: {  	s1 =	rddreg [dreg:$0x1]  }
0x3: {  	s0 =	rddreg [dreg:$0x2];
	s2 =	simm.s32 $0x0  }
0x4: {  	s5 =	srdreg.scid;
	s11 =	stileid.u32;
	s13 =	simm.s32 $0x1900  }
0x5: {  	s16 =	simm.s32 $0x28F0;
	s17 =	simm.s32 $0x30F0;
	s18 =	simm.s32 $0x38F0  }
0x6: {  	s19 =	simm.s32 $0x40F0;
	s20 =	simm.s32 $0x48F0;
	s21 =	simm.s32 $0x50F0  }
0x7: {  	s22 =	simm.s32 $0x58F0;
	s23 =	simm.s32 $0x1;
	s24 =	simm.s32 $0x0  }
0x8: {  	[smem:$0x7FF] =	sst s2;
	s3 =	sadd.s32 $0x16A00, s8;
	s4 =	sadd.s32 $0x16800, s8  }
0x9: {  	s14 =	sand.u32 $0x1, s5;
	s7 =	sshll.u32 s11, $0x1;
	s5 =	sadd.s32 $0x4800, s8  }
0xa: {  	s6 =	sadd.s32 $0x16C00, s8;
	p0 =	sne.s32 s11, $0x0;
	s11 =	simm.s32 $0x2  }
0xb: {  	_ =	strace $0x8000004D;
	s15 =	sor.u32 s14, s7;
	s7 =	sadd.s32 $0x16E00, s8  }
.Ltmp0:
0xc: {  	s10 =	ssub.s32 $0x2, s14;
	p1 =	sne.s32 s14, $0x0;
	(pc) =	sbr.rel .LBB2_1-.Ltmp0, $4  }
0xd: {  	s14 =	simm.s32 $0x2070;
	s9 =	sshll.u32 s15, $0xB;
	s31 =	sshrl.u32 s10, $0x1  }
0xe: {  	v0 =	vlaneseq.u32;
	s12 =	sshll.u32 s15, $0x6;
	p2 =	sgt.u32 s15, $0x1A;
	s15 =	simm.s32 $0x20F0  }
0xf: {  	vm0 =	vmmov $0xffff;
	v2 =	vshrl.u32 v0, $0x3;
	s9 =	sadd.s32 s9, s8;
	s10 =	ssub.s32 s10, s31;
	s8 =	sadd.s32 s12, s1  }
0x10: {  	v1 =	vand.u32 $0x7, v0;
	v3 =	vor.u32 $0x8, v0;
	v2 =	vmul.u32 $0x8, v2;
	s12 =	simm.s32 $0x1200;
	s9 =	sadd.s32 $0x17000, s9;
	s10 =	smax.u32 s10, $0x1  }
.LBB2_7:
0x11: {  	s24 =	sadd.s32 $0x1, s24  }
0x12: {  	p3 =	sne.s32 s24, s10  }
.Ltmp1:
0x13: {  	_ = 	snop;
	(pc) =	sbr.rel @!p3 .LBB2_8-.Ltmp1, $1  }
0x14: {  	_ =	sdelay $0x3  }
.LBB2_1:
.Ltmp2:
0x15: {  	(pc) =	sbr.rel @p0 .LBB2_5-.Ltmp2, $1  }
0x16: {  	_ =	sdelay $0x3  }
0x17: {  	s26 =	simm.s32 $0x0  }
0x18: {  	[tilespmem:s26], [sflag:$0x2] =	stream.linear.gather [hbm4b:s3+s26], $0x900, $0x38;
	[tilespmem:$0x60F0] =	vst v63  }
0x19: {  	_ =	swait.ge [sflag:s11], $0x900  }
0x1a: {  	[sflag:s11] =	ssyncset.done $0x0  }
0x1b: {  	s25 =	simm.s32 $0x900;
	[sflag:s11] =	ssyncadd.s32 $0xFFFFF700  }
0x1c: {  	[tilespmem:s25], [sflag:$0x2] =	stream.linear.gather [hbm4b:s4+s26], $0x900, $0x38;
	[tilespmem:$0x60F0] =	vst v63  }
0x1d: {  	_ =	swait.ge [sflag:s11], $0x900  }
0x1e: {  	[sflag:s11] =	ssyncset.done $0x0  }
0x1f: {  	[sflag:s11] =	ssyncadd.s32 $0xFFFFF700  }
0x20: {  	v4 =	vld [tilespmem:s26+$0x0];
	_ =	sdelay $0x4  }
0x21: {  	vm1 =	vlt.s32 v4, $0x6C0;
	_ =	sdelay $0x4  }
0x22: {  	v5 =	vor.u32 s26, v0  }
0x23: {  	[tilespmem:v4+s12+$0x0] =	vst.idx.msk vm1, v5  }
0x24: {  	v5 =	vld [tilespmem:s25+$0x0];
	_ =	sdelay $0x4  }
0x25: {  	s26 =	simm.s32 $0x10;
	[tilespmem:v4+s13+$0x0] =	vst.idx.msk vm1, v5  }
0x26: {  	s28 =	simm.s32 $0x20;
	s29 =	simm.s32 $0x10;
	v4 =	vld [tilespmem:s26+$0x0]  }
.LBB2_3:
0x27: {  	p3 =	sne.s32 s28, $0x8F0;
	_ =	sdelay $0x3  }
0x28: {  	vm1 =	vlt.s32 v4, $0x6C0;
	_ =	sdelay $0x4  }
0x29: {  	v5 =	vor.u32 s26, v0;
	s26 =	smov.u32 s28  }
0x2a: {  	s25 =	sadd.s32 $0x10, s25;
	[tilespmem:v4+s12+$0x0] =	vst.idx.msk vm1, v5  }
0x2b: {  	v5 =	vld [tilespmem:s25+$0x0];
	_ =	sdelay $0x1  }
.Ltmp3:
0x2c: {  	(pc) =	sbr.rel @p3 .LBB2_3-.Ltmp3, $3  }
0x2d: {  	_ =	sdelay $0x1  }
0x2e: {  	s29 =	sadd.s32 $0x10, s29;
	[tilespmem:v4+s13+$0x0] =	vst.idx.msk vm1, v5  }
0x2f: {  	s28 =	sadd.s32 $0x10, s28;
	v4 =	vld [tilespmem:s29+$0x0]  }
0x30: {  	_ =	sdelay $0x3  }
0x31: {  	vm1 =	vlt.s32 v4, $0x6C0;
	_ =	sdelay $0x4  }
0x32: {  	v5 =	vor.u32 s26, v0  }
0x33: {  	s25 =	sadd.s32 $0x10, s25;
	[tilespmem:v4+s12+$0x0] =	vst.idx.msk vm1, v5  }
0x34: {  	v5 =	vld [tilespmem:s25+$0x0];
	_ =	sdelay $0x4  }
0x35: {  	[tilespmem:v4+s13+$0x0] =	vst.idx.msk vm1, v5  }
0x36: {  	[spmem:s1] =	stream.linear.scatter [tilespmem:s12], [sflag:$0x2], $0x700, $0x38;
	[tilespmem:$0x60F0] =	vst v63  }
0x37: {  	_ =	swait.ge [sflag:s11], $0x700  }
0x38: {  	[sflag:s11] =	ssyncset.done $0x0  }
0x39: {  	s26 =	simm.s32 @!p1 $0x1200;
	s25 =	simm.s32 @!p1 $0x0;
	[sflag:s11] =	ssyncadd.s32 $0xFFFFF900  }
0x3a: {  	[hbm4b:s6+s25] =	stream.linear.scatter @!p1 [tilespmem:s26], [sflag:$0x2], $0x700, $0x38;
	[tilespmem:$0x60F0] =	vst v63  }
0x3b: {  	s26 =	simm.s32 @!p1 $0x2  }
0x3c: {  	_ =	swait.ge @!p1 [sflag:s26], $0x700  }
0x3d: {  	[sflag:s26] =	ssyncset.done @!p1 $0x0  }
0x3e: {  	s28 =	simm.s32 @!p1 $0x1900;
	[sflag:s26] =	ssyncadd.s32 @!p1 $0xFFFFF900  }
0x3f: {  	[hbm4b:s7+s25] =	stream.linear.scatter @!p1 [tilespmem:s28], [sflag:$0x2], $0x700, $0x38;
	[tilespmem:$0x60F0] =	vst v63  }
0x40: {  	_ =	swait.ge @!p1 [sflag:s26], $0x700  }
0x41: {  	[sflag:s26] =	ssyncset.done @!p1 $0x0  }
0x42: {  	[sflag:s26] =	ssyncadd.s32 @!p1 $0xFFFFF900  }
.LBB2_5:
.Ltmp4:
0x43: {  	(pc) =	sbr.rel @p2 .LBB2_7-.Ltmp4, $2  }
0x44: {  	_ =	sdelay $0x1  }
0x45: {  	[bflag:$0x0] =	sbarrier.arrive $0xFFFF;
	_ =	sdelay $0x1  }
0x46: {  	[tilespmem:s14], [sflag:$0x2] =	stream.linear.gather [spmem:s8], $0x40, $0x38;
	[tilespmem:$0x60F0] =	vst v63  }
0x47: {  	_ =	swait.ge [sflag:s11], $0x40  }
0x48: {  	[sflag:s11] =	ssyncset.done $0x0  }
0x49: {  	[sflag:s11] =	ssyncadd.s32 $0xFFFFFFC0  }
0x4a: {  	v4 =	vld [tilespmem:$0x2070];
	_ =	sdelay $0x4  }
0x4b: {  	v5 =	vshll.u32 v4, $0x1  }
0x4c: {  	v4 =	vand.u32 $0x7, v4;
	v5 =	vand.u32 $0xFFFFFFF0, v5  }
0x4d: {  	v4 =	vor.u32 v4, v5  }
0x4e: {  	v5 =	vperm.xlane v4, v1;
	_ =	sdelay $0x1  }
0x4f: {  	v4 =	vperm.xlane v4, v3;
	v5 =	vadd.s32 v2, v5;
	_ =	sdelay $0x1  }
0x50: {  	v4 =	vadd.s32 v2, v4;
	_ =	sdelay $0x2  }
0x51: {  	[tilespmem:s15], [sflag:$0x1] =	stream.indirect_vreg.gather [hbm4b:s5+s2], $0x80, v5, vm0, $0xb8;
	[tilespmem:$0x60F0] =	vst v63  }
0x52: {  	_ = 	snop  }
0x53: {  	[tilespmem:s16], [sflag:$0x1] =	stream.indirect_vreg.gather [hbm4b:s5+s2], $0x80, v4, vm0, $0xb8;
	[tilespmem:$0x60F0] =	vst v63  }
0x54: {  	v4 =	vld [tilespmem:$0x2080];
	_ =	sdelay $0x4  }
0x55: {  	v5 =	vshll.u32 v4, $0x1  }
0x56: {  	v4 =	vand.u32 $0x7, v4;
	v5 =	vand.u32 $0xFFFFFFF0, v5  }
0x57: {  	v4 =	vor.u32 v4, v5  }
0x58: {  	v5 =	vperm.xlane v4, v1;
	_ =	sdelay $0x1  }
0x59: {  	v4 =	vperm.xlane v4, v3;
	v5 =	vadd.s32 v2, v5;
	_ =	sdelay $0x1  }
0x5a: {  	v4 =	vadd.s32 v2, v4;
	_ =	sdelay $0x2  }
0x5b: {  	[tilespmem:s17], [sflag:$0x1] =	stream.indirect_vreg.gather [hbm4b:s5+s2], $0x80, v5, vm0, $0xb8;
	[tilespmem:$0x60F0] =	vst v63  }
0x5c: {  	_ = 	snop  }
0x5d: {  	[tilespmem:s18], [sflag:$0x1] =	stream.indirect_vreg.gather [hbm4b:s5+s2], $0x80, v4, vm0, $0xb8;
	[tilespmem:$0x60F0] =	vst v63  }
0x5e: {  	v4 =	vld [tilespmem:$0x2090];
	_ =	sdelay $0x4  }
0x5f: {  	v5 =	vshll.u32 v4, $0x1  }
0x60: {  	v4 =	vand.u32 $0x7, v4;
	v5 =	vand.u32 $0xFFFFFFF0, v5  }
0x61: {  	v4 =	vor.u32 v4, v5  }
0x62: {  	v5 =	vperm.xlane v4, v1;
	_ =	sdelay $0x1  }
0x63: {  	v4 =	vperm.xlane v4, v3;
	v5 =	vadd.s32 v2, v5;
	_ =	sdelay $0x1  }
0x64: {  	v4 =	vadd.s32 v2, v4;
	_ =	sdelay $0x2  }
0x65: {  	[tilespmem:s19], [sflag:$0x1] =	stream.indirect_vreg.gather [hbm4b:s5+s2], $0x80, v5, vm0, $0xb8;
	[tilespmem:$0x60F0] =	vst v63  }
0x66: {  	_ = 	snop  }
0x67: {  	[tilespmem:s20], [sflag:$0x1] =	stream.indirect_vreg.gather [hbm4b:s5+s2], $0x80, v4, vm0, $0xb8;
	[tilespmem:$0x60F0] =	vst v63  }
0x68: {  	v4 =	vld [tilespmem:$0x20A0];
	_ =	sdelay $0x4  }
0x69: {  	v5 =	vshll.u32 v4, $0x1  }
0x6a: {  	v4 =	vand.u32 $0x7, v4;
	v5 =	vand.u32 $0xFFFFFFF0, v5  }
0x6b: {  	v4 =	vor.u32 v4, v5  }
0x6c: {  	v5 =	vperm.xlane v4, v1;
	_ =	sdelay $0x1  }
0x6d: {  	v4 =	vperm.xlane v4, v3;
	v5 =	vadd.s32 v2, v5;
	_ =	sdelay $0x1  }
0x6e: {  	v4 =	vadd.s32 v2, v4;
	_ =	sdelay $0x2  }
0x6f: {  	[tilespmem:s21], [sflag:$0x1] =	stream.indirect_vreg.gather [hbm4b:s5+s2], $0x80, v5, vm0, $0xb8;
	[tilespmem:$0x60F0] =	vst v63  }
0x70: {  	_ = 	snop  }
0x71: {  	[tilespmem:s22], [sflag:$0x1] =	stream.indirect_vreg.gather [hbm4b:s5+s2], $0x80, v4, vm0, $0xb8;
	[tilespmem:$0x60F0] =	vst v63  }
0x72: {  	_ =	swait.ge [sflag:s23], $0x4000  }
0x73: {  	[sflag:s23] =	ssyncset.done $0x0  }
.Ltmp5:
0x74: {  	[sflag:s23] =	ssyncadd.s32 $0xFFFFC000;
	(pc) =	sbr.rel .LBB2_7-.Ltmp5, $4  }
0x75: {  	[hbm4b:s9+s2] =	stream.linear.scatter [tilespmem:s15], [sflag:$0x2], $0x4000, $0x38;
	[tilespmem:$0x60F0] =	vst v63  }
0x76: {  	_ =	swait.ge [sflag:s11], $0x4000  }
0x77: {  	[sflag:s11] =	ssyncset.done $0x0  }
0x78: {  	[sflag:s11] =	ssyncadd.s32 $0xFFFFC000  }
.LBB2_8:
0x79: {  	_ =	sfence.sel $0x180000  }
0x7a: {  	[bflag:$0x0] =	sbarrier.arrive $0xFFFF  }
0x7b: {  	_ =	strace $0x9000004D  }
0x7c: {  	s0 =	sadd.s32 @!p0 $0x100000, s0;
	[bflag:$0x2] =	sbarrier.arrive $0xFFFF  }
0x7d: {  	[sflag:s0] =	ssyncadd.tile.s32 @!p0 $0x1;
	_ =	shalt  }
.Lfunc_end2:
_tile_overlayer_lowered:
.L_overlay_start_2:
0x7e: {  	(tag) =	ssettag $0x2  }
0x7f: {  	s0 =	rddreg [dreg:$0x0];
	s2 =	stileid.u32  }
0x80: {  	s1 =	rddreg [dreg:$0x1];
	p0 =	sne.s32 s2, $0x0  }
0x81: {  	s3 =	rddreg [dreg:$0x2];
	[bflag:$0x3] =	sbarrier.arrive $0xFFFF;
	s2 =	simm.s32 @!p0 $0x1C02  }
0x82: {  	[timem:s3], [sflag:s2] =	dma.local @!p0 [hbm:s0], s1  }
0x83: {  	s0 =	simm.s32 @!p0 $0x2  }
0x84: {  	_ =	swait.ge @!p0 [sflag:s0], s1  }
0x85: {  	s1 =	ssub.s32 @!p0 $0x0, s1;
	[sflag:s0] =	ssyncset.done @!p0 $0x0  }
0x86: {  	[sflag:s0] =	ssyncadd.s32 @!p0 s1  }
0x87: {  	[bflag:$0x3] =	sbarrier.arrive $0xFFFF  }
0x88: {  	_ =	shalt  }

</sc_bundles>
